<compile_context>
chip_gen: v7x
topology: tpu7x:2x2x1
jax: 0.10.2.dev20260603
libtpu: 0.0.44.dev20260713+nightly
codegen_flags: <defaults>
</compile_context>

<pallas_src>
import functools

import jax
import jax.numpy as jnp
from jax import lax
from jax.experimental import pallas as pl
from jax.experimental.pallas import tpu as pltpu, tpu_sc as plsc

N = 10000
D = 256
E = 160000

NPAD = 10240
NS = 16
L = 16
EPAD = 163840
ECORE = EPAD // 2
EPT = ECORE // NS
G = 128
NCH = EPT // G
TPW = NPAD // NS
BR6 = 256
NB6 = NPAD // BR6
BR8 = 256
NB8 = NPAD // BR8

_SLOPE = 0.01


def _mesh():
    return plsc.VectorSubcoreMesh(core_axis_name="c", subcore_axis_name="s")


def _rsqrt16(x):
    i = plsc.bitcast(x, jnp.int32)
    i = jnp.int32(0x5F3759DF) - lax.shift_right_logical(i, 1)
    y = plsc.bitcast(i, jnp.float32)
    for _ in range(3):
        y = y * (1.5 - 0.5 * x * y * y)
    return y


def _k1_call(src, dst):
    @functools.partial(
        pl.kernel,
        out_type=(
            jax.ShapeDtypeStruct((2 * NPAD,), jnp.float32),
            jax.ShapeDtypeStruct((2 * NPAD,), jnp.float32),
        ),
        mesh=_mesh(),
        compiler_params=pltpu.CompilerParams(needs_layout_passes=False),
        scratch_types=[
            pltpu.VMEM((EPT,), jnp.int32),
            pltpu.VMEM((EPT,), jnp.int32),
            pltpu.VMEM((G,), jnp.float32),
            pltpu.VMEM((TPW,), jnp.float32),
            pltpu.VMEM_SHARED((NPAD,), jnp.float32),
            pltpu.VMEM_SHARED((NPAD,), jnp.float32),
        ],
    )
    def k1(src_hbm, dst_hbm, do_hbm, di_hbm,
           src_v, dst_v, ones_v, z_v, dego_sh, degi_sh):
        cid = lax.axis_index("c")
        sid = lax.axis_index("s")
        eoff = cid * ECORE + sid * EPT

        pltpu.sync_copy(src_hbm.at[pl.ds(eoff, EPT)], src_v)
        pltpu.sync_copy(dst_hbm.at[pl.ds(eoff, EPT)], dst_v)

        for i in range(G // L):
            ones_v[pl.ds(i * L, L)] = jnp.full((L,), 1.0, jnp.float32)

        def zb(i, _):
            z_v[pl.ds(i * L, L)] = jnp.full((L,), 0.0, jnp.float32)
            return 0

        lax.fori_loop(0, TPW // L, zb, 0)
        tsl = pl.ds(sid * TPW, TPW)
        pltpu.sync_copy(z_v, dego_sh.at[tsl])
        pltpu.sync_copy(z_v, degi_sh.at[tsl])
        plsc.subcore_barrier()

        def chunk(j, _):
            g = pl.ds(j * G, G)
            pltpu.sync_copy(ones_v, dego_sh.at[src_v.at[g]], add=True)
            pltpu.sync_copy(ones_v, degi_sh.at[dst_v.at[g]], add=True)
            return 0

        lax.fori_loop(0, NCH, chunk, 0)
        plsc.subcore_barrier()

        osl = pl.ds(cid * NPAD + sid * TPW, TPW)
        pltpu.sync_copy(dego_sh.at[tsl], z_v)
        pltpu.sync_copy(z_v, do_hbm.at[osl])
        pltpu.sync_copy(degi_sh.at[tsl], z_v)
        pltpu.sync_copy(z_v, di_hbm.at[osl])

    return k1(src, dst)


def _k3_call(src, dst, dego_p, weight_pad):
    @functools.partial(
        pl.kernel,
        out_type=jax.ShapeDtypeStruct((2 * NPAD,), jnp.float32),
        mesh=_mesh(),
        compiler_params=pltpu.CompilerParams(needs_layout_passes=False),
        scratch_types=[
            pltpu.VMEM((EPT,), jnp.int32),
            pltpu.VMEM((EPT,), jnp.int32),
            pltpu.VMEM((TPW,), jnp.float32),
            pltpu.VMEM((TPW,), jnp.float32),
            pltpu.VMEM((G,), jnp.float32),
            pltpu.VMEM_SHARED((NPAD,), jnp.float32),
            pltpu.VMEM_SHARED((NPAD,), jnp.float32),
            pltpu.SemaphoreType.DMA,
        ],
    )
    def k3(src_hbm, dst_hbm, do_hbm, w_hbm, u_hbm,
           src_v, dst_v, b1_v, b2_v, va_v, nwt_sh, u_sh, sem1):
        cid = lax.axis_index("c")
        sid = lax.axis_index("s")
        eoff = cid * ECORE + sid * EPT

        pltpu.sync_copy(src_hbm.at[pl.ds(eoff, EPT)], src_v)
        pltpu.sync_copy(dst_hbm.at[pl.ds(eoff, EPT)], dst_v)

        tsl = pl.ds(sid * TPW, TPW)
        pltpu.sync_copy(do_hbm.at[pl.ds(sid * TPW, TPW)], b1_v)
        pltpu.sync_copy(do_hbm.at[pl.ds(NPAD + sid * TPW, TPW)], b2_v)

        def nob(i, _):
            sl = pl.ds(i * L, L)
            b1_v[sl] = _rsqrt16(b1_v[sl] + b2_v[sl] + 1.0)
            return 0

        lax.fori_loop(0, TPW // L, nob, 0)
        pltpu.sync_copy(w_hbm.at[pl.ds(sid * TPW, TPW)], b2_v)

        def nwb(i, _):
            sl = pl.ds(i * L, L)
            b1_v[sl] = b1_v[sl] * b2_v[sl]
            b2_v[sl] = jnp.full((L,), 0.0, jnp.float32)
            return 0

        lax.fori_loop(0, TPW // L, nwb, 0)
        pltpu.sync_copy(b1_v, nwt_sh.at[tsl])
        pltpu.sync_copy(b2_v, u_sh.at[tsl])
        plsc.subcore_barrier()

        def chunk(j, _):
            g = pl.ds(j * G, G)
            pltpu.async_copy(nwt_sh.at[src_v.at[g]], va_v, sem1).wait()
            pltpu.sync_copy(va_v, u_sh.at[dst_v.at[g]], add=True)
            return 0

        lax.fori_loop(0, NCH, chunk, 0)
        plsc.subcore_barrier()

        pltpu.sync_copy(u_sh.at[tsl], b1_v)
        pltpu.sync_copy(b1_v, u_hbm.at[pl.ds(cid * NPAD + sid * TPW, TPW)])

    return k3(src, dst, dego_p, weight_pad)


def _k4_call(u_p2, do_p2, di_p2, w2, W_lin, W0, W1, W2, Wp, b22, bp2):
    def body(u_ref, do_ref, di_ref, w_ref, wl_ref, w0_ref, w1_ref,
             w2_ref, wp_ref, b2_ref, bp_ref,
             tab_ref, pmw_ref, w2p_ref, c0_ref):
        do = do_ref[...]
        di = di_ref[...]
        u = u_ref[...]
        no = lax.rsqrt(do[0:1, :] + do[1:2, :] + 1.0)
        ni = lax.rsqrt(di[0:1, :] + di[1:2, :] + 1.0)
        au = ni * (u[0:1, :] + u[1:2, :] + no * w_ref[...])
        noau = no * au
        a = jnp.where(au >= 0, noau, 0.0)
        tab_ref[...] = jnp.concatenate([a, noau - a], axis=0)

        r1 = jnp.dot(wl_ref[...], w0_ref[...],
                     preferred_element_type=jnp.float32)
        p = jnp.where(r1 >= 0, r1, _SLOPE * r1)
        mm = jnp.where(r1 < 0, r1, _SLOPE * r1)
        pm = jnp.concatenate([p, mm], axis=0)
        pmw_ref[...] = jnp.dot(pm, w1_ref[...],
                               preferred_element_type=jnp.float32)
        w2p = jnp.dot(w2_ref[...], wp_ref[...],
                      preferred_element_type=jnp.float32)
        w2p_ref[...] = w2p
        c0 = (jnp.dot(b2_ref[...], wp_ref[...],
                      preferred_element_type=jnp.float32)[0, 0]
              + bp_ref[0, 0])
        c0_ref[...] = jnp.full((1, L), c0, jnp.float32)

    full = lambda s: pl.BlockSpec(s, lambda i: (0, 0))
    return pl.pallas_call(
        body,
        grid=(1,),
        in_specs=[full((2, NPAD)), full((2, NPAD)), full((2, NPAD)),
                  full((1, NPAD)), full((1, D)), full((D, D)), full((D, D)),
                  full((D, D)), full((D, 1)), full((1, D)), full((1, 1))],
        out_specs=[full((2, NPAD)), full((2, D)), full((D, 1)),
                   full((1, L))],
        out_shape=[jax.ShapeDtypeStruct((2, NPAD), jnp.float32),
                   jax.ShapeDtypeStruct((2, D), jnp.float32),
                   jax.ShapeDtypeStruct((D, 1), jnp.float32),
                   jax.ShapeDtypeStruct((1, L), jnp.float32)],
    )(u_p2, do_p2, di_p2, w2, W_lin, W0, W1, W2, Wp, b22, bp2)


def _k5_call(tab_flat, src, dst):
    @functools.partial(
        pl.kernel,
        out_type=jax.ShapeDtypeStruct((4 * NPAD,), jnp.float32),
        mesh=_mesh(),
        compiler_params=pltpu.CompilerParams(needs_layout_passes=False),
        scratch_types=[
            pltpu.VMEM((EPT,), jnp.int32),
            pltpu.VMEM((EPT,), jnp.int32),
            pltpu.VMEM((G,), jnp.float32),
            pltpu.VMEM((G,), jnp.float32),
            pltpu.VMEM((TPW,), jnp.float32),
            pltpu.VMEM_SHARED((NPAD,), jnp.float32),
            pltpu.VMEM_SHARED((NPAD,), jnp.float32),
            pltpu.VMEM_SHARED((NPAD,), jnp.float32),
            pltpu.VMEM_SHARED((NPAD,), jnp.float32),
            pltpu.SemaphoreType.DMA,
            pltpu.SemaphoreType.DMA,
        ],
    )
    def k5(tab_hbm, src_hbm, dst_hbm, ab_hbm,
           src_v, dst_v, va_v, vb_v, stage_v,
           ta_sh, tb_sh, aa_sh, ab_sh, sem1, sem2):
        cid = lax.axis_index("c")
        sid = lax.axis_index("s")
        eoff = cid * ECORE + sid * EPT

        pltpu.sync_copy(src_hbm.at[pl.ds(eoff, EPT)], src_v)
        pltpu.sync_copy(dst_hbm.at[pl.ds(eoff, EPT)], dst_v)

        tsl = pl.ds(sid * TPW, TPW)
        pltpu.sync_copy(tab_hbm.at[pl.ds(sid * TPW, TPW)], stage_v)
        pltpu.sync_copy(stage_v, ta_sh.at[tsl])
        pltpu.sync_copy(tab_hbm.at[pl.ds(NPAD + sid * TPW, TPW)], stage_v)
        pltpu.sync_copy(stage_v, tb_sh.at[tsl])

        def zb(i, _):
            stage_v[pl.ds(i * L, L)] = jnp.full((L,), 0.0, jnp.float32)
            return 0

        lax.fori_loop(0, TPW // L, zb, 0)
        pltpu.sync_copy(stage_v, aa_sh.at[tsl])
        pltpu.sync_copy(stage_v, ab_sh.at[tsl])
        plsc.subcore_barrier()

        def chunk(j, _):
            g = pl.ds(j * G, G)
            pltpu.async_copy(ta_sh.at[src_v.at[g]], va_v, sem1).wait()
            pltpu.sync_copy(va_v, aa_sh.at[dst_v.at[g]], add=True)
            pltpu.async_copy(tb_sh.at[src_v.at[g]], vb_v, sem2).wait()
            pltpu.sync_copy(vb_v, ab_sh.at[dst_v.at[g]], add=True)
            return 0

        lax.fori_loop(0, NCH, chunk, 0)
        plsc.subcore_barrier()

        pltpu.sync_copy(aa_sh.at[tsl], stage_v)
        pltpu.sync_copy(
            stage_v, ab_hbm.at[pl.ds(cid * NPAD + sid * TPW, TPW)])
        pltpu.sync_copy(ab_sh.at[tsl], stage_v)
        pltpu.sync_copy(
            stage_v,
            ab_hbm.at[pl.ds(2 * NPAD + cid * NPAD + sid * TPW, TPW)])

    return k5(tab_flat, src, dst)


def _k6_call(ab_p2, tab_f2, do_p2, di_p2, pmw, w2p, b12):
    def body(a0_ref, a1_ref, b0_ref, b1p_ref, ta_ref, tb_ref,
             do0_ref, do1_ref, di0_ref, di1_ref,
             pmw_ref, w2p_ref, b1_ref, t_ref):
        no = lax.rsqrt(do0_ref[...] + do1_ref[...] + 1.0)
        ni = lax.rsqrt(di0_ref[...] + di1_ref[...] + 1.0)
        pm = pmw_ref[...]
        alpha = ni * (a0_ref[...] + a1_ref[...] + ta_ref[...])
        beta = ni * (b0_ref[...] + b1p_ref[...] + tb_ref[...])
        h1 = alpha * pm[0:1, :] + beta * pm[1:2, :] + b1_ref[...]
        g1 = jnp.where(h1 >= 0, h1, _SLOPE * h1)
        q = jnp.dot(g1, w2p_ref[...], preferred_element_type=jnp.float32)
        t_ref[...] = no * q

    vec0 = pl.BlockSpec((BR6, 1), lambda i: (i, 0))
    vec1 = pl.BlockSpec((BR6, 1), lambda i: (NB6 + i, 0))
    vec2 = pl.BlockSpec((BR6, 1), lambda i: (2 * NB6 + i, 0))
    vec3 = pl.BlockSpec((BR6, 1), lambda i: (3 * NB6 + i, 0))
    full = lambda s: pl.BlockSpec(s, lambda i: (0, 0))
    return pl.pallas_call(
        body,
        grid=(NB6,),
        in_specs=[vec0, vec1, vec2, vec3, vec0, vec1,
                  vec0, vec1, vec0, vec1,
                  full((2, D)), full((D, 1)), full((1, D))],
        out_specs=vec0,
        out_shape=jax.ShapeDtypeStruct((NPAD, 1), jnp.float32),
    )(ab_p2, ab_p2, ab_p2, ab_p2, tab_f2, tab_f2,
      do_p2, do_p2, di_p2, di_p2, pmw, w2p, b12)


def _k7_call(t, src, dst):
    @functools.partial(
        pl.kernel,
        out_type=jax.ShapeDtypeStruct((2 * NPAD,), jnp.float32),
        mesh=_mesh(),
        compiler_params=pltpu.CompilerParams(needs_layout_passes=False),
        scratch_types=[
            pltpu.VMEM((EPT,), jnp.int32),
            pltpu.VMEM((EPT,), jnp.int32),
            pltpu.VMEM((G,), jnp.float32),
            pltpu.VMEM((TPW,), jnp.float32),
            pltpu.VMEM_SHARED((NPAD,), jnp.float32),
            pltpu.VMEM_SHARED((NPAD,), jnp.float32),
            pltpu.SemaphoreType.DMA,
        ],
    )
    def k7(t_hbm, src_hbm, dst_hbm, s_hbm,
           src_v, dst_v, va_v, stage_v, tt_sh, sacc_sh, sem1):
        cid = lax.axis_index("c")
        sid = lax.axis_index("s")
        eoff = cid * ECORE + sid * EPT

        pltpu.sync_copy(src_hbm.at[pl.ds(eoff, EPT)], src_v)
        pltpu.sync_copy(dst_hbm.at[pl.ds(eoff, EPT)], dst_v)

        tsl = pl.ds(sid * TPW, TPW)
        pltpu.sync_copy(t_hbm.at[tsl], stage_v)
        pltpu.sync_copy(stage_v, tt_sh.at[tsl])

        def zb(i, _):
            stage_v[pl.ds(i * L, L)] = jnp.full((L,), 0.0, jnp.float32)
            return 0

        lax.fori_loop(0, TPW // L, zb, 0)
        pltpu.sync_copy(stage_v, sacc_sh.at[tsl])
        plsc.subcore_barrier()

        def chunk(j, _):
            g = pl.ds(j * G, G)
            pltpu.async_copy(tt_sh.at[src_v.at[g]], va_v, sem1).wait()
            pltpu.sync_copy(va_v, sacc_sh.at[dst_v.at[g]], add=True)
            return 0

        lax.fori_loop(0, NCH, chunk, 0)
        plsc.subcore_barrier()

        pltpu.sync_copy(sacc_sh.at[tsl], stage_v)
        pltpu.sync_copy(stage_v, s_hbm.at[pl.ds(cid * NPAD + sid * TPW, TPW)])

    return k7(t, src, dst)


def _k8_call(s_p2, t2, di_p2, c0b):
    def body(s0_ref, s1_ref, t_ref, di0_ref, di1_ref, c0_ref, out_ref):
        ni = lax.rsqrt(di0_ref[...] + di1_ref[...] + 1.0)
        out_ref[...] = ni * (s0_ref[...] + s1_ref[...] + t_ref[...]) \
            + c0_ref[0, 0]

    vec0 = pl.BlockSpec((BR8, 1), lambda i: (i, 0))
    vec1 = pl.BlockSpec((BR8, 1), lambda i: (NB8 + i, 0))
    return pl.pallas_call(
        body,
        grid=(NB8,),
        in_specs=[vec0, vec1, vec0, vec0, vec1,
                  pl.BlockSpec((1, L), lambda i: (0, 0))],
        out_specs=vec0,
        out_shape=jax.ShapeDtypeStruct((NPAD, 1), jnp.float32),
    )(s_p2, s_p2, t2, di_p2, di_p2, c0b)


def kernel(weight, edge_index, W_lin, b_lin, W0, b0, W1, b1, W2, b2, Wp, bp):
    epad = jnp.full((EPAD - E,), NPAD - 1, edge_index.dtype)
    src = jnp.concatenate([edge_index[0], epad])
    dst = jnp.concatenate([edge_index[1], epad])
    weight_pad = jnp.pad(weight, (0, NPAD - N))

    dego_p, degi_p = _k1_call(src, dst)
    u_p = _k3_call(src, dst, dego_p, weight_pad)

    tabT, pmw, w2p, c0b = _k4_call(
        u_p.reshape(2, NPAD), dego_p.reshape(2, NPAD),
        degi_p.reshape(2, NPAD), weight_pad.reshape(1, NPAD),
        W_lin, W0, W1, W2, Wp, b2.reshape(1, D), bp.reshape(1, 1))
    tab_flat = tabT.reshape(2 * NPAD)

    ab_p = _k5_call(tab_flat, src, dst)

    to2 = lambda a: a.reshape(-1, 1)
    t2 = _k6_call(to2(ab_p), to2(tab_flat), to2(dego_p), to2(degi_p),
                  pmw, w2p, b1.reshape(1, D))
    s_p = _k7_call(t2.reshape(NPAD), src, dst)
    logits2 = _k8_call(to2(s_p), t2, to2(degi_p), c0b)
    return logits2[:N]

# --- scband reference (transcript-rebuilt; emitter-appended) ---
"""Pipeline reference for scband-gcnmodel-85916525789237 (READ-ONLY COPY).

The authoritative reference and input builder live on the scoring server;
editing this copy changes nothing except your own understanding.
"""

import jax, jax.numpy as jnp
import numpy as np

N = 10000
D = 256
E = 160000


def _gcn_layer(h, src, dst, n, W, b):
    # DGL GraphConv with norm='both':
    #   h_src = h * out_deg^{-1/2}; aggregate sum over incoming edges; rst *= in_deg^{-1/2}; rst @ W + b
    ones = jnp.ones((src.shape[0],), h.dtype)
    deg_out = jnp.zeros((n,), h.dtype).at[src].add(ones)
    deg_in = jnp.zeros((n,), h.dtype).at[dst].add(ones)
    norm_out = jnp.power(jnp.clip(deg_out, 1.0), -0.5)
    norm_in = jnp.power(jnp.clip(deg_in, 1.0), -0.5)
    hs = h * norm_out[:, None]
    msg = hs[src]
    agg = jnp.zeros_like(h).at[dst].add(msg)
    agg = agg * norm_in[:, None]
    return agg @ W + b


def _forward(weight, edge_index, W_lin, b_lin, W0, b0, W1, b1, W2, b2, Wp, bp):
    # linear lift: [N] -> [N, 1] -> [N, D]
    feats = weight[:, None] @ W_lin + b_lin
    src0 = edge_index[0]
    dst0 = edge_index[1]
    # dgl.add_self_loop
    loop = jnp.arange(N, dtype=src0.dtype)
    src = jnp.concatenate([src0, loop])
    dst = jnp.concatenate([dst0, loop])
    h = _gcn_layer(feats, src, dst, N, W0, b0)
    for (W, b) in ((W1, b1), (W2, b2)):
        h = jax.nn.leaky_relu(h, negative_slope=0.01)
        h = _gcn_layer(h, src, dst, N, W, b)
    logits = h @ Wp + bp
    return logits


def setup_inputs(seed: int = 0):
    key = jax.random.key(seed)
    ks = jax.random.split(key, 12)
    weight = jax.random.normal(ks[0], (N,), jnp.float32)
    edge_index = jax.random.randint(ks[1], (2, E), 0, N, dtype=jnp.int32)
    s = 1.0 / np.sqrt(D)
    W_lin = jax.random.normal(ks[2], (1, D), jnp.float32)
    b_lin = jnp.zeros((D,), jnp.float32)
    W0 = jax.random.normal(ks[3], (D, D), jnp.float32) * s
    b0 = jnp.zeros((D,), jnp.float32)
    W1 = jax.random.normal(ks[4], (D, D), jnp.float32) * s
    b1 = jnp.zeros((D,), jnp.float32)
    W2 = jax.random.normal(ks[5], (D, D), jnp.float32) * s
    b2 = jnp.zeros((D,), jnp.float32)
    Wp = jax.random.normal(ks[6], (D, 1), jnp.float32) * s
    bp = jnp.zeros((1,), jnp.float32)
    return {"weight": weight, "edge_index": edge_index, "W_lin": W_lin, "b_lin": b_lin,
            "W0": W0, "b0": b0, "W1": W1, "b1": b1, "W2": W2, "b2": b2, "Wp": Wp, "bp": bp}


def reference(weight, edge_index, W_lin, b_lin, W0, b0, W1, b1, W2, b2, Wp, bp):
    return _forward(weight, edge_index, W_lin, b_lin, W0, b0, W1, b1, W2, b2, Wp, bp)

if __name__ == "__main__":
    import jax
    _d = setup_inputs()
    print(jax.jit(kernel)(*tuple(_d.values())))

</pallas_src>

<mosaic_0001>
#map = affine_map<(d0, d1) -> (0)>
module attributes {stable_mosaic.version = 14 : i64} {
  func.func @k7(%arg0: i32, %arg1: i32, %arg2: memref<10240xf32, #tpu.memory_space<hbm>>, %arg3: memref<163840xi32, #tpu.memory_space<hbm>>, %arg4: memref<163840xi32, #tpu.memory_space<hbm>>, %arg5: memref<20480xf32, #tpu.memory_space<hbm>>, %arg6: memref<5120xi32, #tpu.memory_space<vmem>>, %arg7: memref<5120xi32, #tpu.memory_space<vmem>>, %arg8: memref<128xf32, #tpu.memory_space<vmem>>, %arg9: memref<640xf32, #tpu.memory_space<vmem>>, %arg10: memref<10240xf32, #tpu.memory_space<vmem_shared>>, %arg11: memref<10240xf32, #tpu.memory_space<vmem_shared>>, %arg12: memref<!tpu.dma_semaphore, #tpu.memory_space<semaphore_mem>>) attributes {dimension_semantics = [#tpu.dimension_semantics<core_parallel>, #tpu.dimension_semantics<subcore_parallel>], iteration_bounds = array<i64: 2, 16>, scalar_prefetch = 0 : i64, scratch_operands = 7 : i64, tpu.core_type = #tpu.core_type<sc_vector_subcore>, window_params = [{transform_indices = #map}, {transform_indices = #map}, {transform_indices = #map}, {transform_indices = #map}]} {
    %mul3A = arith.constant 81920 : i32
    %mul3A_0 = arith.muli %arg0, %mul3A : i32
    %mul3A_1 = arith.constant 5120 : i32
    %mul3A_2 = arith.muli %arg1, %mul3A_1 : i32
    %add3A = arith.addi %mul3A_0, %mul3A_2 : i32
    "tpu.region"() ({
      %run_scoped3A = tpu.sem_alloc : memref<!tpu.dma_semaphore, #tpu.memory_space<semaphore_mem>>
      %dma_start3A = tpu.memref_slice %arg3[%add3A] : memref<163840xi32, #tpu.memory_space<hbm>> -> memref<5120xi32, #tpu.memory_space<hbm>>
      %dma_start3A_24 = tpu.memref_slice %arg3[%add3A] : memref<163840xi32, #tpu.memory_space<hbm>> -> memref<5120xi32, #tpu.memory_space<hbm>>
      tpu.enqueue_dma source(%dma_start3A_24 : memref<5120xi32, #tpu.memory_space<hbm>>) target(%arg6 : memref<5120xi32, #tpu.memory_space<vmem>>) target_semaphore(%run_scoped3A : memref<!tpu.dma_semaphore, #tpu.memory_space<semaphore_mem>>)
      %dma_wait3A = tpu.memref_slice %arg3[%add3A] : memref<163840xi32, #tpu.memory_space<hbm>> -> memref<5120xi32, #tpu.memory_space<hbm>>
      %dma_wait3A_25 = tpu.memref_slice %arg3[%add3A] : memref<163840xi32, #tpu.memory_space<hbm>> -> memref<5120xi32, #tpu.memory_space<hbm>>
      tpu.wait_dma2 semaphore(%run_scoped3A : memref<!tpu.dma_semaphore, #tpu.memory_space<semaphore_mem>>) src(%dma_wait3A_25 : memref<5120xi32, #tpu.memory_space<hbm>>) dst(%arg6 : memref<5120xi32, #tpu.memory_space<vmem>>)
      tpu.yield
    }) : () -> ()
    "tpu.region"() ({
      %run_scoped3A = tpu.sem_alloc : memref<!tpu.dma_semaphore, #tpu.memory_space<semaphore_mem>>
      %dma_start3A = tpu.memref_slice %arg4[%add3A] : memref<163840xi32, #tpu.memory_space<hbm>> -> memref<5120xi32, #tpu.memory_space<hbm>>
      %dma_start3A_24 = tpu.memref_slice %arg4[%add3A] : memref<163840xi32, #tpu.memory_space<hbm>> -> memref<5120xi32, #tpu.memory_space<hbm>>
      tpu.enqueue_dma source(%dma_start3A_24 : memref<5120xi32, #tpu.memory_space<hbm>>) target(%arg7 : memref<5120xi32, #tpu.memory_space<vmem>>) target_semaphore(%run_scoped3A : memref<!tpu.dma_semaphore, #tpu.memory_space<semaphore_mem>>)
      %dma_wait3A = tpu.memref_slice %arg4[%add3A] : memref<163840xi32, #tpu.memory_space<hbm>> -> memref<5120xi32, #tpu.memory_space<hbm>>
      %dma_wait3A_25 = tpu.memref_slice %arg4[%add3A] : memref<163840xi32, #tpu.memory_space<hbm>> -> memref<5120xi32, #tpu.memory_space<hbm>>
      tpu.wait_dma2 semaphore(%run_scoped3A : memref<!tpu.dma_semaphore, #tpu.memory_space<semaphore_mem>>) src(%dma_wait3A_25 : memref<5120xi32, #tpu.memory_space<hbm>>) dst(%arg7 : memref<5120xi32, #tpu.memory_space<vmem>>)
      tpu.yield
    }) : () -> ()
    %mul3A_3 = arith.constant 640 : i32
    %mul3A_4 = arith.muli %arg1, %mul3A_3 : i32
    "tpu.region"() ({
      %run_scoped3A = tpu.sem_alloc : memref<!tpu.dma_semaphore, #tpu.memory_space<semaphore_mem>>
      %dma_start3A = tpu.memref_slice %arg2[%mul3A_4] : memref<10240xf32, #tpu.memory_space<hbm>> -> memref<640xf32, #tpu.memory_space<hbm>>
      %dma_start3A_24 = tpu.memref_slice %arg2[%mul3A_4] : memref<10240xf32, #tpu.memory_space<hbm>> -> memref<640xf32, #tpu.memory_space<hbm>>
      tpu.enqueue_dma source(%dma_start3A_24 : memref<640xf32, #tpu.memory_space<hbm>>) target(%arg9 : memref<640xf32, #tpu.memory_space<vmem>>) target_semaphore(%run_scoped3A : memref<!tpu.dma_semaphore, #tpu.memory_space<semaphore_mem>>)
      %dma_wait3A = tpu.memref_slice %arg2[%mul3A_4] : memref<10240xf32, #tpu.memory_space<hbm>> -> memref<640xf32, #tpu.memory_space<hbm>>
      %dma_wait3A_25 = tpu.memref_slice %arg2[%mul3A_4] : memref<10240xf32, #tpu.memory_space<hbm>> -> memref<640xf32, #tpu.memory_space<hbm>>
      tpu.wait_dma2 semaphore(%run_scoped3A : memref<!tpu.dma_semaphore, #tpu.memory_space<semaphore_mem>>) src(%dma_wait3A_25 : memref<640xf32, #tpu.memory_space<hbm>>) dst(%arg9 : memref<640xf32, #tpu.memory_space<vmem>>)
      tpu.yield
    }) : () -> ()
    "tpu.region"() ({
      %run_scoped3A = tpu.sem_alloc : memref<!tpu.dma_semaphore, #tpu.memory_space<semaphore_mem>>
      %dma_start3A = tpu.memref_slice %arg10[%mul3A_4] : memref<10240xf32, #tpu.memory_space<vmem_shared>> -> memref<640xf32, #tpu.memory_space<vmem_shared>>
      %dma_start3A_24 = tpu.memref_slice %arg10[%mul3A_4] : memref<10240xf32, #tpu.memory_space<vmem_shared>> -> memref<640xf32, #tpu.memory_space<vmem_shared>>
      tpu.enqueue_dma source(%arg9 : memref<640xf32, #tpu.memory_space<vmem>>) target(%dma_start3A_24 : memref<640xf32, #tpu.memory_space<vmem_shared>>) target_semaphore(%run_scoped3A : memref<!tpu.dma_semaphore, #tpu.memory_space<semaphore_mem>>)
      %dma_wait3A = tpu.memref_slice %arg10[%mul3A_4] : memref<10240xf32, #tpu.memory_space<vmem_shared>> -> memref<640xf32, #tpu.memory_space<vmem_shared>>
      %dma_wait3A_25 = tpu.memref_slice %arg10[%mul3A_4] : memref<10240xf32, #tpu.memory_space<vmem_shared>> -> memref<640xf32, #tpu.memory_space<vmem_shared>>
      tpu.wait_dma2 semaphore(%run_scoped3A : memref<!tpu.dma_semaphore, #tpu.memory_space<semaphore_mem>>) src(%arg9 : memref<640xf32, #tpu.memory_space<vmem>>) dst(%dma_wait3A_25 : memref<640xf32, #tpu.memory_space<vmem_shared>>)
      tpu.yield
    }) : () -> ()
    %scan3A = arith.constant 0 : i32
    %scan3A_5 = arith.constant 0 : i32
    %scan3A_6 = arith.constant 40 : i32
    %scan3A_7 = arith.addi %scan3A_5, %scan3A_6 : i32
    %scan3A_8 = arith.constant 1 : i32
    %scan3A_9 = scf.for %scan3A_24 = %scan3A_5 to %scan3A_7 step %scan3A_8 iter_args(%scan3A_25 = %scan3A) -> (i32)  : i32 {
      %broadcast_in_dim3A = arith.constant 0.000000e+00 : f32
      %broadcast_in_dim3A_26 = vector.broadcast %broadcast_in_dim3A : f32 to vector<16xf32>
      %mul3A_27 = arith.constant 16 : i32
      %mul3A_28 = arith.muli %scan3A_24, %mul3A_27 : i32
      %swap3A = arith.index_cast %mul3A_28 : i32 to index
      %swap3A_29 = tpu.vector_load %arg9[%swap3A] {strides = array<i32>} : memref<640xf32, #tpu.memory_space<vmem>>, vector<16xf32>,
      tpu.vector_store %arg9[%swap3A], %broadcast_in_dim3A_26 {strides = array<i32>} : memref<640xf32, #tpu.memory_space<vmem>>, vector<16xf32>,
      %scan3A_30 = arith.constant 0 : i32
      scf.yield %scan3A_30 : i32
    }
    %scan3A_10 = arith.constant 40 : i32
    "tpu.region"() ({
      %run_scoped3A = tpu.sem_alloc : memref<!tpu.dma_semaphore, #tpu.memory_space<semaphore_mem>>
      %dma_start3A = tpu.memref_slice %arg11[%mul3A_4] : memref<10240xf32, #tpu.memory_space<vmem_shared>> -> memref<640xf32, #tpu.memory_space<vmem_shared>>
      %dma_start3A_24 = tpu.memref_slice %arg11[%mul3A_4] : memref<10240xf32, #tpu.memory_space<vmem_shared>> -> memref<640xf32, #tpu.memory_space<vmem_shared>>
      tpu.enqueue_dma source(%arg9 : memref<640xf32, #tpu.memory_space<vmem>>) target(%dma_start3A_24 : memref<640xf32, #tpu.memory_space<vmem_shared>>) target_semaphore(%run_scoped3A : memref<!tpu.dma_semaphore, #tpu.memory_space<semaphore_mem>>)
      %dma_wait3A = tpu.memref_slice %arg11[%mul3A_4] : memref<10240xf32, #tpu.memory_space<vmem_shared>> -> memref<640xf32, #tpu.memory_space<vmem_shared>>
      %dma_wait3A_25 = tpu.memref_slice %arg11[%mul3A_4] : memref<10240xf32, #tpu.memory_space<vmem_shared>> -> memref<640xf32, #tpu.memory_space<vmem_shared>>
      tpu.wait_dma2 semaphore(%run_scoped3A : memref<!tpu.dma_semaphore, #tpu.memory_space<semaphore_mem>>) src(%arg9 : memref<640xf32, #tpu.memory_space<vmem>>) dst(%dma_wait3A_25 : memref<640xf32, #tpu.memory_space<vmem_shared>>)
      tpu.yield
    }) : () -> ()
    %barrier3A = arith.constant 0 : index
    tpu.barrier barrier_id(%barrier3A)
    %scan3A_11 = arith.constant 0 : i32
    %scan3A_12 = arith.constant 0 : i32
    %scan3A_13 = arith.constant 40 : i32
    %scan3A_14 = arith.addi %scan3A_12, %scan3A_13 : i32
    %scan3A_15 = arith.constant 1 : i32
    %scan3A_16 = scf.for %scan3A_24 = %scan3A_12 to %scan3A_14 step %scan3A_15 iter_args(%scan3A_25 = %scan3A_11) -> (i32)  : i32 {
      %mul3A_26 = arith.constant 128 : i32
      %mul3A_27 = arith.muli %scan3A_24, %mul3A_26 : i32
      %dma_start3A = tpu.memref_slice %arg6[%mul3A_27] : memref<5120xi32, #tpu.memory_space<vmem>> -> memref<128xi32, #tpu.memory_space<vmem>>
      %dma_start3A_28 = arith.constant 0 : i32
      %dma_start3A_29 = tpu.memref_slice %arg10[%dma_start3A_28] : memref<10240xf32, #tpu.memory_space<vmem_shared>> -> memref<10240xf32, #tpu.memory_space<vmem_shared>>
      tpu.enqueue_indirect_dma source(%dma_start3A_29 : memref<10240xf32, #tpu.memory_space<vmem_shared>>) target(%arg8 : memref<128xf32, #tpu.memory_space<vmem>>) offsets(%dma_start3A : memref<128xi32, #tpu.memory_space<vmem>>) semaphore(%arg12 : memref<!tpu.dma_semaphore, #tpu.memory_space<semaphore_mem>>)
      %dma_wait3A = tpu.memref_slice %arg6[%mul3A_27] : memref<5120xi32, #tpu.memory_space<vmem>> -> memref<128xi32, #tpu.memory_space<vmem>>
      %dma_wait3A_30 = arith.constant 0 : i32
      %dma_wait3A_31 = tpu.memref_slice %arg10[%dma_wait3A_30] : memref<10240xf32, #tpu.memory_space<vmem_shared>> -> memref<10240xf32, #tpu.memory_space<vmem_shared>>
      tpu.wait_indirect_dma semaphore(%arg12 : memref<!tpu.dma_semaphore, #tpu.memory_space<semaphore_mem>>) src(%dma_wait3A_31 : memref<10240xf32, #tpu.memory_space<vmem_shared>>) dst(%arg8 : memref<128xf32, #tpu.memory_space<vmem>>)
      "tpu.region"() ({
        %run_scoped3A = tpu.sem_alloc : memref<!tpu.dma_semaphore, #tpu.memory_space<semaphore_mem>>
        %dma_start3A_33 = tpu.memref_slice %arg7[%mul3A_27] : memref<5120xi32, #tpu.memory_space<vmem>> -> memref<128xi32, #tpu.memory_space<vmem>>
        %dma_start3A_34 = arith.constant 0 : i32
        %dma_start3A_35 = tpu.memref_slice %arg11[%dma_start3A_34] : memref<10240xf32, #tpu.memory_space<vmem_shared>> -> memref<10240xf32, #tpu.memory_space<vmem_shared>>
        tpu.enqueue_indirect_dma source(%arg8 : memref<128xf32, #tpu.memory_space<vmem>>) target(%dma_start3A_35 : memref<10240xf32, #tpu.memory_space<vmem_shared>>) offsets(%dma_start3A_33 : memref<128xi32, #tpu.memory_space<vmem>>) semaphore(%run_scoped3A : memref<!tpu.dma_semaphore, #tpu.memory_space<semaphore_mem>>) {add = true}
        %dma_wait3A_36 = tpu.memref_slice %arg7[%mul3A_27] : memref<5120xi32, #tpu.memory_space<vmem>> -> memref<128xi32, #tpu.memory_space<vmem>>
        %dma_wait3A_37 = arith.constant 0 : i32
        %dma_wait3A_38 = tpu.memref_slice %arg11[%dma_wait3A_37] : memref<10240xf32, #tpu.memory_space<vmem_shared>> -> memref<10240xf32, #tpu.memory_space<vmem_shared>>
        tpu.wait_indirect_dma semaphore(%run_scoped3A : memref<!tpu.dma_semaphore, #tpu.memory_space<semaphore_mem>>) src(%arg8 : memref<128xf32, #tpu.memory_space<vmem>>) dst(%dma_wait3A_38 : memref<10240xf32, #tpu.memory_space<vmem_shared>>)
        tpu.yield
      }) : () -> ()
      %scan3A_32 = arith.constant 0 : i32
      scf.yield %scan3A_32 : i32
    }
    %scan3A_17 = arith.constant 40 : i32
    %barrier3A_18 = arith.constant 0 : index
    tpu.barrier barrier_id(%barrier3A_18)
    "tpu.region"() ({
      %run_scoped3A = tpu.sem_alloc : memref<!tpu.dma_semaphore, #tpu.memory_space<semaphore_mem>>
      %dma_start3A = tpu.memref_slice %arg11[%mul3A_4] : memref<10240xf32, #tpu.memory_space<vmem_shared>> -> memref<640xf32, #tpu.memory_space<vmem_shared>>
      %dma_start3A_24 = tpu.memref_slice %arg11[%mul3A_4] : memref<10240xf32, #tpu.memory_space<vmem_shared>> -> memref<640xf32, #tpu.memory_space<vmem_shared>>
      tpu.enqueue_dma source(%dma_start3A_24 : memref<640xf32, #tpu.memory_space<vmem_shared>>) target(%arg9 : memref<640xf32, #tpu.memory_space<vmem>>) target_semaphore(%run_scoped3A : memref<!tpu.dma_semaphore, #tpu.memory_space<semaphore_mem>>)
      %dma_wait3A = tpu.memref_slice %arg11[%mul3A_4] : memref<10240xf32, #tpu.memory_space<vmem_shared>> -> memref<640xf32, #tpu.memory_space<vmem_shared>>
      %dma_wait3A_25 = tpu.memref_slice %arg11[%mul3A_4] : memref<10240xf32, #tpu.memory_space<vmem_shared>> -> memref<640xf32, #tpu.memory_space<vmem_shared>>
      tpu.wait_dma2 semaphore(%run_scoped3A : memref<!tpu.dma_semaphore, #tpu.memory_space<semaphore_mem>>) src(%dma_wait3A_25 : memref<640xf32, #tpu.memory_space<vmem_shared>>) dst(%arg9 : memref<640xf32, #tpu.memory_space<vmem>>)
      tpu.yield
    }) : () -> ()
    %mul3A_19 = arith.constant 10240 : i32
    %mul3A_20 = arith.muli %arg0, %mul3A_19 : i32
    %mul3A_21 = arith.constant 640 : i32
    %mul3A_22 = arith.muli %arg1, %mul3A_21 : i32
    %add3A_23 = arith.addi %mul3A_20, %mul3A_22 : i32
    "tpu.region"() ({
      %run_scoped3A = tpu.sem_alloc : memref<!tpu.dma_semaphore, #tpu.memory_space<semaphore_mem>>
      %dma_start3A = tpu.memref_slice %arg5[%add3A_23] : memref<20480xf32, #tpu.memory_space<hbm>> -> memref<640xf32, #tpu.memory_space<hbm>>
      %dma_start3A_24 = tpu.memref_slice %arg5[%add3A_23] : memref<20480xf32, #tpu.memory_space<hbm>> -> memref<640xf32, #tpu.memory_space<hbm>>
      tpu.enqueue_dma source(%arg9 : memref<640xf32, #tpu.memory_space<vmem>>) target(%dma_start3A_24 : memref<640xf32, #tpu.memory_space<hbm>>) target_semaphore(%run_scoped3A : memref<!tpu.dma_semaphore, #tpu.memory_space<semaphore_mem>>)
      %dma_wait3A = tpu.memref_slice %arg5[%add3A_23] : memref<20480xf32, #tpu.memory_space<hbm>> -> memref<640xf32, #tpu.memory_space<hbm>>
      %dma_wait3A_25 = tpu.memref_slice %arg5[%add3A_23] : memref<20480xf32, #tpu.memory_space<hbm>> -> memref<640xf32, #tpu.memory_space<hbm>>
      tpu.wait_dma2 semaphore(%run_scoped3A : memref<!tpu.dma_semaphore, #tpu.memory_space<semaphore_mem>>) src(%arg9 : memref<640xf32, #tpu.memory_space<vmem>>) dst(%dma_wait3A_25 : memref<640xf32, #tpu.memory_space<hbm>>)
      tpu.yield
    }) : () -> ()
    return
  }
}

#map = affine_map<(d0, d1) -> (0)>
module attributes {stable_mosaic.version = 14 : i64} {
  func.func @k1(%arg0: i32, %arg1: i32, %arg2: memref<163840xi32, #tpu.memory_space<hbm>>, %arg3: memref<163840xi32, #tpu.memory_space<hbm>>, %arg4: memref<20480xf32, #tpu.memory_space<hbm>>, %arg5: memref<20480xf32, #tpu.memory_space<hbm>>, %arg6: memref<5120xi32, #tpu.memory_space<vmem>>, %arg7: memref<5120xi32, #tpu.memory_space<vmem>>, %arg8: memref<128xf32, #tpu.memory_space<vmem>>, %arg9: memref<640xf32, #tpu.memory_space<vmem>>, %arg10: memref<10240xf32, #tpu.memory_space<vmem_shared>>, %arg11: memref<10240xf32, #tpu.memory_space<vmem_shared>>) attributes {dimension_semantics = [#tpu.dimension_semantics<core_parallel>, #tpu.dimension_semantics<subcore_parallel>], iteration_bounds = array<i64: 2, 16>, scalar_prefetch = 0 : i64, scratch_operands = 6 : i64, tpu.core_type = #tpu.core_type<sc_vector_subcore>, window_params = [{transform_indices = #map}, {transform_indices = #map}, {transform_indices = #map}, {transform_indices = #map}]} {
    %mul3A = arith.constant 81920 : i32
    %mul3A_0 = arith.muli %arg0, %mul3A : i32
    %mul3A_1 = arith.constant 5120 : i32
    %mul3A_2 = arith.muli %arg1, %mul3A_1 : i32
    %add3A = arith.addi %mul3A_0, %mul3A_2 : i32
    "tpu.region"() ({
      %run_scoped3A = tpu.sem_alloc : memref<!tpu.dma_semaphore, #tpu.memory_space<semaphore_mem>>
      %dma_start3A = tpu.memref_slice %arg2[%add3A] : memref<163840xi32, #tpu.memory_space<hbm>> -> memref<5120xi32, #tpu.memory_space<hbm>>
      %dma_start3A_54 = tpu.memref_slice %arg2[%add3A] : memref<163840xi32, #tpu.memory_space<hbm>> -> memref<5120xi32, #tpu.memory_space<hbm>>
      tpu.enqueue_dma source(%dma_start3A_54 : memref<5120xi32, #tpu.memory_space<hbm>>) target(%arg6 : memref<5120xi32, #tpu.memory_space<vmem>>) target_semaphore(%run_scoped3A : memref<!tpu.dma_semaphore, #tpu.memory_space<semaphore_mem>>)
      %dma_wait3A = tpu.memref_slice %arg2[%add3A] : memref<163840xi32, #tpu.memory_space<hbm>> -> memref<5120xi32, #tpu.memory_space<hbm>>
      %dma_wait3A_55 = tpu.memref_slice %arg2[%add3A] : memref<163840xi32, #tpu.memory_space<hbm>> -> memref<5120xi32, #tpu.memory_space<hbm>>
      tpu.wait_dma2 semaphore(%run_scoped3A : memref<!tpu.dma_semaphore, #tpu.memory_space<semaphore_mem>>) src(%dma_wait3A_55 : memref<5120xi32, #tpu.memory_space<hbm>>) dst(%arg6 : memref<5120xi32, #tpu.memory_space<vmem>>)
      tpu.yield
    }) : () -> ()
    "tpu.region"() ({
      %run_scoped3A = tpu.sem_alloc : memref<!tpu.dma_semaphore, #tpu.memory_space<semaphore_mem>>
      %dma_start3A = tpu.memref_slice %arg3[%add3A] : memref<163840xi32, #tpu.memory_space<hbm>> -> memref<5120xi32, #tpu.memory_space<hbm>>
      %dma_start3A_54 = tpu.memref_slice %arg3[%add3A] : memref<163840xi32, #tpu.memory_space<hbm>> -> memref<5120xi32, #tpu.memory_space<hbm>>
      tpu.enqueue_dma source(%dma_start3A_54 : memref<5120xi32, #tpu.memory_space<hbm>>) target(%arg7 : memref<5120xi32, #tpu.memory_space<vmem>>) target_semaphore(%run_scoped3A : memref<!tpu.dma_semaphore, #tpu.memory_space<semaphore_mem>>)
      %dma_wait3A = tpu.memref_slice %arg3[%add3A] : memref<163840xi32, #tpu.memory_space<hbm>> -> memref<5120xi32, #tpu.memory_space<hbm>>
      %dma_wait3A_55 = tpu.memref_slice %arg3[%add3A] : memref<163840xi32, #tpu.memory_space<hbm>> -> memref<5120xi32, #tpu.memory_space<hbm>>
      tpu.wait_dma2 semaphore(%run_scoped3A : memref<!tpu.dma_semaphore, #tpu.memory_space<semaphore_mem>>) src(%dma_wait3A_55 : memref<5120xi32, #tpu.memory_space<hbm>>) dst(%arg7 : memref<5120xi32, #tpu.memory_space<vmem>>)
      tpu.yield
    }) : () -> ()
    %broadcast_in_dim3A = arith.constant 1.000000e+00 : f32
    %broadcast_in_dim3A_3 = vector.broadcast %broadcast_in_dim3A : f32 to vector<16xf32>
    %swap3A = arith.constant 0 : index
    %swap3A_4 = tpu.vector_load %arg8[%swap3A] {strides = array<i32>} : memref<128xf32, #tpu.memory_space<vmem>>, vector<16xf32>,
    tpu.vector_store %arg8[%swap3A], %broadcast_in_dim3A_3 {strides = array<i32>} : memref<128xf32, #tpu.memory_space<vmem>>, vector<16xf32>,
    %broadcast_in_dim3A_5 = arith.constant 1.000000e+00 : f32
    %broadcast_in_dim3A_6 = vector.broadcast %broadcast_in_dim3A_5 : f32 to vector<16xf32>
    %swap3A_7 = arith.constant 16 : index
    %swap3A_8 = tpu.vector_load %arg8[%swap3A_7] {strides = array<i32>} : memref<128xf32, #tpu.memory_space<vmem>>, vector<16xf32>,
    tpu.vector_store %arg8[%swap3A_7], %broadcast_in_dim3A_6 {strides = array<i32>} : memref<128xf32, #tpu.memory_space<vmem>>, vector<16xf32>,
    %broadcast_in_dim3A_9 = arith.constant 1.000000e+00 : f32
    %broadcast_in_dim3A_10 = vector.broadcast %broadcast_in_dim3A_9 : f32 to vector<16xf32>
    %swap3A_11 = arith.constant 32 : index
    %swap3A_12 = tpu.vector_load %arg8[%swap3A_11] {strides = array<i32>} : memref<128xf32, #tpu.memory_space<vmem>>, vector<16xf32>,
    tpu.vector_store %arg8[%swap3A_11], %broadcast_in_dim3A_10 {strides = array<i32>} : memref<128xf32, #tpu.memory_space<vmem>>, vector<16xf32>,
    %broadcast_in_dim3A_13 = arith.constant 1.000000e+00 : f32
    %broadcast_in_dim3A_14 = vector.broadcast %broadcast_in_dim3A_13 : f32 to vector<16xf32>
    %swap3A_15 = arith.constant 48 : index
    %swap3A_16 = tpu.vector_load %arg8[%swap3A_15] {strides = array<i32>} : memref<128xf32, #tpu.memory_space<vmem>>, vector<16xf32>,
    tpu.vector_store %arg8[%swap3A_15], %broadcast_in_dim3A_14 {strides = array<i32>} : memref<128xf32, #tpu.memory_space<vmem>>, vector<16xf32>,
    %broadcast_in_dim3A_17 = arith.constant 1.000000e+00 : f32
    %broadcast_in_dim3A_18 = vector.broadcast %broadcast_in_dim3A_17 : f32 to vector<16xf32>
    %swap3A_19 = arith.constant 64 : index
    %swap3A_20 = tpu.vector_load %arg8[%swap3A_19] {strides = array<i32>} : memref<128xf32, #tpu.memory_space<vmem>>, vector<16xf32>,
    tpu.vector_store %arg8[%swap3A_19], %broadcast_in_dim3A_18 {strides = array<i32>} : memref<128xf32, #tpu.memory_space<vmem>>, vector<16xf32>,
    %broadcast_in_dim3A_21 = arith.constant 1.000000e+00 : f32
    %broadcast_in_dim3A_22 = vector.broadcast %broadcast_in_dim3A_21 : f32 to vector<16xf32>
    %swap3A_23 = arith.constant 80 : index
    %swap3A_24 = tpu.vector_load %arg8[%swap3A_23] {strides = array<i32>} : memref<128xf32, #tpu.memory_space<vmem>>, vector<16xf32>,
    tpu.vector_store %arg8[%swap3A_23], %broadcast_in_dim3A_22 {strides = array<i32>} : memref<128xf32, #tpu.memory_space<vmem>>, vector<16xf32>,
    %broadcast_in_dim3A_25 = arith.constant 1.000000e+00 : f32
    %broadcast_in_dim3A_26 = vector.broadcast %broadcast_in_dim3A_25 : f32 to vector<16xf32>
    %swap3A_27 = arith.constant 96 : index
    %swap3A_28 = tpu.vector_load %arg8[%swap3A_27] {strides = array<i32>} : memref<128xf32, #tpu.memory_space<vmem>>, vector<16xf32>,
    tpu.vector_store %arg8[%swap3A_27], %broadcast_in_dim3A_26 {strides = array<i32>} : memref<128xf32, #tpu.memory_space<vmem>>, vector<16xf32>,
    %broadcast_in_dim3A_29 = arith.constant 1.000000e+00 : f32
    %broadcast_in_dim3A_30 = vector.broadcast %broadcast_in_dim3A_29 : f32 to vector<16xf32>
    %swap3A_31 = arith.constant 112 : index
    %swap3A_32 = tpu.vector_load %arg8[%swap3A_31] {strides = array<i32>} : memref<128xf32, #tpu.memory_space<vmem>>, vector<16xf32>,
    tpu.vector_store %arg8[%swap3A_31], %broadcast_in_dim3A_30 {strides = array<i32>} : memref<128xf32, #tpu.memory_space<vmem>>, vector<16xf32>,
    %scan3A = arith.constant 0 : i32
    %scan3A_33 = arith.constant 0 : i32
    %scan3A_34 = arith.constant 40 : i32
    %scan3A_35 = arith.addi %scan3A_33, %scan3A_34 : i32
    %scan3A_36 = arith.constant 1 : i32
    %scan3A_37 = scf.for %scan3A_54 = %scan3A_33 to %scan3A_35 step %scan3A_36 iter_args(%scan3A_55 = %scan3A) -> (i32)  : i32 {
      %broadcast_in_dim3A_56 = arith.constant 0.000000e+00 : f32
      %broadcast_in_dim3A_57 = vector.broadcast %broadcast_in_dim3A_56 : f32 to vector<16xf32>
      %mul3A_58 = arith.constant 16 : i32
      %mul3A_59 = arith.muli %scan3A_54, %mul3A_58 : i32
      %swap3A_60 = arith.index_cast %mul3A_59 : i32 to index
      %swap3A_61 = tpu.vector_load %arg9[%swap3A_60] {strides = array<i32>} : memref<640xf32, #tpu.memory_space<vmem>>, vector<16xf32>,
      tpu.vector_store %arg9[%swap3A_60], %broadcast_in_dim3A_57 {strides = array<i32>} : memref<640xf32, #tpu.memory_space<vmem>>, vector<16xf32>,
      %scan3A_62 = arith.constant 0 : i32
      scf.yield %scan3A_62 : i32
    }
    %scan3A_38 = arith.constant 40 : i32
    %mul3A_39 = arith.constant 640 : i32
    %mul3A_40 = arith.muli %arg1, %mul3A_39 : i32
    "tpu.region"() ({
      %run_scoped3A = tpu.sem_alloc : memref<!tpu.dma_semaphore, #tpu.memory_space<semaphore_mem>>
      %dma_start3A = tpu.memref_slice %arg10[%mul3A_40] : memref<10240xf32, #tpu.memory_space<vmem_shared>> -> memref<640xf32, #tpu.memory_space<vmem_shared>>
      %dma_start3A_54 = tpu.memref_slice %arg10[%mul3A_40] : memref<10240xf32, #tpu.memory_space<vmem_shared>> -> memref<640xf32, #tpu.memory_space<vmem_shared>>
      tpu.enqueue_dma source(%arg9 : memref<640xf32, #tpu.memory_space<vmem>>) target(%dma_start3A_54 : memref<640xf32, #tpu.memory_space<vmem_shared>>) target_semaphore(%run_scoped3A : memref<!tpu.dma_semaphore, #tpu.memory_space<semaphore_mem>>)
      %dma_wait3A = tpu.memref_slice %arg10[%mul3A_40] : memref<10240xf32, #tpu.memory_space<vmem_shared>> -> memref<640xf32, #tpu.memory_space<vmem_shared>>
      %dma_wait3A_55 = tpu.memref_slice %arg10[%mul3A_40] : memref<10240xf32, #tpu.memory_space<vmem_shared>> -> memref<640xf32, #tpu.memory_space<vmem_shared>>
      tpu.wait_dma2 semaphore(%run_scoped3A : memref<!tpu.dma_semaphore, #tpu.memory_space<semaphore_mem>>) src(%arg9 : memref<640xf32, #tpu.memory_space<vmem>>) dst(%dma_wait3A_55 : memref<640xf32, #tpu.memory_space<vmem_shared>>)
      tpu.yield
    }) : () -> ()
    "tpu.region"() ({
      %run_scoped3A = tpu.sem_alloc : memref<!tpu.dma_semaphore, #tpu.memory_space<semaphore_mem>>
      %dma_start3A = tpu.memref_slice %arg11[%mul3A_40] : memref<10240xf32, #tpu.memory_space<vmem_shared>> -> memref<640xf32, #tpu.memory_space<vmem_shared>>
      %dma_start3A_54 = tpu.memref_slice %arg11[%mul3A_40] : memref<10240xf32, #tpu.memory_space<vmem_shared>> -> memref<640xf32, #tpu.memory_space<vmem_shared>>
      tpu.enqueue_dma source(%arg9 : memref<640xf32, #tpu.memory_space<vmem>>) target(%dma_start3A_54 : memref<640xf32, #tpu.memory_space<vmem_shared>>) target_semaphore(%run_scoped3A : memref<!tpu.dma_semaphore, #tpu.memory_space<semaphore_mem>>)
      %dma_wait3A = tpu.memref_slice %arg11[%mul3A_40] : memref<10240xf32, #tpu.memory_space<vmem_shared>> -> memref<640xf32, #tpu.memory_space<vmem_shared>>
      %dma_wait3A_55 = tpu.memref_slice %arg11[%mul3A_40] : memref<10240xf32, #tpu.memory_space<vmem_shared>> -> memref<640xf32, #tpu.memory_space<vmem_shared>>
      tpu.wait_dma2 semaphore(%run_scoped3A : memref<!tpu.dma_semaphore, #tpu.memory_space<semaphore_mem>>) src(%arg9 : memref<640xf32, #tpu.memory_space<vmem>>) dst(%dma_wait3A_55 : memref<640xf32, #tpu.memory_space<vmem_shared>>)
      tpu.yield
    }) : () -> ()
    %barrier3A = arith.constant 0 : index
    tpu.barrier barrier_id(%barrier3A)
    %scan3A_41 = arith.constant 0 : i32
    %scan3A_42 = arith.constant 0 : i32
    %scan3A_43 = arith.constant 40 : i32
    %scan3A_44 = arith.addi %scan3A_42, %scan3A_43 : i32
    %scan3A_45 = arith.constant 1 : i32
    %scan3A_46 = scf.for %scan3A_54 = %scan3A_42 to %scan3A_44 step %scan3A_45 iter_args(%scan3A_55 = %scan3A_41) -> (i32)  : i32 {
      %mul3A_56 = arith.constant 128 : i32
      %mul3A_57 = arith.muli %scan3A_54, %mul3A_56 : i32
      "tpu.region"() ({
        %run_scoped3A = tpu.sem_alloc : memref<!tpu.dma_semaphore, #tpu.memory_space<semaphore_mem>>
        %dma_start3A = tpu.memref_slice %arg6[%mul3A_57] : memref<5120xi32, #tpu.memory_space<vmem>> -> memref<128xi32, #tpu.memory_space<vmem>>
        %dma_start3A_59 = arith.constant 0 : i32
        %dma_start3A_60 = tpu.memref_slice %arg10[%dma_start3A_59] : memref<10240xf32, #tpu.memory_space<vmem_shared>> -> memref<10240xf32, #tpu.memory_space<vmem_shared>>
        tpu.enqueue_indirect_dma source(%arg8 : memref<128xf32, #tpu.memory_space<vmem>>) target(%dma_start3A_60 : memref<10240xf32, #tpu.memory_space<vmem_shared>>) offsets(%dma_start3A : memref<128xi32, #tpu.memory_space<vmem>>) semaphore(%run_scoped3A : memref<!tpu.dma_semaphore, #tpu.memory_space<semaphore_mem>>) {add = true}
        %dma_wait3A = tpu.memref_slice %arg6[%mul3A_57] : memref<5120xi32, #tpu.memory_space<vmem>> -> memref<128xi32, #tpu.memory_space<vmem>>
        %dma_wait3A_61 = arith.constant 0 : i32
        %dma_wait3A_62 = tpu.memref_slice %arg10[%dma_wait3A_61] : memref<10240xf32, #tpu.memory_space<vmem_shared>> -> memref<10240xf32, #tpu.memory_space<vmem_shared>>
        tpu.wait_indirect_dma semaphore(%run_scoped3A : memref<!tpu.dma_semaphore, #tpu.memory_space<semaphore_mem>>) src(%arg8 : memref<128xf32, #tpu.memory_space<vmem>>) dst(%dma_wait3A_62 : memref<10240xf32, #tpu.memory_space<vmem_shared>>)
        tpu.yield
      }) : () -> ()
      "tpu.region"() ({
        %run_scoped3A = tpu.sem_alloc : memref<!tpu.dma_semaphore, #tpu.memory_space<semaphore_mem>>
        %dma_start3A = tpu.memref_slice %arg7[%mul3A_57] : memref<5120xi32, #tpu.memory_space<vmem>> -> memref<128xi32, #tpu.memory_space<vmem>>
        %dma_start3A_59 = arith.constant 0 : i32
        %dma_start3A_60 = tpu.memref_slice %arg11[%dma_start3A_59] : memref<10240xf32, #tpu.memory_space<vmem_shared>> -> memref<10240xf32, #tpu.memory_space<vmem_shared>>
        tpu.enqueue_indirect_dma source(%arg8 : memref<128xf32, #tpu.memory_space<vmem>>) target(%dma_start3A_60 : memref<10240xf32, #tpu.memory_space<vmem_shared>>) offsets(%dma_start3A : memref<128xi32, #tpu.memory_space<vmem>>) semaphore(%run_scoped3A : memref<!tpu.dma_semaphore, #tpu.memory_space<semaphore_mem>>) {add = true}
        %dma_wait3A = tpu.memref_slice %arg7[%mul3A_57] : memref<5120xi32, #tpu.memory_space<vmem>> -> memref<128xi32, #tpu.memory_space<vmem>>
        %dma_wait3A_61 = arith.constant 0 : i32
        %dma_wait3A_62 = tpu.memref_slice %arg11[%dma_wait3A_61] : memref<10240xf32, #tpu.memory_space<vmem_shared>> -> memref<10240xf32, #tpu.memory_space<vmem_shared>>
        tpu.wait_indirect_dma semaphore(%run_scoped3A : memref<!tpu.dma_semaphore, #tpu.memory_space<semaphore_mem>>) src(%arg8 : memref<128xf32, #tpu.memory_space<vmem>>) dst(%dma_wait3A_62 : memref<10240xf32, #tpu.memory_space<vmem_shared>>)
        tpu.yield
      }) : () -> ()
      %scan3A_58 = arith.constant 0 : i32
      scf.yield %scan3A_58 : i32
    }
    %scan3A_47 = arith.constant 40 : i32
    %barrier3A_48 = arith.constant 0 : index
    tpu.barrier barrier_id(%barrier3A_48)
    %mul3A_49 = arith.constant 10240 : i32
    %mul3A_50 = arith.muli %arg0, %mul3A_49 : i32
    %mul3A_51 = arith.constant 640 : i32
    %mul3A_52 = arith.muli %arg1, %mul3A_51 : i32
    %add3A_53 = arith.addi %mul3A_50, %mul3A_52 : i32
    "tpu.region"() ({
      %run_scoped3A = tpu.sem_alloc : memref<!tpu.dma_semaphore, #tpu.memory_space<semaphore_mem>>
      %dma_start3A = tpu.memref_slice %arg10[%mul3A_40] : memref<10240xf32, #tpu.memory_space<vmem_shared>> -> memref<640xf32, #tpu.memory_space<vmem_shared>>
      %dma_start3A_54 = tpu.memref_slice %arg10[%mul3A_40] : memref<10240xf32, #tpu.memory_space<vmem_shared>> -> memref<640xf32, #tpu.memory_space<vmem_shared>>
      tpu.enqueue_dma source(%dma_start3A_54 : memref<640xf32, #tpu.memory_space<vmem_shared>>) target(%arg9 : memref<640xf32, #tpu.memory_space<vmem>>) target_semaphore(%run_scoped3A : memref<!tpu.dma_semaphore, #tpu.memory_space<semaphore_mem>>)
      %dma_wait3A = tpu.memref_slice %arg10[%mul3A_40] : memref<10240xf32, #tpu.memory_space<vmem_shared>> -> memref<640xf32, #tpu.memory_space<vmem_shared>>
      %dma_wait3A_55 = tpu.memref_slice %arg10[%mul3A_40] : memref<10240xf32, #tpu.memory_space<vmem_shared>> -> memref<640xf32, #tpu.memory_space<vmem_shared>>
      tpu.wait_dma2 semaphore(%run_scoped3A : memref<!tpu.dma_semaphore, #tpu.memory_space<semaphore_mem>>) src(%dma_wait3A_55 : memref<640xf32, #tpu.memory_space<vmem_shared>>) dst(%arg9 : memref<640xf32, #tpu.memory_space<vmem>>)
      tpu.yield
    }) : () -> ()
    "tpu.region"() ({
      %run_scoped3A = tpu.sem_alloc : memref<!tpu.dma_semaphore, #tpu.memory_space<semaphore_mem>>
      %dma_start3A = tpu.memref_slice %arg4[%add3A_53] : memref<20480xf32, #tpu.memory_space<hbm>> -> memref<640xf32, #tpu.memory_space<hbm>>
      %dma_start3A_54 = tpu.memref_slice %arg4[%add3A_53] : memref<20480xf32, #tpu.memory_space<hbm>> -> memref<640xf32, #tpu.memory_space<hbm>>
      tpu.enqueue_dma source(%arg9 : memref<640xf32, #tpu.memory_space<vmem>>) target(%dma_start3A_54 : memref<640xf32, #tpu.memory_space<hbm>>) target_semaphore(%run_scoped3A : memref<!tpu.dma_semaphore, #tpu.memory_space<semaphore_mem>>)
      %dma_wait3A = tpu.memref_slice %arg4[%add3A_53] : memref<20480xf32, #tpu.memory_space<hbm>> -> memref<640xf32, #tpu.memory_space<hbm>>
      %dma_wait3A_55 = tpu.memref_slice %arg4[%add3A_53] : memref<20480xf32, #tpu.memory_space<hbm>> -> memref<640xf32, #tpu.memory_space<hbm>>
      tpu.wait_dma2 semaphore(%run_scoped3A : memref<!tpu.dma_semaphore, #tpu.memory_space<semaphore_mem>>) src(%arg9 : memref<640xf32, #tpu.memory_space<vmem>>) dst(%dma_wait3A_55 : memref<640xf32, #tpu.memory_space<hbm>>)
      tpu.yield
    }) : () -> ()
    "tpu.region"() ({
      %run_scoped3A = tpu.sem_alloc : memref<!tpu.dma_semaphore, #tpu.memory_space<semaphore_mem>>
      %dma_start3A = tpu.memref_slice %arg11[%mul3A_40] : memref<10240xf32, #tpu.memory_space<vmem_shared>> -> memref<640xf32, #tpu.memory_space<vmem_shared>>
      %dma_start3A_54 = tpu.memref_slice %arg11[%mul3A_40] : memref<10240xf32, #tpu.memory_space<vmem_shared>> -> memref<640xf32, #tpu.memory_space<vmem_shared>>
      tpu.enqueue_dma source(%dma_start3A_54 : memref<640xf32, #tpu.memory_space<vmem_shared>>) target(%arg9 : memref<640xf32, #tpu.memory_space<vmem>>) target_semaphore(%run_scoped3A : memref<!tpu.dma_semaphore, #tpu.memory_space<semaphore_mem>>)
      %dma_wait3A = tpu.memref_slice %arg11[%mul3A_40] : memref<10240xf32, #tpu.memory_space<vmem_shared>> -> memref<640xf32, #tpu.memory_space<vmem_shared>>
      %dma_wait3A_55 = tpu.memref_slice %arg11[%mul3A_40] : memref<10240xf32, #tpu.memory_space<vmem_shared>> -> memref<640xf32, #tpu.memory_space<vmem_shared>>
      tpu.wait_dma2 semaphore(%run_scoped3A : memref<!tpu.dma_semaphore, #tpu.memory_space<semaphore_mem>>) src(%dma_wait3A_55 : memref<640xf32, #tpu.memory_space<vmem_shared>>) dst(%arg9 : memref<640xf32, #tpu.memory_space<vmem>>)
      tpu.yield
    }) : () -> ()
    "tpu.region"() ({
      %run_scoped3A = tpu.sem_alloc : memref<!tpu.dma_semaphore, #tpu.memory_space<semaphore_mem>>
      %dma_start3A = tpu.memref_slice %arg5[%add3A_53] : memref<20480xf32, #tpu.memory_space<hbm>> -> memref<640xf32, #tpu.memory_space<hbm>>
      %dma_start3A_54 = tpu.memref_slice %arg5[%add3A_53] : memref<20480xf32, #tpu.memory_space<hbm>> -> memref<640xf32, #tpu.memory_space<hbm>>
      tpu.enqueue_dma source(%arg9 : memref<640xf32, #tpu.memory_space<vmem>>) target(%dma_start3A_54 : memref<640xf32, #tpu.memory_space<hbm>>) target_semaphore(%run_scoped3A : memref<!tpu.dma_semaphore, #tpu.memory_space<semaphore_mem>>)
      %dma_wait3A = tpu.memref_slice %arg5[%add3A_53] : memref<20480xf32, #tpu.memory_space<hbm>> -> memref<640xf32, #tpu.memory_space<hbm>>
      %dma_wait3A_55 = tpu.memref_slice %arg5[%add3A_53] : memref<20480xf32, #tpu.memory_space<hbm>> -> memref<640xf32, #tpu.memory_space<hbm>>
      tpu.wait_dma2 semaphore(%run_scoped3A : memref<!tpu.dma_semaphore, #tpu.memory_space<semaphore_mem>>) src(%arg9 : memref<640xf32, #tpu.memory_space<vmem>>) dst(%dma_wait3A_55 : memref<640xf32, #tpu.memory_space<hbm>>)
      tpu.yield
    }) : () -> ()
    return
  }
}

#map = affine_map<(d0, d1) -> (0)>
module attributes {stable_mosaic.version = 14 : i64} {
  func.func @k5(%arg0: i32, %arg1: i32, %arg2: memref<20480xf32, #tpu.memory_space<hbm>>, %arg3: memref<163840xi32, #tpu.memory_space<hbm>>, %arg4: memref<163840xi32, #tpu.memory_space<hbm>>, %arg5: memref<40960xf32, #tpu.memory_space<hbm>>, %arg6: memref<5120xi32, #tpu.memory_space<vmem>>, %arg7: memref<5120xi32, #tpu.memory_space<vmem>>, %arg8: memref<128xf32, #tpu.memory_space<vmem>>, %arg9: memref<128xf32, #tpu.memory_space<vmem>>, %arg10: memref<640xf32, #tpu.memory_space<vmem>>, %arg11: memref<10240xf32, #tpu.memory_space<vmem_shared>>, %arg12: memref<10240xf32, #tpu.memory_space<vmem_shared>>, %arg13: memref<10240xf32, #tpu.memory_space<vmem_shared>>, %arg14: memref<10240xf32, #tpu.memory_space<vmem_shared>>, %arg15: memref<!tpu.dma_semaphore, #tpu.memory_space<semaphore_mem>>, %arg16: memref<!tpu.dma_semaphore, #tpu.memory_space<semaphore_mem>>) attributes {dimension_semantics = [#tpu.dimension_semantics<core_parallel>, #tpu.dimension_semantics<subcore_parallel>], iteration_bounds = array<i64: 2, 16>, scalar_prefetch = 0 : i64, scratch_operands = 11 : i64, tpu.core_type = #tpu.core_type<sc_vector_subcore>, window_params = [{transform_indices = #map}, {transform_indices = #map}, {transform_indices = #map}, {transform_indices = #map}]} {
    %mul3A = arith.constant 81920 : i32
    %mul3A_0 = arith.muli %arg0, %mul3A : i32
    %mul3A_1 = arith.constant 5120 : i32
    %mul3A_2 = arith.muli %arg1, %mul3A_1 : i32
    %add3A = arith.addi %mul3A_0, %mul3A_2 : i32
    "tpu.region"() ({
      %run_scoped3A = tpu.sem_alloc : memref<!tpu.dma_semaphore, #tpu.memory_space<semaphore_mem>>
      %dma_start3A = tpu.memref_slice %arg3[%add3A] : memref<163840xi32, #tpu.memory_space<hbm>> -> memref<5120xi32, #tpu.memory_space<hbm>>
      %dma_start3A_37 = tpu.memref_slice %arg3[%add3A] : memref<163840xi32, #tpu.memory_space<hbm>> -> memref<5120xi32, #tpu.memory_space<hbm>>
      tpu.enqueue_dma source(%dma_start3A_37 : memref<5120xi32, #tpu.memory_space<hbm>>) target(%arg6 : memref<5120xi32, #tpu.memory_space<vmem>>) target_semaphore(%run_scoped3A : memref<!tpu.dma_semaphore, #tpu.memory_space<semaphore_mem>>)
      %dma_wait3A = tpu.memref_slice %arg3[%add3A] : memref<163840xi32, #tpu.memory_space<hbm>> -> memref<5120xi32, #tpu.memory_space<hbm>>
      %dma_wait3A_38 = tpu.memref_slice %arg3[%add3A] : memref<163840xi32, #tpu.memory_space<hbm>> -> memref<5120xi32, #tpu.memory_space<hbm>>
      tpu.wait_dma2 semaphore(%run_scoped3A : memref<!tpu.dma_semaphore, #tpu.memory_space<semaphore_mem>>) src(%dma_wait3A_38 : memref<5120xi32, #tpu.memory_space<hbm>>) dst(%arg6 : memref<5120xi32, #tpu.memory_space<vmem>>)
      tpu.yield
    }) : () -> ()
    "tpu.region"() ({
      %run_scoped3A = tpu.sem_alloc : memref<!tpu.dma_semaphore, #tpu.memory_space<semaphore_mem>>
      %dma_start3A = tpu.memref_slice %arg4[%add3A] : memref<163840xi32, #tpu.memory_space<hbm>> -> memref<5120xi32, #tpu.memory_space<hbm>>
      %dma_start3A_37 = tpu.memref_slice %arg4[%add3A] : memref<163840xi32, #tpu.memory_space<hbm>> -> memref<5120xi32, #tpu.memory_space<hbm>>
      tpu.enqueue_dma source(%dma_start3A_37 : memref<5120xi32, #tpu.memory_space<hbm>>) target(%arg7 : memref<5120xi32, #tpu.memory_space<vmem>>) target_semaphore(%run_scoped3A : memref<!tpu.dma_semaphore, #tpu.memory_space<semaphore_mem>>)
      %dma_wait3A = tpu.memref_slice %arg4[%add3A] : memref<163840xi32, #tpu.memory_space<hbm>> -> memref<5120xi32, #tpu.memory_space<hbm>>
      %dma_wait3A_38 = tpu.memref_slice %arg4[%add3A] : memref<163840xi32, #tpu.memory_space<hbm>> -> memref<5120xi32, #tpu.memory_space<hbm>>
      tpu.wait_dma2 semaphore(%run_scoped3A : memref<!tpu.dma_semaphore, #tpu.memory_space<semaphore_mem>>) src(%dma_wait3A_38 : memref<5120xi32, #tpu.memory_space<hbm>>) dst(%arg7 : memref<5120xi32, #tpu.memory_space<vmem>>)
      tpu.yield
    }) : () -> ()
    %mul3A_3 = arith.constant 640 : i32
    %mul3A_4 = arith.muli %arg1, %mul3A_3 : i32
    %mul3A_5 = arith.constant 640 : i32
    %mul3A_6 = arith.muli %arg1, %mul3A_5 : i32
    "tpu.region"() ({
      %run_scoped3A = tpu.sem_alloc : memref<!tpu.dma_semaphore, #tpu.memory_space<semaphore_mem>>
      %dma_start3A = tpu.memref_slice %arg2[%mul3A_6] : memref<20480xf32, #tpu.memory_space<hbm>> -> memref<640xf32, #tpu.memory_space<hbm>>
      %dma_start3A_37 = tpu.memref_slice %arg2[%mul3A_6] : memref<20480xf32, #tpu.memory_space<hbm>> -> memref<640xf32, #tpu.memory_space<hbm>>
      tpu.enqueue_dma source(%dma_start3A_37 : memref<640xf32, #tpu.memory_space<hbm>>) target(%arg10 : memref<640xf32, #tpu.memory_space<vmem>>) target_semaphore(%run_scoped3A : memref<!tpu.dma_semaphore, #tpu.memory_space<semaphore_mem>>)
      %dma_wait3A = tpu.memref_slice %arg2[%mul3A_6] : memref<20480xf32, #tpu.memory_space<hbm>> -> memref<640xf32, #tpu.memory_space<hbm>>
      %dma_wait3A_38 = tpu.memref_slice %arg2[%mul3A_6] : memref<20480xf32, #tpu.memory_space<hbm>> -> memref<640xf32, #tpu.memory_space<hbm>>
      tpu.wait_dma2 semaphore(%run_scoped3A : memref<!tpu.dma_semaphore, #tpu.memory_space<semaphore_mem>>) src(%dma_wait3A_38 : memref<640xf32, #tpu.memory_space<hbm>>) dst(%arg10 : memref<640xf32, #tpu.memory_space<vmem>>)
      tpu.yield
    }) : () -> ()
    "tpu.region"() ({
      %run_scoped3A = tpu.sem_alloc : memref<!tpu.dma_semaphore, #tpu.memory_space<semaphore_mem>>
      %dma_start3A = tpu.memref_slice %arg11[%mul3A_4] : memref<10240xf32, #tpu.memory_space<vmem_shared>> -> memref<640xf32, #tpu.memory_space<vmem_shared>>
      %dma_start3A_37 = tpu.memref_slice %arg11[%mul3A_4] : memref<10240xf32, #tpu.memory_space<vmem_shared>> -> memref<640xf32, #tpu.memory_space<vmem_shared>>
      tpu.enqueue_dma source(%arg10 : memref<640xf32, #tpu.memory_space<vmem>>) target(%dma_start3A_37 : memref<640xf32, #tpu.memory_space<vmem_shared>>) target_semaphore(%run_scoped3A : memref<!tpu.dma_semaphore, #tpu.memory_space<semaphore_mem>>)
      %dma_wait3A = tpu.memref_slice %arg11[%mul3A_4] : memref<10240xf32, #tpu.memory_space<vmem_shared>> -> memref<640xf32, #tpu.memory_space<vmem_shared>>
      %dma_wait3A_38 = tpu.memref_slice %arg11[%mul3A_4] : memref<10240xf32, #tpu.memory_space<vmem_shared>> -> memref<640xf32, #tpu.memory_space<vmem_shared>>
      tpu.wait_dma2 semaphore(%run_scoped3A : memref<!tpu.dma_semaphore, #tpu.memory_space<semaphore_mem>>) src(%arg10 : memref<640xf32, #tpu.memory_space<vmem>>) dst(%dma_wait3A_38 : memref<640xf32, #tpu.memory_space<vmem_shared>>)
      tpu.yield
    }) : () -> ()
    %mul3A_7 = arith.constant 640 : i32
    %mul3A_8 = arith.muli %arg1, %mul3A_7 : i32
    %add3A_9 = arith.constant 10240 : i32
    %add3A_10 = arith.addi %add3A_9, %mul3A_8 : i32
    "tpu.region"() ({
      %run_scoped3A = tpu.sem_alloc : memref<!tpu.dma_semaphore, #tpu.memory_space<semaphore_mem>>
      %dma_start3A = tpu.memref_slice %arg2[%add3A_10] : memref<20480xf32, #tpu.memory_space<hbm>> -> memref<640xf32, #tpu.memory_space<hbm>>
      %dma_start3A_37 = tpu.memref_slice %arg2[%add3A_10] : memref<20480xf32, #tpu.memory_space<hbm>> -> memref<640xf32, #tpu.memory_space<hbm>>
      tpu.enqueue_dma source(%dma_start3A_37 : memref<640xf32, #tpu.memory_space<hbm>>) target(%arg10 : memref<640xf32, #tpu.memory_space<vmem>>) target_semaphore(%run_scoped3A : memref<!tpu.dma_semaphore, #tpu.memory_space<semaphore_mem>>)
      %dma_wait3A = tpu.memref_slice %arg2[%add3A_10] : memref<20480xf32, #tpu.memory_space<hbm>> -> memref<640xf32, #tpu.memory_space<hbm>>
      %dma_wait3A_38 = tpu.memref_slice %arg2[%add3A_10] : memref<20480xf32, #tpu.memory_space<hbm>> -> memref<640xf32, #tpu.memory_space<hbm>>
      tpu.wait_dma2 semaphore(%run_scoped3A : memref<!tpu.dma_semaphore, #tpu.memory_space<semaphore_mem>>) src(%dma_wait3A_38 : memref<640xf32, #tpu.memory_space<hbm>>) dst(%arg10 : memref<640xf32, #tpu.memory_space<vmem>>)
      tpu.yield
    }) : () -> ()
    "tpu.region"() ({
      %run_scoped3A = tpu.sem_alloc : memref<!tpu.dma_semaphore, #tpu.memory_space<semaphore_mem>>
      %dma_start3A = tpu.memref_slice %arg12[%mul3A_4] : memref<10240xf32, #tpu.memory_space<vmem_shared>> -> memref<640xf32, #tpu.memory_space<vmem_shared>>
      %dma_start3A_37 = tpu.memref_slice %arg12[%mul3A_4] : memref<10240xf32, #tpu.memory_space<vmem_shared>> -> memref<640xf32, #tpu.memory_space<vmem_shared>>
      tpu.enqueue_dma source(%arg10 : memref<640xf32, #tpu.memory_space<vmem>>) target(%dma_start3A_37 : memref<640xf32, #tpu.memory_space<vmem_shared>>) target_semaphore(%run_scoped3A : memref<!tpu.dma_semaphore, #tpu.memory_space<semaphore_mem>>)
      %dma_wait3A = tpu.memref_slice %arg12[%mul3A_4] : memref<10240xf32, #tpu.memory_space<vmem_shared>> -> memref<640xf32, #tpu.memory_space<vmem_shared>>
      %dma_wait3A_38 = tpu.memref_slice %arg12[%mul3A_4] : memref<10240xf32, #tpu.memory_space<vmem_shared>> -> memref<640xf32, #tpu.memory_space<vmem_shared>>
      tpu.wait_dma2 semaphore(%run_scoped3A : memref<!tpu.dma_semaphore, #tpu.memory_space<semaphore_mem>>) src(%arg10 : memref<640xf32, #tpu.memory_space<vmem>>) dst(%dma_wait3A_38 : memref<640xf32, #tpu.memory_space<vmem_shared>>)
      tpu.yield
    }) : () -> ()
    %scan3A = arith.constant 0 : i32
    %scan3A_11 = arith.constant 0 : i32
    %scan3A_12 = arith.constant 40 : i32
    %scan3A_13 = arith.addi %scan3A_11, %scan3A_12 : i32
    %scan3A_14 = arith.constant 1 : i32
    %scan3A_15 = scf.for %scan3A_37 = %scan3A_11 to %scan3A_13 step %scan3A_14 iter_args(%scan3A_38 = %scan3A) -> (i32)  : i32 {
      %broadcast_in_dim3A = arith.constant 0.000000e+00 : f32
      %broadcast_in_dim3A_39 = vector.broadcast %broadcast_in_dim3A : f32 to vector<16xf32>
      %mul3A_40 = arith.constant 16 : i32
      %mul3A_41 = arith.muli %scan3A_37, %mul3A_40 : i32
      %swap3A = arith.index_cast %mul3A_41 : i32 to index
      %swap3A_42 = tpu.vector_load %arg10[%swap3A] {strides = array<i32>} : memref<640xf32, #tpu.memory_space<vmem>>, vector<16xf32>,
      tpu.vector_store %arg10[%swap3A], %broadcast_in_dim3A_39 {strides = array<i32>} : memref<640xf32, #tpu.memory_space<vmem>>, vector<16xf32>,
      %scan3A_43 = arith.constant 0 : i32
      scf.yield %scan3A_43 : i32
    }
    %scan3A_16 = arith.constant 40 : i32
    "tpu.region"() ({
      %run_scoped3A = tpu.sem_alloc : memref<!tpu.dma_semaphore, #tpu.memory_space<semaphore_mem>>
      %dma_start3A = tpu.memref_slice %arg13[%mul3A_4] : memref<10240xf32, #tpu.memory_space<vmem_shared>> -> memref<640xf32, #tpu.memory_space<vmem_shared>>
      %dma_start3A_37 = tpu.memref_slice %arg13[%mul3A_4] : memref<10240xf32, #tpu.memory_space<vmem_shared>> -> memref<640xf32, #tpu.memory_space<vmem_shared>>
      tpu.enqueue_dma source(%arg10 : memref<640xf32, #tpu.memory_space<vmem>>) target(%dma_start3A_37 : memref<640xf32, #tpu.memory_space<vmem_shared>>) target_semaphore(%run_scoped3A : memref<!tpu.dma_semaphore, #tpu.memory_space<semaphore_mem>>)
      %dma_wait3A = tpu.memref_slice %arg13[%mul3A_4] : memref<10240xf32, #tpu.memory_space<vmem_shared>> -> memref<640xf32, #tpu.memory_space<vmem_shared>>
      %dma_wait3A_38 = tpu.memref_slice %arg13[%mul3A_4] : memref<10240xf32, #tpu.memory_space<vmem_shared>> -> memref<640xf32, #tpu.memory_space<vmem_shared>>
      tpu.wait_dma2 semaphore(%run_scoped3A : memref<!tpu.dma_semaphore, #tpu.memory_space<semaphore_mem>>) src(%arg10 : memref<640xf32, #tpu.memory_space<vmem>>) dst(%dma_wait3A_38 : memref<640xf32, #tpu.memory_space<vmem_shared>>)
      tpu.yield
    }) : () -> ()
    "tpu.region"() ({
      %run_scoped3A = tpu.sem_alloc : memref<!tpu.dma_semaphore, #tpu.memory_space<semaphore_mem>>
      %dma_start3A = tpu.memref_slice %arg14[%mul3A_4] : memref<10240xf32, #tpu.memory_space<vmem_shared>> -> memref<640xf32, #tpu.memory_space<vmem_shared>>
      %dma_start3A_37 = tpu.memref_slice %arg14[%mul3A_4] : memref<10240xf32, #tpu.memory_space<vmem_shared>> -> memref<640xf32, #tpu.memory_space<vmem_shared>>
      tpu.enqueue_dma source(%arg10 : memref<640xf32, #tpu.memory_space<vmem>>) target(%dma_start3A_37 : memref<640xf32, #tpu.memory_space<vmem_shared>>) target_semaphore(%run_scoped3A : memref<!tpu.dma_semaphore, #tpu.memory_space<semaphore_mem>>)
      %dma_wait3A = tpu.memref_slice %arg14[%mul3A_4] : memref<10240xf32, #tpu.memory_space<vmem_shared>> -> memref<640xf32, #tpu.memory_space<vmem_shared>>
      %dma_wait3A_38 = tpu.memref_slice %arg14[%mul3A_4] : memref<10240xf32, #tpu.memory_space<vmem_shared>> -> memref<640xf32, #tpu.memory_space<vmem_shared>>
      tpu.wait_dma2 semaphore(%run_scoped3A : memref<!tpu.dma_semaphore, #tpu.memory_space<semaphore_mem>>) src(%arg10 : memref<640xf32, #tpu.memory_space<vmem>>) dst(%dma_wait3A_38 : memref<640xf32, #tpu.memory_space<vmem_shared>>)
      tpu.yield
    }) : () -> ()
    %barrier3A = arith.constant 0 : index
    tpu.barrier barrier_id(%barrier3A)
    %scan3A_17 = arith.constant 0 : i32
    %scan3A_18 = arith.constant 0 : i32
    %scan3A_19 = arith.constant 40 : i32
    %scan3A_20 = arith.addi %scan3A_18, %scan3A_19 : i32
    %scan3A_21 = arith.constant 1 : i32
    %scan3A_22 = scf.for %scan3A_37 = %scan3A_18 to %scan3A_20 step %scan3A_21 iter_args(%scan3A_38 = %scan3A_17) -> (i32)  : i32 {
      %mul3A_39 = arith.constant 128 : i32
      %mul3A_40 = arith.muli %scan3A_37, %mul3A_39 : i32
      %dma_start3A = tpu.memref_slice %arg6[%mul3A_40] : memref<5120xi32, #tpu.memory_space<vmem>> -> memref<128xi32, #tpu.memory_space<vmem>>
      %dma_start3A_41 = arith.constant 0 : i32
      %dma_start3A_42 = tpu.memref_slice %arg11[%dma_start3A_41] : memref<10240xf32, #tpu.memory_space<vmem_shared>> -> memref<10240xf32, #tpu.memory_space<vmem_shared>>
      tpu.enqueue_indirect_dma source(%dma_start3A_42 : memref<10240xf32, #tpu.memory_space<vmem_shared>>) target(%arg8 : memref<128xf32, #tpu.memory_space<vmem>>) offsets(%dma_start3A : memref<128xi32, #tpu.memory_space<vmem>>) semaphore(%arg15 : memref<!tpu.dma_semaphore, #tpu.memory_space<semaphore_mem>>)
      %dma_wait3A = tpu.memref_slice %arg6[%mul3A_40] : memref<5120xi32, #tpu.memory_space<vmem>> -> memref<128xi32, #tpu.memory_space<vmem>>
      %dma_wait3A_43 = arith.constant 0 : i32
      %dma_wait3A_44 = tpu.memref_slice %arg11[%dma_wait3A_43] : memref<10240xf32, #tpu.memory_space<vmem_shared>> -> memref<10240xf32, #tpu.memory_space<vmem_shared>>
      tpu.wait_indirect_dma semaphore(%arg15 : memref<!tpu.dma_semaphore, #tpu.memory_space<semaphore_mem>>) src(%dma_wait3A_44 : memref<10240xf32, #tpu.memory_space<vmem_shared>>) dst(%arg8 : memref<128xf32, #tpu.memory_space<vmem>>)
      "tpu.region"() ({
        %run_scoped3A = tpu.sem_alloc : memref<!tpu.dma_semaphore, #tpu.memory_space<semaphore_mem>>
        %dma_start3A_52 = tpu.memref_slice %arg7[%mul3A_40] : memref<5120xi32, #tpu.memory_space<vmem>> -> memref<128xi32, #tpu.memory_space<vmem>>
        %dma_start3A_53 = arith.constant 0 : i32
        %dma_start3A_54 = tpu.memref_slice %arg13[%dma_start3A_53] : memref<10240xf32, #tpu.memory_space<vmem_shared>> -> memref<10240xf32, #tpu.memory_space<vmem_shared>>
        tpu.enqueue_indirect_dma source(%arg8 : memref<128xf32, #tpu.memory_space<vmem>>) target(%dma_start3A_54 : memref<10240xf32, #tpu.memory_space<vmem_shared>>) offsets(%dma_start3A_52 : memref<128xi32, #tpu.memory_space<vmem>>) semaphore(%run_scoped3A : memref<!tpu.dma_semaphore, #tpu.memory_space<semaphore_mem>>) {add = true}
        %dma_wait3A_55 = tpu.memref_slice %arg7[%mul3A_40] : memref<5120xi32, #tpu.memory_space<vmem>> -> memref<128xi32, #tpu.memory_space<vmem>>
        %dma_wait3A_56 = arith.constant 0 : i32
        %dma_wait3A_57 = tpu.memref_slice %arg13[%dma_wait3A_56] : memref<10240xf32, #tpu.memory_space<vmem_shared>> -> memref<10240xf32, #tpu.memory_space<vmem_shared>>
        tpu.wait_indirect_dma semaphore(%run_scoped3A : memref<!tpu.dma_semaphore, #tpu.memory_space<semaphore_mem>>) src(%arg8 : memref<128xf32, #tpu.memory_space<vmem>>) dst(%dma_wait3A_57 : memref<10240xf32, #tpu.memory_space<vmem_shared>>)
        tpu.yield
      }) : () -> ()
      %dma_start3A_45 = tpu.memref_slice %arg6[%mul3A_40] : memref<5120xi32, #tpu.memory_space<vmem>> -> memref<128xi32, #tpu.memory_space<vmem>>
      %dma_start3A_46 = arith.constant 0 : i32
      %dma_start3A_47 = tpu.memref_slice %arg12[%dma_start3A_46] : memref<10240xf32, #tpu.memory_space<vmem_shared>> -> memref<10240xf32, #tpu.memory_space<vmem_shared>>
      tpu.enqueue_indirect_dma source(%dma_start3A_47 : memref<10240xf32, #tpu.memory_space<vmem_shared>>) target(%arg9 : memref<128xf32, #tpu.memory_space<vmem>>) offsets(%dma_start3A_45 : memref<128xi32, #tpu.memory_space<vmem>>) semaphore(%arg16 : memref<!tpu.dma_semaphore, #tpu.memory_space<semaphore_mem>>)
      %dma_wait3A_48 = tpu.memref_slice %arg6[%mul3A_40] : memref<5120xi32, #tpu.memory_space<vmem>> -> memref<128xi32, #tpu.memory_space<vmem>>
      %dma_wait3A_49 = arith.constant 0 : i32
      %dma_wait3A_50 = tpu.memref_slice %arg12[%dma_wait3A_49] : memref<10240xf32, #tpu.memory_space<vmem_shared>> -> memref<10240xf32, #tpu.memory_space<vmem_shared>>
      tpu.wait_indirect_dma semaphore(%arg16 : memref<!tpu.dma_semaphore, #tpu.memory_space<semaphore_mem>>) src(%dma_wait3A_50 : memref<10240xf32, #tpu.memory_space<vmem_shared>>) dst(%arg9 : memref<128xf32, #tpu.memory_space<vmem>>)
      "tpu.region"() ({
        %run_scoped3A = tpu.sem_alloc : memref<!tpu.dma_semaphore, #tpu.memory_space<semaphore_mem>>
        %dma_start3A_52 = tpu.memref_slice %arg7[%mul3A_40] : memref<5120xi32, #tpu.memory_space<vmem>> -> memref<128xi32, #tpu.memory_space<vmem>>
        %dma_start3A_53 = arith.constant 0 : i32
        %dma_start3A_54 = tpu.memref_slice %arg14[%dma_start3A_53] : memref<10240xf32, #tpu.memory_space<vmem_shared>> -> memref<10240xf32, #tpu.memory_space<vmem_shared>>
        tpu.enqueue_indirect_dma source(%arg9 : memref<128xf32, #tpu.memory_space<vmem>>) target(%dma_start3A_54 : memref<10240xf32, #tpu.memory_space<vmem_shared>>) offsets(%dma_start3A_52 : memref<128xi32, #tpu.memory_space<vmem>>) semaphore(%run_scoped3A : memref<!tpu.dma_semaphore, #tpu.memory_space<semaphore_mem>>) {add = true}
        %dma_wait3A_55 = tpu.memref_slice %arg7[%mul3A_40] : memref<5120xi32, #tpu.memory_space<vmem>> -> memref<128xi32, #tpu.memory_space<vmem>>
        %dma_wait3A_56 = arith.constant 0 : i32
        %dma_wait3A_57 = tpu.memref_slice %arg14[%dma_wait3A_56] : memref<10240xf32, #tpu.memory_space<vmem_shared>> -> memref<10240xf32, #tpu.memory_space<vmem_shared>>
        tpu.wait_indirect_dma semaphore(%run_scoped3A : memref<!tpu.dma_semaphore, #tpu.memory_space<semaphore_mem>>) src(%arg9 : memref<128xf32, #tpu.memory_space<vmem>>) dst(%dma_wait3A_57 : memref<10240xf32, #tpu.memory_space<vmem_shared>>)
        tpu.yield
      }) : () -> ()
      %scan3A_51 = arith.constant 0 : i32
      scf.yield %scan3A_51 : i32
    }
    %scan3A_23 = arith.constant 40 : i32
    %barrier3A_24 = arith.constant 0 : index
    tpu.barrier barrier_id(%barrier3A_24)
    "tpu.region"() ({
      %run_scoped3A = tpu.sem_alloc : memref<!tpu.dma_semaphore, #tpu.memory_space<semaphore_mem>>
      %dma_start3A = tpu.memref_slice %arg13[%mul3A_4] : memref<10240xf32, #tpu.memory_space<vmem_shared>> -> memref<640xf32, #tpu.memory_space<vmem_shared>>
      %dma_start3A_37 = tpu.memref_slice %arg13[%mul3A_4] : memref<10240xf32, #tpu.memory_space<vmem_shared>> -> memref<640xf32, #tpu.memory_space<vmem_shared>>
      tpu.enqueue_dma source(%dma_start3A_37 : memref<640xf32, #tpu.memory_space<vmem_shared>>) target(%arg10 : memref<640xf32, #tpu.memory_space<vmem>>) target_semaphore(%run_scoped3A : memref<!tpu.dma_semaphore, #tpu.memory_space<semaphore_mem>>)
      %dma_wait3A = tpu.memref_slice %arg13[%mul3A_4] : memref<10240xf32, #tpu.memory_space<vmem_shared>> -> memref<640xf32, #tpu.memory_space<vmem_shared>>
      %dma_wait3A_38 = tpu.memref_slice %arg13[%mul3A_4] : memref<10240xf32, #tpu.memory_space<vmem_shared>> -> memref<640xf32, #tpu.memory_space<vmem_shared>>
      tpu.wait_dma2 semaphore(%run_scoped3A : memref<!tpu.dma_semaphore, #tpu.memory_space<semaphore_mem>>) src(%dma_wait3A_38 : memref<640xf32, #tpu.memory_space<vmem_shared>>) dst(%arg10 : memref<640xf32, #tpu.memory_space<vmem>>)
      tpu.yield
    }) : () -> ()
    %mul3A_25 = arith.constant 10240 : i32
    %mul3A_26 = arith.muli %arg0, %mul3A_25 : i32
    %mul3A_27 = arith.constant 640 : i32
    %mul3A_28 = arith.muli %arg1, %mul3A_27 : i32
    %add3A_29 = arith.addi %mul3A_26, %mul3A_28 : i32
    "tpu.region"() ({
      %run_scoped3A = tpu.sem_alloc : memref<!tpu.dma_semaphore, #tpu.memory_space<semaphore_mem>>
      %dma_start3A = tpu.memref_slice %arg5[%add3A_29] : memref<40960xf32, #tpu.memory_space<hbm>> -> memref<640xf32, #tpu.memory_space<hbm>>
      %dma_start3A_37 = tpu.memref_slice %arg5[%add3A_29] : memref<40960xf32, #tpu.memory_space<hbm>> -> memref<640xf32, #tpu.memory_space<hbm>>
      tpu.enqueue_dma source(%arg10 : memref<640xf32, #tpu.memory_space<vmem>>) target(%dma_start3A_37 : memref<640xf32, #tpu.memory_space<hbm>>) target_semaphore(%run_scoped3A : memref<!tpu.dma_semaphore, #tpu.memory_space<semaphore_mem>>)
      %dma_wait3A = tpu.memref_slice %arg5[%add3A_29] : memref<40960xf32, #tpu.memory_space<hbm>> -> memref<640xf32, #tpu.memory_space<hbm>>
      %dma_wait3A_38 = tpu.memref_slice %arg5[%add3A_29] : memref<40960xf32, #tpu.memory_space<hbm>> -> memref<640xf32, #tpu.memory_space<hbm>>
      tpu.wait_dma2 semaphore(%run_scoped3A : memref<!tpu.dma_semaphore, #tpu.memory_space<semaphore_mem>>) src(%arg10 : memref<640xf32, #tpu.memory_space<vmem>>) dst(%dma_wait3A_38 : memref<640xf32, #tpu.memory_space<hbm>>)
      tpu.yield
    }) : () -> ()
    "tpu.region"() ({
      %run_scoped3A = tpu.sem_alloc : memref<!tpu.dma_semaphore, #tpu.memory_space<semaphore_mem>>
      %dma_start3A = tpu.memref_slice %arg14[%mul3A_4] : memref<10240xf32, #tpu.memory_space<vmem_shared>> -> memref<640xf32, #tpu.memory_space<vmem_shared>>
      %dma_start3A_37 = tpu.memref_slice %arg14[%mul3A_4] : memref<10240xf32, #tpu.memory_space<vmem_shared>> -> memref<640xf32, #tpu.memory_space<vmem_shared>>
      tpu.enqueue_dma source(%dma_start3A_37 : memref<640xf32, #tpu.memory_space<vmem_shared>>) target(%arg10 : memref<640xf32, #tpu.memory_space<vmem>>) target_semaphore(%run_scoped3A : memref<!tpu.dma_semaphore, #tpu.memory_space<semaphore_mem>>)
      %dma_wait3A = tpu.memref_slice %arg14[%mul3A_4] : memref<10240xf32, #tpu.memory_space<vmem_shared>> -> memref<640xf32, #tpu.memory_space<vmem_shared>>
      %dma_wait3A_38 = tpu.memref_slice %arg14[%mul3A_4] : memref<10240xf32, #tpu.memory_space<vmem_shared>> -> memref<640xf32, #tpu.memory_space<vmem_shared>>
      tpu.wait_dma2 semaphore(%run_scoped3A : memref<!tpu.dma_semaphore, #tpu.memory_space<semaphore_mem>>) src(%dma_wait3A_38 : memref<640xf32, #tpu.memory_space<vmem_shared>>) dst(%arg10 : memref<640xf32, #tpu.memory_space<vmem>>)
      tpu.yield
    }) : () -> ()
    %mul3A_30 = arith.constant 10240 : i32
    %mul3A_31 = arith.muli %arg0, %mul3A_30 : i32
    %add3A_32 = arith.constant 20480 : i32
    %add3A_33 = arith.addi %add3A_32, %mul3A_31 : i32
    %mul3A_34 = arith.constant 640 : i32
    %mul3A_35 = arith.muli %arg1, %mul3A_34 : i32
    %add3A_36 = arith.addi %add3A_33, %mul3A_35 : i32
    "tpu.region"() ({
      %run_scoped3A = tpu.sem_alloc : memref<!tpu.dma_semaphore, #tpu.memory_space<semaphore_mem>>
      %dma_start3A = tpu.memref_slice %arg5[%add3A_36] : memref<40960xf32, #tpu.memory_space<hbm>> -> memref<640xf32, #tpu.memory_space<hbm>>
      %dma_start3A_37 = tpu.memref_slice %arg5[%add3A_36] : memref<40960xf32, #tpu.memory_space<hbm>> -> memref<640xf32, #tpu.memory_space<hbm>>
      tpu.enqueue_dma source(%arg10 : memref<640xf32, #tpu.memory_space<vmem>>) target(%dma_start3A_37 : memref<640xf32, #tpu.memory_space<hbm>>) target_semaphore(%run_scoped3A : memref<!tpu.dma_semaphore, #tpu.memory_space<semaphore_mem>>)
      %dma_wait3A = tpu.memref_slice %arg5[%add3A_36] : memref<40960xf32, #tpu.memory_space<hbm>> -> memref<640xf32, #tpu.memory_space<hbm>>
      %dma_wait3A_38 = tpu.memref_slice %arg5[%add3A_36] : memref<40960xf32, #tpu.memory_space<hbm>> -> memref<640xf32, #tpu.memory_space<hbm>>
      tpu.wait_dma2 semaphore(%run_scoped3A : memref<!tpu.dma_semaphore, #tpu.memory_space<semaphore_mem>>) src(%arg10 : memref<640xf32, #tpu.memory_space<vmem>>) dst(%dma_wait3A_38 : memref<640xf32, #tpu.memory_space<hbm>>)
      tpu.yield
    }) : () -> ()
    return
  }
}

#map = affine_map<(d0, d1) -> (0)>
module attributes {stable_mosaic.version = 14 : i64} {
  func.func @k3(%arg0: i32, %arg1: i32, %arg2: memref<163840xi32, #tpu.memory_space<hbm>>, %arg3: memref<163840xi32, #tpu.memory_space<hbm>>, %arg4: memref<20480xf32, #tpu.memory_space<hbm>>, %arg5: memref<10240xf32, #tpu.memory_space<hbm>>, %arg6: memref<20480xf32, #tpu.memory_space<hbm>>, %arg7: memref<5120xi32, #tpu.memory_space<vmem>>, %arg8: memref<5120xi32, #tpu.memory_space<vmem>>, %arg9: memref<640xf32, #tpu.memory_space<vmem>>, %arg10: memref<640xf32, #tpu.memory_space<vmem>>, %arg11: memref<128xf32, #tpu.memory_space<vmem>>, %arg12: memref<10240xf32, #tpu.memory_space<vmem_shared>>, %arg13: memref<10240xf32, #tpu.memory_space<vmem_shared>>, %arg14: memref<!tpu.dma_semaphore, #tpu.memory_space<semaphore_mem>>) attributes {dimension_semantics = [#tpu.dimension_semantics<core_parallel>, #tpu.dimension_semantics<subcore_parallel>], iteration_bounds = array<i64: 2, 16>, scalar_prefetch = 0 : i64, scratch_operands = 8 : i64, tpu.core_type = #tpu.core_type<sc_vector_subcore>, window_params = [{transform_indices = #map}, {transform_indices = #map}, {transform_indices = #map}, {transform_indices = #map}, {transform_indices = #map}]} {
    %mul3A = arith.constant 81920 : i32
    %mul3A_0 = arith.muli %arg0, %mul3A : i32
    %mul3A_1 = arith.constant 5120 : i32
    %mul3A_2 = arith.muli %arg1, %mul3A_1 : i32
    %add3A = arith.addi %mul3A_0, %mul3A_2 : i32
    "tpu.region"() ({
      %run_scoped3A = tpu.sem_alloc : memref<!tpu.dma_semaphore, #tpu.memory_space<semaphore_mem>>
      %dma_start3A = tpu.memref_slice %arg2[%add3A] : memref<163840xi32, #tpu.memory_space<hbm>> -> memref<5120xi32, #tpu.memory_space<hbm>>
      %dma_start3A_39 = tpu.memref_slice %arg2[%add3A] : memref<163840xi32, #tpu.memory_space<hbm>> -> memref<5120xi32, #tpu.memory_space<hbm>>
      tpu.enqueue_dma source(%dma_start3A_39 : memref<5120xi32, #tpu.memory_space<hbm>>) target(%arg7 : memref<5120xi32, #tpu.memory_space<vmem>>) target_semaphore(%run_scoped3A : memref<!tpu.dma_semaphore, #tpu.memory_space<semaphore_mem>>)
      %dma_wait3A = tpu.memref_slice %arg2[%add3A] : memref<163840xi32, #tpu.memory_space<hbm>> -> memref<5120xi32, #tpu.memory_space<hbm>>
      %dma_wait3A_40 = tpu.memref_slice %arg2[%add3A] : memref<163840xi32, #tpu.memory_space<hbm>> -> memref<5120xi32, #tpu.memory_space<hbm>>
      tpu.wait_dma2 semaphore(%run_scoped3A : memref<!tpu.dma_semaphore, #tpu.memory_space<semaphore_mem>>) src(%dma_wait3A_40 : memref<5120xi32, #tpu.memory_space<hbm>>) dst(%arg7 : memref<5120xi32, #tpu.memory_space<vmem>>)
      tpu.yield
    }) : () -> ()
    "tpu.region"() ({
      %run_scoped3A = tpu.sem_alloc : memref<!tpu.dma_semaphore, #tpu.memory_space<semaphore_mem>>
      %dma_start3A = tpu.memref_slice %arg3[%add3A] : memref<163840xi32, #tpu.memory_space<hbm>> -> memref<5120xi32, #tpu.memory_space<hbm>>
      %dma_start3A_39 = tpu.memref_slice %arg3[%add3A] : memref<163840xi32, #tpu.memory_space<hbm>> -> memref<5120xi32, #tpu.memory_space<hbm>>
      tpu.enqueue_dma source(%dma_start3A_39 : memref<5120xi32, #tpu.memory_space<hbm>>) target(%arg8 : memref<5120xi32, #tpu.memory_space<vmem>>) target_semaphore(%run_scoped3A : memref<!tpu.dma_semaphore, #tpu.memory_space<semaphore_mem>>)
      %dma_wait3A = tpu.memref_slice %arg3[%add3A] : memref<163840xi32, #tpu.memory_space<hbm>> -> memref<5120xi32, #tpu.memory_space<hbm>>
      %dma_wait3A_40 = tpu.memref_slice %arg3[%add3A] : memref<163840xi32, #tpu.memory_space<hbm>> -> memref<5120xi32, #tpu.memory_space<hbm>>
      tpu.wait_dma2 semaphore(%run_scoped3A : memref<!tpu.dma_semaphore, #tpu.memory_space<semaphore_mem>>) src(%dma_wait3A_40 : memref<5120xi32, #tpu.memory_space<hbm>>) dst(%arg8 : memref<5120xi32, #tpu.memory_space<vmem>>)
      tpu.yield
    }) : () -> ()
    %mul3A_3 = arith.constant 640 : i32
    %mul3A_4 = arith.muli %arg1, %mul3A_3 : i32
    %mul3A_5 = arith.constant 640 : i32
    %mul3A_6 = arith.muli %arg1, %mul3A_5 : i32
    "tpu.region"() ({
      %run_scoped3A = tpu.sem_alloc : memref<!tpu.dma_semaphore, #tpu.memory_space<semaphore_mem>>
      %dma_start3A = tpu.memref_slice %arg4[%mul3A_6] : memref<20480xf32, #tpu.memory_space<hbm>> -> memref<640xf32, #tpu.memory_space<hbm>>
      %dma_start3A_39 = tpu.memref_slice %arg4[%mul3A_6] : memref<20480xf32, #tpu.memory_space<hbm>> -> memref<640xf32, #tpu.memory_space<hbm>>
      tpu.enqueue_dma source(%dma_start3A_39 : memref<640xf32, #tpu.memory_space<hbm>>) target(%arg9 : memref<640xf32, #tpu.memory_space<vmem>>) target_semaphore(%run_scoped3A : memref<!tpu.dma_semaphore, #tpu.memory_space<semaphore_mem>>)
      %dma_wait3A = tpu.memref_slice %arg4[%mul3A_6] : memref<20480xf32, #tpu.memory_space<hbm>> -> memref<640xf32, #tpu.memory_space<hbm>>
      %dma_wait3A_40 = tpu.memref_slice %arg4[%mul3A_6] : memref<20480xf32, #tpu.memory_space<hbm>> -> memref<640xf32, #tpu.memory_space<hbm>>
      tpu.wait_dma2 semaphore(%run_scoped3A : memref<!tpu.dma_semaphore, #tpu.memory_space<semaphore_mem>>) src(%dma_wait3A_40 : memref<640xf32, #tpu.memory_space<hbm>>) dst(%arg9 : memref<640xf32, #tpu.memory_space<vmem>>)
      tpu.yield
    }) : () -> ()
    %mul3A_7 = arith.constant 640 : i32
    %mul3A_8 = arith.muli %arg1, %mul3A_7 : i32
    %add3A_9 = arith.constant 10240 : i32
    %add3A_10 = arith.addi %add3A_9, %mul3A_8 : i32
    "tpu.region"() ({
      %run_scoped3A = tpu.sem_alloc : memref<!tpu.dma_semaphore, #tpu.memory_space<semaphore_mem>>
      %dma_start3A = tpu.memref_slice %arg4[%add3A_10] : memref<20480xf32, #tpu.memory_space<hbm>> -> memref<640xf32, #tpu.memory_space<hbm>>
      %dma_start3A_39 = tpu.memref_slice %arg4[%add3A_10] : memref<20480xf32, #tpu.memory_space<hbm>> -> memref<640xf32, #tpu.memory_space<hbm>>
      tpu.enqueue_dma source(%dma_start3A_39 : memref<640xf32, #tpu.memory_space<hbm>>) target(%arg10 : memref<640xf32, #tpu.memory_space<vmem>>) target_semaphore(%run_scoped3A : memref<!tpu.dma_semaphore, #tpu.memory_space<semaphore_mem>>)
      %dma_wait3A = tpu.memref_slice %arg4[%add3A_10] : memref<20480xf32, #tpu.memory_space<hbm>> -> memref<640xf32, #tpu.memory_space<hbm>>
      %dma_wait3A_40 = tpu.memref_slice %arg4[%add3A_10] : memref<20480xf32, #tpu.memory_space<hbm>> -> memref<640xf32, #tpu.memory_space<hbm>>
      tpu.wait_dma2 semaphore(%run_scoped3A : memref<!tpu.dma_semaphore, #tpu.memory_space<semaphore_mem>>) src(%dma_wait3A_40 : memref<640xf32, #tpu.memory_space<hbm>>) dst(%arg10 : memref<640xf32, #tpu.memory_space<vmem>>)
      tpu.yield
    }) : () -> ()
    %scan3A = arith.constant 0 : i32
    %scan3A_11 = arith.constant 0 : i32
    %scan3A_12 = arith.constant 40 : i32
    %scan3A_13 = arith.addi %scan3A_11, %scan3A_12 : i32
    %scan3A_14 = arith.constant 1 : i32
    %scan3A_15 = scf.for %scan3A_39 = %scan3A_11 to %scan3A_13 step %scan3A_14 iter_args(%scan3A_40 = %scan3A) -> (i32)  : i32 {
      %mul3A_41 = arith.constant 16 : i32
      %mul3A_42 = arith.muli %scan3A_39, %mul3A_41 : i32
      %get3A = arith.index_cast %mul3A_42 : i32 to index
      %get3A_43 = tpu.vector_load %arg9[%get3A] {strides = array<i32>} : memref<640xf32, #tpu.memory_space<vmem>>, vector<16xf32>,
      %get3A_44 = arith.index_cast %mul3A_42 : i32 to index
      %get3A_45 = tpu.vector_load %arg10[%get3A_44] {strides = array<i32>} : memref<640xf32, #tpu.memory_space<vmem>>, vector<16xf32>,
      %add3A_46 = arith.addf %get3A_43, %get3A_45 : vector<16xf32>
      %add3A_47 = arith.constant 1.000000e+00 : f32
      %add3A_48 = vector.broadcast %add3A_47 : f32 to vector<16xf32>
      %add3A_49 = arith.addf %add3A_46, %add3A_48 : vector<16xf32>
      %bitcast3A = vector.bitcast %add3A_49 : vector<16xf32> to vector<16xi32>
      %shift_right_logical3A = arith.constant 1 : i32
      %shift_right_logical3A_50 = vector.broadcast %shift_right_logical3A : i32 to vector<16xi32>
      %shift_right_logical3A_51 = arith.shrui %bitcast3A, %shift_right_logical3A_50 : vector<16xi32>
      %sub3A = arith.constant 1597463007 : i32
      %sub3A_52 = vector.broadcast %sub3A : i32 to vector<16xi32>
      %sub3A_53 = arith.subi %sub3A_52, %shift_right_logical3A_51 : vector<16xi32>
      %bitcast3A_54 = vector.bitcast %sub3A_53 : vector<16xi32> to vector<16xf32>
      %mul3A_55 = arith.constant 5.000000e-01 : f32
      %mul3A_56 = vector.broadcast %mul3A_55 : f32 to vector<16xf32>
      %mul3A_57 = arith.mulf %mul3A_56, %add3A_49 : vector<16xf32>
      %mul3A_58 = arith.mulf %mul3A_57, %bitcast3A_54 : vector<16xf32>
      %mul3A_59 = arith.mulf %mul3A_58, %bitcast3A_54 : vector<16xf32>
      %sub3A_60 = arith.constant 1.500000e+00 : f32
      %sub3A_61 = vector.broadcast %sub3A_60 : f32 to vector<16xf32>
      %sub3A_62 = arith.subf %sub3A_61, %mul3A_59 : vector<16xf32>
      %mul3A_63 = arith.mulf %bitcast3A_54, %sub3A_62 : vector<16xf32>
      %mul3A_64 = arith.constant 5.000000e-01 : f32
      %mul3A_65 = vector.broadcast %mul3A_64 : f32 to vector<16xf32>
      %mul3A_66 = arith.mulf %mul3A_65, %add3A_49 : vector<16xf32>
      %mul3A_67 = arith.mulf %mul3A_66, %mul3A_63 : vector<16xf32>
      %mul3A_68 = arith.mulf %mul3A_67, %mul3A_63 : vector<16xf32>
      %sub3A_69 = arith.constant 1.500000e+00 : f32
      %sub3A_70 = vector.broadcast %sub3A_69 : f32 to vector<16xf32>
      %sub3A_71 = arith.subf %sub3A_70, %mul3A_68 : vector<16xf32>
      %mul3A_72 = arith.mulf %mul3A_63, %sub3A_71 : vector<16xf32>
      %mul3A_73 = arith.constant 5.000000e-01 : f32
      %mul3A_74 = vector.broadcast %mul3A_73 : f32 to vector<16xf32>
      %mul3A_75 = arith.mulf %mul3A_74, %add3A_49 : vector<16xf32>
      %mul3A_76 = arith.mulf %mul3A_75, %mul3A_72 : vector<16xf32>
      %mul3A_77 = arith.mulf %mul3A_76, %mul3A_72 : vector<16xf32>
      %sub3A_78 = arith.constant 1.500000e+00 : f32
      %sub3A_79 = vector.broadcast %sub3A_78 : f32 to vector<16xf32>
      %sub3A_80 = arith.subf %sub3A_79, %mul3A_77 : vector<16xf32>
      %mul3A_81 = arith.mulf %mul3A_72, %sub3A_80 : vector<16xf32>
      %swap3A = arith.index_cast %mul3A_42 : i32 to index
      %swap3A_82 = tpu.vector_load %arg9[%swap3A] {strides = array<i32>} : memref<640xf32, #tpu.memory_space<vmem>>, vector<16xf32>,
      tpu.vector_store %arg9[%swap3A], %mul3A_81 {strides = array<i32>} : memref<640xf32, #tpu.memory_space<vmem>>, vector<16xf32>,
      %scan3A_83 = arith.constant 0 : i32
      scf.yield %scan3A_83 : i32
    }
    %scan3A_16 = arith.constant 40 : i32
    %mul3A_17 = arith.constant 640 : i32
    %mul3A_18 = arith.muli %arg1, %mul3A_17 : i32
    "tpu.region"() ({
      %run_scoped3A = tpu.sem_alloc : memref<!tpu.dma_semaphore, #tpu.memory_space<semaphore_mem>>
      %dma_start3A = tpu.memref_slice %arg5[%mul3A_18] : memref<10240xf32, #tpu.memory_space<hbm>> -> memref<640xf32, #tpu.memory_space<hbm>>
      %dma_start3A_39 = tpu.memref_slice %arg5[%mul3A_18] : memref<10240xf32, #tpu.memory_space<hbm>> -> memref<640xf32, #tpu.memory_space<hbm>>
      tpu.enqueue_dma source(%dma_start3A_39 : memref<640xf32, #tpu.memory_space<hbm>>) target(%arg10 : memref<640xf32, #tpu.memory_space<vmem>>) target_semaphore(%run_scoped3A : memref<!tpu.dma_semaphore, #tpu.memory_space<semaphore_mem>>)
      %dma_wait3A = tpu.memref_slice %arg5[%mul3A_18] : memref<10240xf32, #tpu.memory_space<hbm>> -> memref<640xf32, #tpu.memory_space<hbm>>
      %dma_wait3A_40 = tpu.memref_slice %arg5[%mul3A_18] : memref<10240xf32, #tpu.memory_space<hbm>> -> memref<640xf32, #tpu.memory_space<hbm>>
      tpu.wait_dma2 semaphore(%run_scoped3A : memref<!tpu.dma_semaphore, #tpu.memory_space<semaphore_mem>>) src(%dma_wait3A_40 : memref<640xf32, #tpu.memory_space<hbm>>) dst(%arg10 : memref<640xf32, #tpu.memory_space<vmem>>)
      tpu.yield
    }) : () -> ()
    %scan3A_19 = arith.constant 0 : i32
    %scan3A_20 = arith.constant 0 : i32
    %scan3A_21 = arith.constant 40 : i32
    %scan3A_22 = arith.addi %scan3A_20, %scan3A_21 : i32
    %scan3A_23 = arith.constant 1 : i32
    %scan3A_24 = scf.for %scan3A_39 = %scan3A_20 to %scan3A_22 step %scan3A_23 iter_args(%scan3A_40 = %scan3A_19) -> (i32)  : i32 {
      %mul3A_41 = arith.constant 16 : i32
      %mul3A_42 = arith.muli %scan3A_39, %mul3A_41 : i32
      %get3A = arith.index_cast %mul3A_42 : i32 to index
      %get3A_43 = tpu.vector_load %arg9[%get3A] {strides = array<i32>} : memref<640xf32, #tpu.memory_space<vmem>>, vector<16xf32>,
      %get3A_44 = arith.index_cast %mul3A_42 : i32 to index
      %get3A_45 = tpu.vector_load %arg10[%get3A_44] {strides = array<i32>} : memref<640xf32, #tpu.memory_space<vmem>>, vector<16xf32>,
      %mul3A_46 = arith.mulf %get3A_43, %get3A_45 : vector<16xf32>
      %swap3A = arith.index_cast %mul3A_42 : i32 to index
      %swap3A_47 = tpu.vector_load %arg9[%swap3A] {strides = array<i32>} : memref<640xf32, #tpu.memory_space<vmem>>, vector<16xf32>,
      tpu.vector_store %arg9[%swap3A], %mul3A_46 {strides = array<i32>} : memref<640xf32, #tpu.memory_space<vmem>>, vector<16xf32>,
      %broadcast_in_dim3A = arith.constant 0.000000e+00 : f32
      %broadcast_in_dim3A_48 = vector.broadcast %broadcast_in_dim3A : f32 to vector<16xf32>
      %swap3A_49 = arith.index_cast %mul3A_42 : i32 to index
      %swap3A_50 = tpu.vector_load %arg10[%swap3A_49] {strides = array<i32>} : memref<640xf32, #tpu.memory_space<vmem>>, vector<16xf32>,
      tpu.vector_store %arg10[%swap3A_49], %broadcast_in_dim3A_48 {strides = array<i32>} : memref<640xf32, #tpu.memory_space<vmem>>, vector<16xf32>,
      %scan3A_51 = arith.constant 0 : i32
      scf.yield %scan3A_51 : i32
    }
    %scan3A_25 = arith.constant 40 : i32
    "tpu.region"() ({
      %run_scoped3A = tpu.sem_alloc : memref<!tpu.dma_semaphore, #tpu.memory_space<semaphore_mem>>
      %dma_start3A = tpu.memref_slice %arg12[%mul3A_4] : memref<10240xf32, #tpu.memory_space<vmem_shared>> -> memref<640xf32, #tpu.memory_space<vmem_shared>>
      %dma_start3A_39 = tpu.memref_slice %arg12[%mul3A_4] : memref<10240xf32, #tpu.memory_space<vmem_shared>> -> memref<640xf32, #tpu.memory_space<vmem_shared>>
      tpu.enqueue_dma source(%arg9 : memref<640xf32, #tpu.memory_space<vmem>>) target(%dma_start3A_39 : memref<640xf32, #tpu.memory_space<vmem_shared>>) target_semaphore(%run_scoped3A : memref<!tpu.dma_semaphore, #tpu.memory_space<semaphore_mem>>)
      %dma_wait3A = tpu.memref_slice %arg12[%mul3A_4] : memref<10240xf32, #tpu.memory_space<vmem_shared>> -> memref<640xf32, #tpu.memory_space<vmem_shared>>
      %dma_wait3A_40 = tpu.memref_slice %arg12[%mul3A_4] : memref<10240xf32, #tpu.memory_space<vmem_shared>> -> memref<640xf32, #tpu.memory_space<vmem_shared>>
      tpu.wait_dma2 semaphore(%run_scoped3A : memref<!tpu.dma_semaphore, #tpu.memory_space<semaphore_mem>>) src(%arg9 : memref<640xf32, #tpu.memory_space<vmem>>) dst(%dma_wait3A_40 : memref<640xf32, #tpu.memory_space<vmem_shared>>)
      tpu.yield
    }) : () -> ()
    "tpu.region"() ({
      %run_scoped3A = tpu.sem_alloc : memref<!tpu.dma_semaphore, #tpu.memory_space<semaphore_mem>>
      %dma_start3A = tpu.memref_slice %arg13[%mul3A_4] : memref<10240xf32, #tpu.memory_space<vmem_shared>> -> memref<640xf32, #tpu.memory_space<vmem_shared>>
      %dma_start3A_39 = tpu.memref_slice %arg13[%mul3A_4] : memref<10240xf32, #tpu.memory_space<vmem_shared>> -> memref<640xf32, #tpu.memory_space<vmem_shared>>
      tpu.enqueue_dma source(%arg10 : memref<640xf32, #tpu.memory_space<vmem>>) target(%dma_start3A_39 : memref<640xf32, #tpu.memory_space<vmem_shared>>) target_semaphore(%run_scoped3A : memref<!tpu.dma_semaphore, #tpu.memory_space<semaphore_mem>>)
      %dma_wait3A = tpu.memref_slice %arg13[%mul3A_4] : memref<10240xf32, #tpu.memory_space<vmem_shared>> -> memref<640xf32, #tpu.memory_space<vmem_shared>>
      %dma_wait3A_40 = tpu.memref_slice %arg13[%mul3A_4] : memref<10240xf32, #tpu.memory_space<vmem_shared>> -> memref<640xf32, #tpu.memory_space<vmem_shared>>
      tpu.wait_dma2 semaphore(%run_scoped3A : memref<!tpu.dma_semaphore, #tpu.memory_space<semaphore_mem>>) src(%arg10 : memref<640xf32, #tpu.memory_space<vmem>>) dst(%dma_wait3A_40 : memref<640xf32, #tpu.memory_space<vmem_shared>>)
      tpu.yield
    }) : () -> ()
    %barrier3A = arith.constant 0 : index
    tpu.barrier barrier_id(%barrier3A)
    %scan3A_26 = arith.constant 0 : i32
    %scan3A_27 = arith.constant 0 : i32
    %scan3A_28 = arith.constant 40 : i32
    %scan3A_29 = arith.addi %scan3A_27, %scan3A_28 : i32
    %scan3A_30 = arith.constant 1 : i32
    %scan3A_31 = scf.for %scan3A_39 = %scan3A_27 to %scan3A_29 step %scan3A_30 iter_args(%scan3A_40 = %scan3A_26) -> (i32)  : i32 {
      %mul3A_41 = arith.constant 128 : i32
      %mul3A_42 = arith.muli %scan3A_39, %mul3A_41 : i32
      %dma_start3A = tpu.memref_slice %arg7[%mul3A_42] : memref<5120xi32, #tpu.memory_space<vmem>> -> memref<128xi32, #tpu.memory_space<vmem>>
      %dma_start3A_43 = arith.constant 0 : i32
      %dma_start3A_44 = tpu.memref_slice %arg12[%dma_start3A_43] : memref<10240xf32, #tpu.memory_space<vmem_shared>> -> memref<10240xf32, #tpu.memory_space<vmem_shared>>
      tpu.enqueue_indirect_dma source(%dma_start3A_44 : memref<10240xf32, #tpu.memory_space<vmem_shared>>) target(%arg11 : memref<128xf32, #tpu.memory_space<vmem>>) offsets(%dma_start3A : memref<128xi32, #tpu.memory_space<vmem>>) semaphore(%arg14 : memref<!tpu.dma_semaphore, #tpu.memory_space<semaphore_mem>>)
      %dma_wait3A = tpu.memref_slice %arg7[%mul3A_42] : memref<5120xi32, #tpu.memory_space<vmem>> -> memref<128xi32, #tpu.memory_space<vmem>>
      %dma_wait3A_45 = arith.constant 0 : i32
      %dma_wait3A_46 = tpu.memref_slice %arg12[%dma_wait3A_45] : memref<10240xf32, #tpu.memory_space<vmem_shared>> -> memref<10240xf32, #tpu.memory_space<vmem_shared>>
      tpu.wait_indirect_dma semaphore(%arg14 : memref<!tpu.dma_semaphore, #tpu.memory_space<semaphore_mem>>) src(%dma_wait3A_46 : memref<10240xf32, #tpu.memory_space<vmem_shared>>) dst(%arg11 : memref<128xf32, #tpu.memory_space<vmem>>)
      "tpu.region"() ({
        %run_scoped3A = tpu.sem_alloc : memref<!tpu.dma_semaphore, #tpu.memory_space<semaphore_mem>>
        %dma_start3A_48 = tpu.memref_slice %arg8[%mul3A_42] : memref<5120xi32, #tpu.memory_space<vmem>> -> memref<128xi32, #tpu.memory_space<vmem>>
        %dma_start3A_49 = arith.constant 0 : i32
        %dma_start3A_50 = tpu.memref_slice %arg13[%dma_start3A_49] : memref<10240xf32, #tpu.memory_space<vmem_shared>> -> memref<10240xf32, #tpu.memory_space<vmem_shared>>
        tpu.enqueue_indirect_dma source(%arg11 : memref<128xf32, #tpu.memory_space<vmem>>) target(%dma_start3A_50 : memref<10240xf32, #tpu.memory_space<vmem_shared>>) offsets(%dma_start3A_48 : memref<128xi32, #tpu.memory_space<vmem>>) semaphore(%run_scoped3A : memref<!tpu.dma_semaphore, #tpu.memory_space<semaphore_mem>>) {add = true}
        %dma_wait3A_51 = tpu.memref_slice %arg8[%mul3A_42] : memref<5120xi32, #tpu.memory_space<vmem>> -> memref<128xi32, #tpu.memory_space<vmem>>
        %dma_wait3A_52 = arith.constant 0 : i32
        %dma_wait3A_53 = tpu.memref_slice %arg13[%dma_wait3A_52] : memref<10240xf32, #tpu.memory_space<vmem_shared>> -> memref<10240xf32, #tpu.memory_space<vmem_shared>>
        tpu.wait_indirect_dma semaphore(%run_scoped3A : memref<!tpu.dma_semaphore, #tpu.memory_space<semaphore_mem>>) src(%arg11 : memref<128xf32, #tpu.memory_space<vmem>>) dst(%dma_wait3A_53 : memref<10240xf32, #tpu.memory_space<vmem_shared>>)
        tpu.yield
      }) : () -> ()
      %scan3A_47 = arith.constant 0 : i32
      scf.yield %scan3A_47 : i32
    }
    %scan3A_32 = arith.constant 40 : i32
    %barrier3A_33 = arith.constant 0 : index
    tpu.barrier barrier_id(%barrier3A_33)
    "tpu.region"() ({
      %run_scoped3A = tpu.sem_alloc : memref<!tpu.dma_semaphore, #tpu.memory_space<semaphore_mem>>
      %dma_start3A = tpu.memref_slice %arg13[%mul3A_4] : memref<10240xf32, #tpu.memory_space<vmem_shared>> -> memref<640xf32, #tpu.memory_space<vmem_shared>>
      %dma_start3A_39 = tpu.memref_slice %arg13[%mul3A_4] : memref<10240xf32, #tpu.memory_space<vmem_shared>> -> memref<640xf32, #tpu.memory_space<vmem_shared>>
      tpu.enqueue_dma source(%dma_start3A_39 : memref<640xf32, #tpu.memory_space<vmem_shared>>) target(%arg9 : memref<640xf32, #tpu.memory_space<vmem>>) target_semaphore(%run_scoped3A : memref<!tpu.dma_semaphore, #tpu.memory_space<semaphore_mem>>)
      %dma_wait3A = tpu.memref_slice %arg13[%mul3A_4] : memref<10240xf32, #tpu.memory_space<vmem_shared>> -> memref<640xf32, #tpu.memory_space<vmem_shared>>
      %dma_wait3A_40 = tpu.memref_slice %arg13[%mul3A_4] : memref<10240xf32, #tpu.memory_space<vmem_shared>> -> memref<640xf32, #tpu.memory_space<vmem_shared>>
      tpu.wait_dma2 semaphore(%run_scoped3A : memref<!tpu.dma_semaphore, #tpu.memory_space<semaphore_mem>>) src(%dma_wait3A_40 : memref<640xf32, #tpu.memory_space<vmem_shared>>) dst(%arg9 : memref<640xf32, #tpu.memory_space<vmem>>)
      tpu.yield
    }) : () -> ()
    %mul3A_34 = arith.constant 10240 : i32
    %mul3A_35 = arith.muli %arg0, %mul3A_34 : i32
    %mul3A_36 = arith.constant 640 : i32
    %mul3A_37 = arith.muli %arg1, %mul3A_36 : i32
    %add3A_38 = arith.addi %mul3A_35, %mul3A_37 : i32
    "tpu.region"() ({
      %run_scoped3A = tpu.sem_alloc : memref<!tpu.dma_semaphore, #tpu.memory_space<semaphore_mem>>
      %dma_start3A = tpu.memref_slice %arg6[%add3A_38] : memref<20480xf32, #tpu.memory_space<hbm>> -> memref<640xf32, #tpu.memory_space<hbm>>
      %dma_start3A_39 = tpu.memref_slice %arg6[%add3A_38] : memref<20480xf32, #tpu.memory_space<hbm>> -> memref<640xf32, #tpu.memory_space<hbm>>
      tpu.enqueue_dma source(%arg9 : memref<640xf32, #tpu.memory_space<vmem>>) target(%dma_start3A_39 : memref<640xf32, #tpu.memory_space<hbm>>) target_semaphore(%run_scoped3A : memref<!tpu.dma_semaphore, #tpu.memory_space<semaphore_mem>>)
      %dma_wait3A = tpu.memref_slice %arg6[%add3A_38] : memref<20480xf32, #tpu.memory_space<hbm>> -> memref<640xf32, #tpu.memory_space<hbm>>
      %dma_wait3A_40 = tpu.memref_slice %arg6[%add3A_38] : memref<20480xf32, #tpu.memory_space<hbm>> -> memref<640xf32, #tpu.memory_space<hbm>>
      tpu.wait_dma2 semaphore(%run_scoped3A : memref<!tpu.dma_semaphore, #tpu.memory_space<semaphore_mem>>) src(%arg9 : memref<640xf32, #tpu.memory_space<vmem>>) dst(%dma_wait3A_40 : memref<640xf32, #tpu.memory_space<hbm>>)
      tpu.yield
    }) : () -> ()
    return
  }
}

module attributes {stable_mosaic.version = 14 : i64} {
  func.func @body(%arg0: i32, %arg1: memref<2x10240xf32, #tpu.memory_space<vmem>>, %arg2: memref<2x10240xf32, #tpu.memory_space<vmem>>, %arg3: memref<2x10240xf32, #tpu.memory_space<vmem>>, %arg4: memref<1x10240xf32, #tpu.memory_space<vmem>>, %arg5: memref<1x256xf32, #tpu.memory_space<vmem>>, %arg6: memref<256x256xf32, #tpu.memory_space<vmem>>, %arg7: memref<256x256xf32, #tpu.memory_space<vmem>>, %arg8: memref<256x256xf32, #tpu.memory_space<vmem>>, %arg9: memref<256x1xf32, #tpu.memory_space<vmem>>, %arg10: memref<1x256xf32, #tpu.memory_space<vmem>>, %arg11: memref<1x1xf32, #tpu.memory_space<vmem>>, %arg12: memref<2x10240xf32, #tpu.memory_space<vmem>>, %arg13: memref<2x256xf32, #tpu.memory_space<vmem>>, %arg14: memref<256x1xf32, #tpu.memory_space<vmem>>, %arg15: memref<1x16xf32, #tpu.memory_space<vmem>>) attributes {dimension_semantics = [#tpu.dimension_semantics<arbitrary>], iteration_bounds = array<i64: 1>, scalar_prefetch = 0 : i64, scratch_operands = 0 : i64, tpu.core_type = #tpu.core_type<tc>, window_params = [{pipeline_mode = #tpu.pipeline_mode<synchronous>, transform_indices = @transform_0, window_bounds = array<i64: 2, 10240>}, {pipeline_mode = #tpu.pipeline_mode<synchronous>, transform_indices = @transform_1, window_bounds = array<i64: 2, 10240>}, {pipeline_mode = #tpu.pipeline_mode<synchronous>, transform_indices = @transform_2, window_bounds = array<i64: 2, 10240>}, {pipeline_mode = #tpu.pipeline_mode<synchronous>, transform_indices = @transform_3, window_bounds = array<i64: 1, 10240>}, {pipeline_mode = #tpu.pipeline_mode<synchronous>, transform_indices = @transform_4, window_bounds = array<i64: 1, 256>}, {pipeline_mode = #tpu.pipeline_mode<synchronous>, transform_indices = @transform_5, window_bounds = array<i64: 256, 256>}, {pipeline_mode = #tpu.pipeline_mode<synchronous>, transform_indices = @transform_6, window_bounds = array<i64: 256, 256>}, {pipeline_mode = #tpu.pipeline_mode<synchronous>, transform_indices = @transform_7, window_bounds = array<i64: 256, 256>}, {pipeline_mode = #tpu.pipeline_mode<synchronous>, transform_indices = @transform_8, window_bounds = array<i64: 256, 1>}, {pipeline_mode = #tpu.pipeline_mode<synchronous>, transform_indices = @transform_9, window_bounds = array<i64: 1, 256>}, {pipeline_mode = #tpu.pipeline_mode<synchronous>, transform_indices = @transform_10, window_bounds = array<i64: 1, 1>}, {pipeline_mode = #tpu.pipeline_mode<synchronous>, transform_indices = @transform_11, window_bounds = array<i64: 2, 10240>}, {pipeline_mode = #tpu.pipeline_mode<synchronous>, transform_indices = @transform_12, window_bounds = array<i64: 2, 256>}, {pipeline_mode = #tpu.pipeline_mode<synchronous>, transform_indices = @transform_13, window_bounds = array<i64: 256, 1>}, {pipeline_mode = #tpu.pipeline_mode<synchronous>, transform_indices = @transform_14, window_bounds = array<i64: 1, 16>}]} {
    %get3A = arith.constant 0 : index
    %get3A_0 = arith.constant 0 : index
    %get3A_1 = vector.load %arg2[%get3A, %get3A_0] : memref<2x10240xf32, #tpu.memory_space<vmem>>, vector<2x10240xf32>
    %get3A_2 = arith.constant 0 : index
    %get3A_3 = arith.constant 0 : index
    %get3A_4 = vector.load %arg3[%get3A_2, %get3A_3] : memref<2x10240xf32, #tpu.memory_space<vmem>>, vector<2x10240xf32>
    %get3A_5 = arith.constant 0 : index
    %get3A_6 = arith.constant 0 : index
    %get3A_7 = vector.load %arg1[%get3A_5, %get3A_6] : memref<2x10240xf32, #tpu.memory_space<vmem>>, vector<2x10240xf32>
    %slice3A = vector.extract_strided_slice %get3A_1 {offsets = [0, 0], sizes = [1, 10240], strides = [1, 1]} : vector<2x10240xf32> to vector<1x10240xf32>
    %slice3A_8 = vector.extract_strided_slice %get3A_1 {offsets = [1, 0], sizes = [1, 10240], strides = [1, 1]} : vector<2x10240xf32> to vector<1x10240xf32>
    %add3A = arith.addf %slice3A, %slice3A_8 : vector<1x10240xf32>
    %add3A_9 = arith.constant 1.000000e+00 : f32
    %add3A_10 = vector.broadcast %add3A_9 : f32 to vector<1x10240xf32>
    %add3A_11 = arith.addf %add3A, %add3A_10 : vector<1x10240xf32>
    %rsqrt3A = math.rsqrt %add3A_11 : vector<1x10240xf32>
    %slice3A_12 = vector.extract_strided_slice %get3A_4 {offsets = [0, 0], sizes = [1, 10240], strides = [1, 1]} : vector<2x10240xf32> to vector<1x10240xf32>
    %slice3A_13 = vector.extract_strided_slice %get3A_4 {offsets = [1, 0], sizes = [1, 10240], strides = [1, 1]} : vector<2x10240xf32> to vector<1x10240xf32>
    %add3A_14 = arith.addf %slice3A_12, %slice3A_13 : vector<1x10240xf32>
    %add3A_15 = arith.constant 1.000000e+00 : f32
    %add3A_16 = vector.broadcast %add3A_15 : f32 to vector<1x10240xf32>
    %add3A_17 = arith.addf %add3A_14, %add3A_16 : vector<1x10240xf32>
    %rsqrt3A_18 = math.rsqrt %add3A_17 : vector<1x10240xf32>
    %slice3A_19 = vector.extract_strided_slice %get3A_7 {offsets = [0, 0], sizes = [1, 10240], strides = [1, 1]} : vector<2x10240xf32> to vector<1x10240xf32>
    %slice3A_20 = vector.extract_strided_slice %get3A_7 {offsets = [1, 0], sizes = [1, 10240], strides = [1, 1]} : vector<2x10240xf32> to vector<1x10240xf32>
    %add3A_21 = arith.addf %slice3A_19, %slice3A_20 : vector<1x10240xf32>
    %get3A_22 = arith.constant 0 : index
    %get3A_23 = arith.constant 0 : index
    %get3A_24 = vector.load %arg4[%get3A_22, %get3A_23] : memref<1x10240xf32, #tpu.memory_space<vmem>>, vector<1x10240xf32>
    %mul3A = arith.mulf %rsqrt3A, %get3A_24 : vector<1x10240xf32>
    %add3A_25 = arith.addf %add3A_21, %mul3A : vector<1x10240xf32>
    %mul3A_26 = arith.mulf %rsqrt3A_18, %add3A_25 : vector<1x10240xf32>
    %mul3A_27 = arith.mulf %rsqrt3A, %mul3A_26 : vector<1x10240xf32>
    %ge3A = arith.constant 0.000000e+00 : f32
    %ge3A_28 = vector.broadcast %ge3A : f32 to vector<1x10240xf32>
    %ge3A_29 = arith.cmpf oge, %mul3A_26, %ge3A_28 : vector<1x10240xf32>
    %jit3A = arith.constant 0.000000e+00 : f32
    %broadcast_in_dim3A = vector.broadcast %jit3A : f32 to vector<1x10240xf32>
    %select_n3A = arith.select %ge3A_29, %mul3A_27, %broadcast_in_dim3A : vector<1x10240xi1>, vector<1x10240xf32>
    %sub3A = arith.subf %mul3A_27, %select_n3A : vector<1x10240xf32>
    %concatenate3A = tpu.concatenate %select_n3A, %sub3A in 0 : vector<1x10240xf32>, vector<1x10240xf32> -> vector<2x10240xf32>
    %swap3A = arith.constant 0 : index
    %swap3A_30 = arith.constant 0 : index
    %swap3A_31 = vector.load %arg12[%swap3A, %swap3A_30] : memref<2x10240xf32, #tpu.memory_space<vmem>>, vector<2x10240xf32>
    tpu.vector_store %arg12[%swap3A, %swap3A_30], %concatenate3A {strides = array<i32>} : memref<2x10240xf32, #tpu.memory_space<vmem>>, vector<2x10240xf32>,
    %get3A_32 = arith.constant 0 : index
    %get3A_33 = arith.constant 0 : index
    %get3A_34 = vector.load %arg5[%get3A_32, %get3A_33] : memref<1x256xf32, #tpu.memory_space<vmem>>, vector<1x256xf32>
    %get3A_35 = arith.constant 0 : index
    %get3A_36 = arith.constant 0 : index
    %get3A_37 = vector.load %arg6[%get3A_35, %get3A_36] : memref<256x256xf32, #tpu.memory_space<vmem>>, vector<256x256xf32>
    %dot_general3A = arith.constant dense<0.000000e+00> : vector<1x256xf32>
    %dot_general3A_38 = tpu.matmul %get3A_34, %get3A_37, %dot_general3A {dimension_numbers = #tpu.dot_dimension_numbers<[1], [0], [0], [1], [0, 0, 1, 1], [], []>, transpose_lhs_hint = false} : vector<1x256xf32>, vector<256x256xf32>, vector<1x256xf32> -> vector<1x256xf32>
    %ge3A_39 = arith.constant 0.000000e+00 : f32
    %ge3A_40 = vector.broadcast %ge3A_39 : f32 to vector<1x256xf32>
    %ge3A_41 = arith.cmpf oge, %dot_general3A_38, %ge3A_40 : vector<1x256xf32>
    %mul3A_42 = arith.constant 0.00999999977 : f32
    %mul3A_43 = vector.broadcast %mul3A_42 : f32 to vector<1x256xf32>
    %mul3A_44 = arith.mulf %mul3A_43, %dot_general3A_38 : vector<1x256xf32>
    %select_n3A_45 = arith.select %ge3A_41, %dot_general3A_38, %mul3A_44 : vector<1x256xi1>, vector<1x256xf32>
    %lt3A = arith.constant 0.000000e+00 : f32
    %lt3A_46 = vector.broadcast %lt3A : f32 to vector<1x256xf32>
    %lt3A_47 = arith.cmpf olt, %dot_general3A_38, %lt3A_46 : vector<1x256xf32>
    %mul3A_48 = arith.constant 0.00999999977 : f32
    %mul3A_49 = vector.broadcast %mul3A_48 : f32 to vector<1x256xf32>
    %mul3A_50 = arith.mulf %mul3A_49, %dot_general3A_38 : vector<1x256xf32>
    %select_n3A_51 = arith.select %lt3A_47, %dot_general3A_38, %mul3A_50 : vector<1x256xi1>, vector<1x256xf32>
    %concatenate3A_52 = tpu.concatenate %select_n3A_45, %select_n3A_51 in 0 : vector<1x256xf32>, vector<1x256xf32> -> vector<2x256xf32>
    %get3A_53 = arith.constant 0 : index
    %get3A_54 = arith.constant 0 : index
    %get3A_55 = vector.load %arg7[%get3A_53, %get3A_54] : memref<256x256xf32, #tpu.memory_space<vmem>>, vector<256x256xf32>
    %dot_general3A_56 = arith.constant dense<0.000000e+00> : vector<2x256xf32>
    %dot_general3A_57 = tpu.matmul %concatenate3A_52, %get3A_55, %dot_general3A_56 {dimension_numbers = #tpu.dot_dimension_numbers<[1], [0], [0], [1], [0, 0, 1, 1], [], []>, transpose_lhs_hint = false} : vector<2x256xf32>, vector<256x256xf32>, vector<2x256xf32> -> vector<2x256xf32>
    %swap3A_58 = arith.constant 0 : index
    %swap3A_59 = arith.constant 0 : index
    %swap3A_60 = vector.load %arg13[%swap3A_58, %swap3A_59] : memref<2x256xf32, #tpu.memory_space<vmem>>, vector<2x256xf32>
    tpu.vector_store %arg13[%swap3A_58, %swap3A_59], %dot_general3A_57 {strides = array<i32>} : memref<2x256xf32, #tpu.memory_space<vmem>>, vector<2x256xf32>,
    %get3A_61 = arith.constant 0 : index
    %get3A_62 = arith.constant 0 : index
    %get3A_63 = vector.load %arg8[%get3A_61, %get3A_62] : memref<256x256xf32, #tpu.memory_space<vmem>>, vector<256x256xf32>
    %get3A_64 = arith.constant 0 : index
    %get3A_65 = arith.constant 0 : index
    %get3A_66 = vector.load %arg9[%get3A_64, %get3A_65] : memref<256x1xf32, #tpu.memory_space<vmem>>, vector<256x1xf32>
    %dot_general3A_67 = arith.constant dense<0.000000e+00> : vector<256x1xf32>
    %dot_general3A_68 = tpu.matmul %get3A_63, %get3A_66, %dot_general3A_67 {dimension_numbers = #tpu.dot_dimension_numbers<[1], [0], [0], [1], [0, 0, 1, 1], [], []>, transpose_lhs_hint = false} : vector<256x256xf32>, vector<256x1xf32>, vector<256x1xf32> -> vector<256x1xf32>
    %swap3A_69 = arith.constant 0 : index
    %swap3A_70 = arith.constant 0 : index
    %swap3A_71 = vector.load %arg14[%swap3A_69, %swap3A_70] : memref<256x1xf32, #tpu.memory_space<vmem>>, vector<256x1xf32>
    tpu.vector_store %arg14[%swap3A_69, %swap3A_70], %dot_general3A_68 {strides = array<i32>} : memref<256x1xf32, #tpu.memory_space<vmem>>, vector<256x1xf32>,
    %get3A_72 = arith.constant 0 : index
    %get3A_73 = arith.constant 0 : index
    %get3A_74 = vector.load %arg10[%get3A_72, %get3A_73] : memref<1x256xf32, #tpu.memory_space<vmem>>, vector<1x256xf32>
    %get3A_75 = arith.constant 0 : index
    %get3A_76 = arith.constant 0 : index
    %get3A_77 = vector.load %arg9[%get3A_75, %get3A_76] : memref<256x1xf32, #tpu.memory_space<vmem>>, vector<256x1xf32>
    %dot_general3A_78 = arith.constant dense<0.000000e+00> : vector<1x1xf32>
    %dot_general3A_79 = tpu.matmul %get3A_74, %get3A_77, %dot_general3A_78 {dimension_numbers = #tpu.dot_dimension_numbers<[1], [0], [0], [1], [0, 0, 1, 1], [], []>, transpose_lhs_hint = false} : vector<1x256xf32>, vector<256x1xf32>, vector<1x1xf32> -> vector<1x1xf32>
    %squeeze3A = vector.extract %dot_general3A_79[0, 0] : f32 from vector<1x1xf32>
    %get3A_80 = arith.constant 0 : index
    %get3A_81 = arith.constant 0 : index
    %get3A_82 = vector.load %arg11[%get3A_80, %get3A_81] : memref<1x1xf32, #tpu.memory_space<vmem>>, vector<1x1xf32>
    %get3A_83 = vector.extract %get3A_82[0, 0] : f32 from vector<1x1xf32>
    %add3A_84 = arith.addf %squeeze3A, %get3A_83 : f32
    %broadcast_in_dim3A_85 = vector.broadcast %add3A_84 : f32 to vector<1x16xf32>
    %swap3A_86 = arith.constant 0 : index
    %swap3A_87 = arith.constant 0 : index
    %swap3A_88 = vector.load %arg15[%swap3A_86, %swap3A_87] : memref<1x16xf32, #tpu.memory_space<vmem>>, vector<1x16xf32>
    tpu.vector_store %arg15[%swap3A_86, %swap3A_87], %broadcast_in_dim3A_85 {strides = array<i32>} : memref<1x16xf32, #tpu.memory_space<vmem>>, vector<1x16xf32>,
    return
  }
  func.func @transform_0(%arg0: i32) -> (i32, i32) {
    %c0_i32 = arith.constant 0 : i32
    %c0_i32_0 = arith.constant 0 : i32
    %c0_i32_1 = arith.constant 0 : i32
    return %c0_i32, %c0_i32_0 : i32, i32
  }
  func.func @transform_1(%arg0: i32) -> (i32, i32) {
    %c0_i32 = arith.constant 0 : i32
    %c0_i32_0 = arith.constant 0 : i32
    %c0_i32_1 = arith.constant 0 : i32
    return %c0_i32, %c0_i32_0 : i32, i32
  }
  func.func @transform_2(%arg0: i32) -> (i32, i32) {
    %c0_i32 = arith.constant 0 : i32
    %c0_i32_0 = arith.constant 0 : i32
    %c0_i32_1 = arith.constant 0 : i32
    return %c0_i32, %c0_i32_0 : i32, i32
  }
  func.func @transform_3(%arg0: i32) -> (i32, i32) {
    %c0_i32 = arith.constant 0 : i32
    %c0_i32_0 = arith.constant 0 : i32
    %c0_i32_1 = arith.constant 0 : i32
    return %c0_i32, %c0_i32_0 : i32, i32
  }
  func.func @transform_4(%arg0: i32) -> (i32, i32) {
    %c0_i32 = arith.constant 0 : i32
    %c0_i32_0 = arith.constant 0 : i32
    %c0_i32_1 = arith.constant 0 : i32
    return %c0_i32, %c0_i32_0 : i32, i32
  }
  func.func @transform_5(%arg0: i32) -> (i32, i32) {
    %c0_i32 = arith.constant 0 : i32
    %c0_i32_0 = arith.constant 0 : i32
    %c0_i32_1 = arith.constant 0 : i32
    return %c0_i32, %c0_i32_0 : i32, i32
  }
  func.func @transform_6(%arg0: i32) -> (i32, i32) {
    %c0_i32 = arith.constant 0 : i32
    %c0_i32_0 = arith.constant 0 : i32
    %c0_i32_1 = arith.constant 0 : i32
    return %c0_i32, %c0_i32_0 : i32, i32
  }
  func.func @transform_7(%arg0: i32) -> (i32, i32) {
    %c0_i32 = arith.constant 0 : i32
    %c0_i32_0 = arith.constant 0 : i32
    %c0_i32_1 = arith.constant 0 : i32
    return %c0_i32, %c0_i32_0 : i32, i32
  }
  func.func @transform_8(%arg0: i32) -> (i32, i32) {
    %c0_i32 = arith.constant 0 : i32
    %c0_i32_0 = arith.constant 0 : i32
    %c0_i32_1 = arith.constant 0 : i32
    return %c0_i32, %c0_i32_0 : i32, i32
  }
  func.func @transform_9(%arg0: i32) -> (i32, i32) {
    %c0_i32 = arith.constant 0 : i32
    %c0_i32_0 = arith.constant 0 : i32
    %c0_i32_1 = arith.constant 0 : i32
    return %c0_i32, %c0_i32_0 : i32, i32
  }
  func.func @transform_10(%arg0: i32) -> (i32, i32) {
    %c0_i32 = arith.constant 0 : i32
    %c0_i32_0 = arith.constant 0 : i32
    %c0_i32_1 = arith.constant 0 : i32
    return %c0_i32, %c0_i32_0 : i32, i32
  }
  func.func @transform_11(%arg0: i32) -> (i32, i32) {
    %c0_i32 = arith.constant 0 : i32
    %c0_i32_0 = arith.constant 0 : i32
    %c0_i32_1 = arith.constant 0 : i32
    return %c0_i32, %c0_i32_0 : i32, i32
  }
  func.func @transform_12(%arg0: i32) -> (i32, i32) {
    %c0_i32 = arith.constant 0 : i32
    %c0_i32_0 = arith.constant 0 : i32
    %c0_i32_1 = arith.constant 0 : i32
    return %c0_i32, %c0_i32_0 : i32, i32
  }
  func.func @transform_13(%arg0: i32) -> (i32, i32) {
    %c0_i32 = arith.constant 0 : i32
    %c0_i32_0 = arith.constant 0 : i32
    %c0_i32_1 = arith.constant 0 : i32
    return %c0_i32, %c0_i32_0 : i32, i32
  }
  func.func @transform_14(%arg0: i32) -> (i32, i32) {
    %c0_i32 = arith.constant 0 : i32
    %c0_i32_0 = arith.constant 0 : i32
    %c0_i32_1 = arith.constant 0 : i32
    return %c0_i32, %c0_i32_0 : i32, i32
  }
}

module attributes {stable_mosaic.version = 14 : i64} {
  func.func @body(%arg0: i32, %arg1: memref<256x1xf32, #tpu.memory_space<vmem>>, %arg2: memref<256x1xf32, #tpu.memory_space<vmem>>, %arg3: memref<256x1xf32, #tpu.memory_space<vmem>>, %arg4: memref<256x1xf32, #tpu.memory_space<vmem>>, %arg5: memref<256x1xf32, #tpu.memory_space<vmem>>, %arg6: memref<256x1xf32, #tpu.memory_space<vmem>>, %arg7: memref<256x1xf32, #tpu.memory_space<vmem>>, %arg8: memref<256x1xf32, #tpu.memory_space<vmem>>, %arg9: memref<256x1xf32, #tpu.memory_space<vmem>>, %arg10: memref<256x1xf32, #tpu.memory_space<vmem>>, %arg11: memref<2x256xf32, #tpu.memory_space<vmem>>, %arg12: memref<256x1xf32, #tpu.memory_space<vmem>>, %arg13: memref<1x256xf32, #tpu.memory_space<vmem>>, %arg14: memref<256x1xf32, #tpu.memory_space<vmem>>) attributes {dimension_semantics = [#tpu.dimension_semantics<arbitrary>], iteration_bounds = array<i64: 40>, scalar_prefetch = 0 : i64, scratch_operands = 0 : i64, tpu.core_type = #tpu.core_type<tc>, window_params = [{transform_indices = @transform_0, window_bounds = array<i64: 256, 1>}, {transform_indices = @transform_1, window_bounds = array<i64: 256, 1>}, {transform_indices = @transform_2, window_bounds = array<i64: 256, 1>}, {transform_indices = @transform_3, window_bounds = array<i64: 256, 1>}, {transform_indices = @transform_4, window_bounds = array<i64: 256, 1>}, {transform_indices = @transform_5, window_bounds = array<i64: 256, 1>}, {transform_indices = @transform_6, window_bounds = array<i64: 256, 1>}, {transform_indices = @transform_7, window_bounds = array<i64: 256, 1>}, {transform_indices = @transform_8, window_bounds = array<i64: 256, 1>}, {transform_indices = @transform_9, window_bounds = array<i64: 256, 1>}, {pipeline_mode = #tpu.pipeline_mode<synchronous>, transform_indices = @transform_10, window_bounds = array<i64: 2, 256>}, {pipeline_mode = #tpu.pipeline_mode<synchronous>, transform_indices = @transform_11, window_bounds = array<i64: 256, 1>}, {pipeline_mode = #tpu.pipeline_mode<synchronous>, transform_indices = @transform_12, window_bounds = array<i64: 1, 256>}, {transform_indices = @transform_13, window_bounds = array<i64: 256, 1>}]} {
    %get3A = arith.constant 0 : index
    %get3A_0 = arith.constant 0 : index
    %get3A_1 = vector.load %arg7[%get3A, %get3A_0] : memref<256x1xf32, #tpu.memory_space<vmem>>, vector<256x1xf32>
    %get3A_2 = arith.constant 0 : index
    %get3A_3 = arith.constant 0 : index
    %get3A_4 = vector.load %arg8[%get3A_2, %get3A_3] : memref<256x1xf32, #tpu.memory_space<vmem>>, vector<256x1xf32>
    %add3A = arith.addf %get3A_1, %get3A_4 : vector<256x1xf32>
    %add3A_5 = arith.constant 1.000000e+00 : f32
    %add3A_6 = vector.broadcast %add3A_5 : f32 to vector<256x1xf32>
    %add3A_7 = arith.addf %add3A, %add3A_6 : vector<256x1xf32>
    %rsqrt3A = math.rsqrt %add3A_7 : vector<256x1xf32>
    %get3A_8 = arith.constant 0 : index
    %get3A_9 = arith.constant 0 : index
    %get3A_10 = vector.load %arg9[%get3A_8, %get3A_9] : memref<256x1xf32, #tpu.memory_space<vmem>>, vector<256x1xf32>
    %get3A_11 = arith.constant 0 : index
    %get3A_12 = arith.constant 0 : index
    %get3A_13 = vector.load %arg10[%get3A_11, %get3A_12] : memref<256x1xf32, #tpu.memory_space<vmem>>, vector<256x1xf32>
    %add3A_14 = arith.addf %get3A_10, %get3A_13 : vector<256x1xf32>
    %add3A_15 = arith.constant 1.000000e+00 : f32
    %add3A_16 = vector.broadcast %add3A_15 : f32 to vector<256x1xf32>
    %add3A_17 = arith.addf %add3A_14, %add3A_16 : vector<256x1xf32>
    %rsqrt3A_18 = math.rsqrt %add3A_17 : vector<256x1xf32>
    %get3A_19 = arith.constant 0 : index
    %get3A_20 = arith.constant 0 : index
    %get3A_21 = vector.load %arg11[%get3A_19, %get3A_20] : memref<2x256xf32, #tpu.memory_space<vmem>>, vector<2x256xf32>
    %get3A_22 = arith.constant 0 : index
    %get3A_23 = arith.constant 0 : index
    %get3A_24 = vector.load %arg1[%get3A_22, %get3A_23] : memref<256x1xf32, #tpu.memory_space<vmem>>, vector<256x1xf32>
    %get3A_25 = arith.constant 0 : index
    %get3A_26 = arith.constant 0 : index
    %get3A_27 = vector.load %arg2[%get3A_25, %get3A_26] : memref<256x1xf32, #tpu.memory_space<vmem>>, vector<256x1xf32>
    %add3A_28 = arith.addf %get3A_24, %get3A_27 : vector<256x1xf32>
    %get3A_29 = arith.constant 0 : index
    %get3A_30 = arith.constant 0 : index
    %get3A_31 = vector.load %arg5[%get3A_29, %get3A_30] : memref<256x1xf32, #tpu.memory_space<vmem>>, vector<256x1xf32>
    %add3A_32 = arith.addf %add3A_28, %get3A_31 : vector<256x1xf32>
    %mul3A = arith.mulf %rsqrt3A_18, %add3A_32 : vector<256x1xf32>
    %get3A_33 = arith.constant 0 : index
    %get3A_34 = arith.constant 0 : index
    %get3A_35 = vector.load %arg3[%get3A_33, %get3A_34] : memref<256x1xf32, #tpu.memory_space<vmem>>, vector<256x1xf32>
    %get3A_36 = arith.constant 0 : index
    %get3A_37 = arith.constant 0 : index
    %get3A_38 = vector.load %arg4[%get3A_36, %get3A_37] : memref<256x1xf32, #tpu.memory_space<vmem>>, vector<256x1xf32>
    %add3A_39 = arith.addf %get3A_35, %get3A_38 : vector<256x1xf32>
    %get3A_40 = arith.constant 0 : index
    %get3A_41 = arith.constant 0 : index
    %get3A_42 = vector.load %arg6[%get3A_40, %get3A_41] : memref<256x1xf32, #tpu.memory_space<vmem>>, vector<256x1xf32>
    %add3A_43 = arith.addf %add3A_39, %get3A_42 : vector<256x1xf32>
    %mul3A_44 = arith.mulf %rsqrt3A_18, %add3A_43 : vector<256x1xf32>
    %slice3A = vector.extract_strided_slice %get3A_21 {offsets = [0, 0], sizes = [1, 256], strides = [1, 1]} : vector<2x256xf32> to vector<1x256xf32>
    %mul3A_45 = vector.broadcast %mul3A : vector<256x1xf32> to vector<256x256xf32>
    %mul3A_46 = vector.broadcast %slice3A : vector<1x256xf32> to vector<256x256xf32>
    %mul3A_47 = arith.mulf %mul3A_45, %mul3A_46 : vector<256x256xf32>
    %slice3A_48 = vector.extract_strided_slice %get3A_21 {offsets = [1, 0], sizes = [1, 256], strides = [1, 1]} : vector<2x256xf32> to vector<1x256xf32>
    %mul3A_49 = vector.broadcast %mul3A_44 : vector<256x1xf32> to vector<256x256xf32>
    %mul3A_50 = vector.broadcast %slice3A_48 : vector<1x256xf32> to vector<256x256xf32>
    %mul3A_51 = arith.mulf %mul3A_49, %mul3A_50 : vector<256x256xf32>
    %add3A_52 = arith.addf %mul3A_47, %mul3A_51 : vector<256x256xf32>
    %get3A_53 = arith.constant 0 : index
    %get3A_54 = arith.constant 0 : index
    %get3A_55 = vector.load %arg13[%get3A_53, %get3A_54] : memref<1x256xf32, #tpu.memory_space<vmem>>, vector<1x256xf32>
    %add3A_56 = vector.broadcast %get3A_55 : vector<1x256xf32> to vector<256x256xf32>
    %add3A_57 = arith.addf %add3A_52, %add3A_56 : vector<256x256xf32>
    %ge3A = arith.constant 0.000000e+00 : f32
    %ge3A_58 = vector.broadcast %ge3A : f32 to vector<256x256xf32>
    %ge3A_59 = arith.cmpf oge, %add3A_57, %ge3A_58 : vector<256x256xf32>
    %mul3A_60 = arith.constant 0.00999999977 : f32
    %mul3A_61 = vector.broadcast %mul3A_60 : f32 to vector<256x256xf32>
    %mul3A_62 = arith.mulf %mul3A_61, %add3A_57 : vector<256x256xf32>
    %select_n3A = arith.select %ge3A_59, %add3A_57, %mul3A_62 : vector<256x256xi1>, vector<256x256xf32>
    %get3A_63 = arith.constant 0 : index
    %get3A_64 = arith.constant 0 : index
    %get3A_65 = vector.load %arg12[%get3A_63, %get3A_64] : memref<256x1xf32, #tpu.memory_space<vmem>>, vector<256x1xf32>
    %dot_general3A = arith.constant dense<0.000000e+00> : vector<256x1xf32>
    %dot_general3A_66 = tpu.matmul %select_n3A, %get3A_65, %dot_general3A {dimension_numbers = #tpu.dot_dimension_numbers<[1], [0], [0], [1], [0, 0, 1, 1], [], []>, transpose_lhs_hint = false} : vector<256x256xf32>, vector<256x1xf32>, vector<256x1xf32> -> vector<256x1xf32>
    %mul3A_67 = arith.mulf %rsqrt3A, %dot_general3A_66 : vector<256x1xf32>
    %swap3A = arith.constant 0 : index
    %swap3A_68 = arith.constant 0 : index
    %swap3A_69 = vector.load %arg14[%swap3A, %swap3A_68] : memref<256x1xf32, #tpu.memory_space<vmem>>, vector<256x1xf32>
    tpu.vector_store %arg14[%swap3A, %swap3A_68], %mul3A_67 {strides = array<i32>} : memref<256x1xf32, #tpu.memory_space<vmem>>, vector<256x1xf32>,
    return
  }
  func.func @transform_0(%arg0: i32) -> (i32, i32) {
    %c0_i32 = arith.constant 0 : i32
    %c0_i32_0 = arith.constant 0 : i32
    return %arg0, %c0_i32 : i32, i32
  }
  func.func @transform_1(%arg0: i32) -> (i32, i32) {
    %add3A = arith.constant 40 : i32
    %add3A_0 = arith.addi %add3A, %arg0 : i32
    %c0_i32 = arith.constant 0 : i32
    %c0_i32_1 = arith.constant 0 : i32
    return %add3A_0, %c0_i32 : i32, i32
  }
  func.func @transform_2(%arg0: i32) -> (i32, i32) {
    %add3A = arith.constant 80 : i32
    %add3A_0 = arith.addi %add3A, %arg0 : i32
    %c0_i32 = arith.constant 0 : i32
    %c0_i32_1 = arith.constant 0 : i32
    return %add3A_0, %c0_i32 : i32, i32
  }
  func.func @transform_3(%arg0: i32) -> (i32, i32) {
    %add3A = arith.constant 120 : i32
    %add3A_0 = arith.addi %add3A, %arg0 : i32
    %c0_i32 = arith.constant 0 : i32
    %c0_i32_1 = arith.constant 0 : i32
    return %add3A_0, %c0_i32 : i32, i32
  }
  func.func @transform_4(%arg0: i32) -> (i32, i32) {
    %c0_i32 = arith.constant 0 : i32
    %c0_i32_0 = arith.constant 0 : i32
    return %arg0, %c0_i32 : i32, i32
  }
  func.func @transform_5(%arg0: i32) -> (i32, i32) {
    %add3A = arith.constant 40 : i32
    %add3A_0 = arith.addi %add3A, %arg0 : i32
    %c0_i32 = arith.constant 0 : i32
    %c0_i32_1 = arith.constant 0 : i32
    return %add3A_0, %c0_i32 : i32, i32
  }
  func.func @transform_6(%arg0: i32) -> (i32, i32) {
    %c0_i32 = arith.constant 0 : i32
    %c0_i32_0 = arith.constant 0 : i32
    return %arg0, %c0_i32 : i32, i32
  }
  func.func @transform_7(%arg0: i32) -> (i32, i32) {
    %add3A = arith.constant 40 : i32
    %add3A_0 = arith.addi %add3A, %arg0 : i32
    %c0_i32 = arith.constant 0 : i32
    %c0_i32_1 = arith.constant 0 : i32
    return %add3A_0, %c0_i32 : i32, i32
  }
  func.func @transform_8(%arg0: i32) -> (i32, i32) {
    %c0_i32 = arith.constant 0 : i32
    %c0_i32_0 = arith.constant 0 : i32
    return %arg0, %c0_i32 : i32, i32
  }
  func.func @transform_9(%arg0: i32) -> (i32, i32) {
    %add3A = arith.constant 40 : i32
    %add3A_0 = arith.addi %add3A, %arg0 : i32
    %c0_i32 = arith.constant 0 : i32
    %c0_i32_1 = arith.constant 0 : i32
    return %add3A_0, %c0_i32 : i32, i32
  }
  func.func @transform_10(%arg0: i32) -> (i32, i32) {
    %c0_i32 = arith.constant 0 : i32
    %c0_i32_0 = arith.constant 0 : i32
    %c0_i32_1 = arith.constant 0 : i32
    return %c0_i32, %c0_i32_0 : i32, i32
  }
  func.func @transform_11(%arg0: i32) -> (i32, i32) {
    %c0_i32 = arith.constant 0 : i32
    %c0_i32_0 = arith.constant 0 : i32
    %c0_i32_1 = arith.constant 0 : i32
    return %c0_i32, %c0_i32_0 : i32, i32
  }
  func.func @transform_12(%arg0: i32) -> (i32, i32) {
    %c0_i32 = arith.constant 0 : i32
    %c0_i32_0 = arith.constant 0 : i32
    %c0_i32_1 = arith.constant 0 : i32
    return %c0_i32, %c0_i32_0 : i32, i32
  }
  func.func @transform_13(%arg0: i32) -> (i32, i32) {
    %c0_i32 = arith.constant 0 : i32
    %c0_i32_0 = arith.constant 0 : i32
    return %arg0, %c0_i32 : i32, i32
  }
}

module attributes {stable_mosaic.version = 14 : i64} {
  func.func @body(%arg0: i32, %arg1: memref<256x1xf32, #tpu.memory_space<vmem>>, %arg2: memref<256x1xf32, #tpu.memory_space<vmem>>, %arg3: memref<256x1xf32, #tpu.memory_space<vmem>>, %arg4: memref<256x1xf32, #tpu.memory_space<vmem>>, %arg5: memref<256x1xf32, #tpu.memory_space<vmem>>, %arg6: memref<1x16xf32, #tpu.memory_space<vmem>>, %arg7: memref<256x1xf32, #tpu.memory_space<vmem>>) attributes {dimension_semantics = [#tpu.dimension_semantics<arbitrary>], iteration_bounds = array<i64: 40>, scalar_prefetch = 0 : i64, scratch_operands = 0 : i64, tpu.core_type = #tpu.core_type<tc>, window_params = [{transform_indices = @transform_0, window_bounds = array<i64: 256, 1>}, {transform_indices = @transform_1, window_bounds = array<i64: 256, 1>}, {transform_indices = @transform_2, window_bounds = array<i64: 256, 1>}, {transform_indices = @transform_3, window_bounds = array<i64: 256, 1>}, {transform_indices = @transform_4, window_bounds = array<i64: 256, 1>}, {pipeline_mode = #tpu.pipeline_mode<synchronous>, transform_indices = @transform_5, window_bounds = array<i64: 1, 16>}, {transform_indices = @transform_6, window_bounds = array<i64: 256, 1>}]} {
    %get3A = arith.constant 0 : index
    %get3A_0 = arith.constant 0 : index
    %get3A_1 = vector.load %arg4[%get3A, %get3A_0] : memref<256x1xf32, #tpu.memory_space<vmem>>, vector<256x1xf32>
    %get3A_2 = arith.constant 0 : index
    %get3A_3 = arith.constant 0 : index
    %get3A_4 = vector.load %arg5[%get3A_2, %get3A_3] : memref<256x1xf32, #tpu.memory_space<vmem>>, vector<256x1xf32>
    %add3A = arith.addf %get3A_1, %get3A_4 : vector<256x1xf32>
    %add3A_5 = arith.constant 1.000000e+00 : f32
    %add3A_6 = vector.broadcast %add3A_5 : f32 to vector<256x1xf32>
    %add3A_7 = arith.addf %add3A, %add3A_6 : vector<256x1xf32>
    %rsqrt3A = math.rsqrt %add3A_7 : vector<256x1xf32>
    %get3A_8 = arith.constant 0 : index
    %get3A_9 = arith.constant 0 : index
    %get3A_10 = vector.load %arg1[%get3A_8, %get3A_9] : memref<256x1xf32, #tpu.memory_space<vmem>>, vector<256x1xf32>
    %get3A_11 = arith.constant 0 : index
    %get3A_12 = arith.constant 0 : index
    %get3A_13 = vector.load %arg2[%get3A_11, %get3A_12] : memref<256x1xf32, #tpu.memory_space<vmem>>, vector<256x1xf32>
    %add3A_14 = arith.addf %get3A_10, %get3A_13 : vector<256x1xf32>
    %get3A_15 = arith.constant 0 : index
    %get3A_16 = arith.constant 0 : index
    %get3A_17 = vector.load %arg3[%get3A_15, %get3A_16] : memref<256x1xf32, #tpu.memory_space<vmem>>, vector<256x1xf32>
    %add3A_18 = arith.addf %add3A_14, %get3A_17 : vector<256x1xf32>
    %mul3A = arith.mulf %rsqrt3A, %add3A_18 : vector<256x1xf32>
    %get3A_19 = arith.constant 0 : index
    %get3A_20 = arith.constant 0 : index
    %get3A_21 = vector.load %arg6[%get3A_19, %get3A_20] : memref<1x16xf32, #tpu.memory_space<vmem>>, vector<1x1xf32>
    %get3A_22 = vector.extract %get3A_21[0, 0] : f32 from vector<1x1xf32>
    %add3A_23 = vector.broadcast %get3A_22 : f32 to vector<256x1xf32>
    %add3A_24 = arith.addf %mul3A, %add3A_23 : vector<256x1xf32>
    %swap3A = arith.constant 0 : index
    %swap3A_25 = arith.constant 0 : index
    %swap3A_26 = vector.load %arg7[%swap3A, %swap3A_25] : memref<256x1xf32, #tpu.memory_space<vmem>>, vector<256x1xf32>
    tpu.vector_store %arg7[%swap3A, %swap3A_25], %add3A_24 {strides = array<i32>} : memref<256x1xf32, #tpu.memory_space<vmem>>, vector<256x1xf32>,
    return
  }
  func.func @transform_0(%arg0: i32) -> (i32, i32) {
    %c0_i32 = arith.constant 0 : i32
    %c0_i32_0 = arith.constant 0 : i32
    return %arg0, %c0_i32 : i32, i32
  }
  func.func @transform_1(%arg0: i32) -> (i32, i32) {
    %add3A = arith.constant 40 : i32
    %add3A_0 = arith.addi %add3A, %arg0 : i32
    %c0_i32 = arith.constant 0 : i32
    %c0_i32_1 = arith.constant 0 : i32
    return %add3A_0, %c0_i32 : i32, i32
  }
  func.func @transform_2(%arg0: i32) -> (i32, i32) {
    %c0_i32 = arith.constant 0 : i32
    %c0_i32_0 = arith.constant 0 : i32
    return %arg0, %c0_i32 : i32, i32
  }
  func.func @transform_3(%arg0: i32) -> (i32, i32) {
    %c0_i32 = arith.constant 0 : i32
    %c0_i32_0 = arith.constant 0 : i32
    return %arg0, %c0_i32 : i32, i32
  }
  func.func @transform_4(%arg0: i32) -> (i32, i32) {
    %add3A = arith.constant 40 : i32
    %add3A_0 = arith.addi %add3A, %arg0 : i32
    %c0_i32 = arith.constant 0 : i32
    %c0_i32_1 = arith.constant 0 : i32
    return %add3A_0, %c0_i32 : i32, i32
  }
  func.func @transform_5(%arg0: i32) -> (i32, i32) {
    %c0_i32 = arith.constant 0 : i32
    %c0_i32_0 = arith.constant 0 : i32
    %c0_i32_1 = arith.constant 0 : i32
    return %c0_i32, %c0_i32_0 : i32, i32
  }
  func.func @transform_6(%arg0: i32) -> (i32, i32) {
    %c0_i32 = arith.constant 0 : i32
    %c0_i32_0 = arith.constant 0 : i32
    return %arg0, %c0_i32 : i32, i32
  }
}

</mosaic_0001>

<sc_bundles>
// kernel: kernel.12.cloned.1.call-start
scs
__scs_entry_jumppad:
0x0: {  	(pc) =	sbr.rel $0x88, $3  }
0x1: {  	(tag) =	ssettag $0x0;
	lr =	simm.s32 $0x1  }
0x2: {  	[smem:$0x3F97] =	sst lr;
	_ =	strace $0xD0000000  }
0x3: {  	_ = 	snop  }
0x4: {  	_ = 	snop  }
0x5: {  	_ = 	snop  }
0x6: {  	_ = 	snop  }
0x7: {  	_ = 	snop  }
__scs_overlays_trampoline_lowered:
0x8: {  	[smem:$0x3FA6] =	sst s0  }
0x9: {  	[smem:$0x3FA7] =	sst s1  }
0xa: {  	[smem:$0x3FA8] =	sst s2  }
0xb: {  	[smem:$0x3FA9] =	sst s3  }
0xc: {  	[smem:$0x3FAA] =	sst s4  }
0xd: {  	[smem:$0x3FAB] =	sst s5  }
0xe: {  	[smem:$0x3FAC] =	sst s6  }
0xf: {  	[smem:$0x3FAD] =	sst s7  }
0x10: {  	[smem:$0x3FAE] =	sst s8  }
0x11: {  	[smem:$0x3FAF] =	sst s9;
	s0 =	simm.s32 @!p0 $0x0  }
0x12: {  	s1 =	sld [smem:$0x3F95];
	s0 =	simm.s32 @p0 $0x1  }
0x13: {  	[smem:$0x3FB0] =	sst s0;
	s0 =	simm.s32 @!p1 $0x0  }
0x14: {  	s2 =	sld [smem:$0x3F94];
	s0 =	simm.s32 @p1 $0x1  }
0x15: {  	[smem:$0x3FB1] =	sst s0;
	s0 =	simm.s32 @!p2 $0x0  }
0x16: {  	s3 =	sld [smem:$0x3FDB];
	s0 =	simm.s32 @p2 $0x1  }
0x17: {  	s4 =	simm.s32 $0x1BF5;
	[smem:$0x3FB3] =	sst s0  }
0x18: {  	s0 =	sld [smem:$0x3F96];
	_ =	swait.ge [sflag:s4], $0x0  }
0x19: {  	s7 =	sld [smem:$0x3F97]  }
0x1a: {  	s8 =	sadd.s32 $0xFFFFE003, lr  }
0x1b: {  	s9 =	sadd.s32 $0xFFFFFEF7, lr;
	s5 =	simm.s32 $0xFFFFFFFF;
	p2 =	slt.u32 s8, $0xFFFFF086  }
0x1c: {  	p1 =	slt.u32 s9, $0xF7A;
	s5 =	simm.s32 @!p2 $0x0  }
0x1d: {  	s5 =	simm.s32 @p1 $0x1;
	p0 =	seq.s32 s7, s2  }
0x1e: {  	s7 =	smul.u32 @!p0 $0xF7A, s2;
	p2 =	seq.s32 @!p0 s5, $0x0  }
0x1f: {  	s9 =	smul.u32 $0xF7A, s1;
	s8 =	simm.s32 @!p0 $0x1BF5;
	p2 =	por !p2, p0  }
0x20: {  	[sflag:s8] =	ssyncset.s32 @!p0 $0xFFFFF086;
	s6 =	sadd.s32 @!p0 s3, s7;
	s7 =	simm.s32 @!p0 $0x108  }
0x21: {  	s3 =	sadd.s32 s3, s9;
	s6 =	sadd.s32 @!p0 $0x88, s6;
	s7 =	simm.s32 @p2 $0x1082  }
0x22: {  	[simem:s7], [sflag:s8] =	dma.local @!p0 [hbm:s6], $0xF7A  }
0x23: {  	s9 =	sor.u32 $0xD0000000, s2;
	s6 =	simm.s32 $0x108;
	_ =	swait.ge @!p0 [sflag:s8], $0x0  }
0x24: {  	s3 =	sadd.s32 $0x88, s3;
	s6 =	simm.s32 @!p1 $0x1082;
	[sflag:s4] =	ssyncset.s32 $0xFFFFF086  }
0x25: {  	[simem:s6], [sflag:s4] =	dma.local [hbm:s3], $0xF7A  }
0x26: {  	[smem:$0x3F97] =	sst s1;
	(tag) =	ssettag s2;
	_ =	strace s9  }
0x27: {  	s1 =	sld [smem:$0x3FA7]  }
0x28: {  	s2 =	sld [smem:$0x3FA8]  }
0x29: {  	s4 =	sld [smem:$0x3FAA]  }
0x2a: {  	p0 =	seq.s32 s5, $0x0;
	s5 =	sld [smem:$0x3FAB]  }
0x2b: {  	s6 =	sld [smem:$0x3FAC]  }
0x2c: {  	s7 =	sld [smem:$0x3FAD]  }
0x2d: {  	s3 =	simm.s32 $0x108;
	s8 =	sld [smem:$0x3FAE]  }
0x2e: {  	s3 =	simm.s32 @!p0 $0x1082;
	s9 =	sld [smem:$0x3FAF]  }
0x2f: {  	lr =	sadd.s32 s0, s3;
	s0 =	sld [smem:$0x3FA6]  }
0x30: {  	s3 =	sld [smem:$0x3FA9]  }
0x31: {  	[smem:$0x3FB2] =	sst s10  }
0x32: {  	s10 =	sld [smem:$0x3FB0];
	_ =	sdelay $0x3  }
0x33: {  	p0 =	seq.s32 s10, $0x1;
	s10 =	sld [smem:$0x3FB2];
	_ =	sdelay $0x3  }
0x34: {  	[smem:$0x3FB2] =	sst s10  }
0x35: {  	s10 =	sld [smem:$0x3FB1];
	_ =	sdelay $0x3  }
0x36: {  	p1 =	seq.s32 s10, $0x1;
	s10 =	sld [smem:$0x3FB2];
	_ =	sdelay $0x3  }
0x37: {  	[smem:$0x3FB2] =	sst s10  }
0x38: {  	s10 =	sld [smem:$0x3FB3]  }
0x39: {  	_ = 	snop;
	(pc) =	sbr.ind lr, $3  }
0x3a: {  	_ = 	snop  }
0x3b: {  	_ = 	snop  }
0x3c: {  	p2 =	seq.s32 s10, $0x1;
	s10 =	sld [smem:$0x3FB2]  }
0x3d: {  	_ =	shalt  }
0x3e: {  	_ =	shalt  }
0x3f: {  	_ =	shalt  }
0x40: {  	_ =	shalt  }
0x41: {  	_ =	shalt  }
0x42: {  	_ =	shalt  }
0x43: {  	_ =	shalt  }
0x44: {  	_ =	shalt  }
0x45: {  	_ =	shalt  }
0x46: {  	_ =	shalt  }
0x47: {  	_ =	shalt  }
0x48: {  	_ =	shalt  }
0x49: {  	_ =	shalt  }
0x4a: {  	_ =	shalt  }
0x4b: {  	_ =	shalt  }
0x4c: {  	_ =	shalt  }
0x4d: {  	_ =	shalt  }
0x4e: {  	_ =	shalt  }
0x4f: {  	_ =	shalt  }
0x50: {  	_ =	shalt  }
0x51: {  	_ =	shalt  }
0x52: {  	_ =	shalt  }
0x53: {  	_ =	shalt  }
0x54: {  	_ =	shalt  }
0x55: {  	_ =	shalt  }
0x56: {  	_ =	shalt  }
0x57: {  	_ =	shalt  }
0x58: {  	_ =	shalt  }
0x59: {  	_ =	shalt  }
0x5a: {  	_ =	shalt  }
0x5b: {  	_ =	shalt  }
0x5c: {  	_ =	shalt  }
0x5d: {  	_ =	shalt  }
0x5e: {  	_ =	shalt  }
0x5f: {  	_ =	shalt  }
0x60: {  	_ =	shalt  }
0x61: {  	_ =	shalt  }
0x62: {  	_ =	shalt  }
0x63: {  	_ =	shalt  }
0x64: {  	_ =	shalt  }
0x65: {  	_ =	shalt  }
0x66: {  	_ =	shalt  }
0x67: {  	_ =	shalt  }
0x68: {  	_ =	shalt  }
0x69: {  	_ =	shalt  }
0x6a: {  	_ =	shalt  }
0x6b: {  	_ =	shalt  }
0x6c: {  	_ =	shalt  }
0x6d: {  	_ =	shalt  }
0x6e: {  	_ =	shalt  }
0x6f: {  	_ =	shalt  }
0x70: {  	_ =	shalt  }
0x71: {  	_ =	shalt  }
0x72: {  	_ =	shalt  }
0x73: {  	_ =	shalt  }
0x74: {  	_ =	shalt  }
0x75: {  	_ =	shalt  }
0x76: {  	_ =	shalt  }
0x77: {  	_ =	shalt  }
0x78: {  	_ =	shalt  }
0x79: {  	_ =	shalt  }
0x7a: {  	_ =	shalt  }
0x7b: {  	_ =	shalt  }
0x7c: {  	_ =	shalt  }
0x7d: {  	_ =	shalt  }
0x7e: {  	_ =	shalt  }
0x7f: {  	_ =	shalt  }
0x80: {  	_ =	shalt  }
0x81: {  	_ =	shalt  }
0x82: {  	_ =	shalt  }
0x83: {  	_ =	shalt  }
0x84: {  	_ =	shalt  }
0x85: {  	_ =	shalt  }
0x86: {  	_ =	shalt  }
0x87: {  	_ =	shalt  }
.Lfunc_end0:
.L_simem_size_0:
called_computation.1_lowered:
.L_overlay_start_0:
0x88: {  	s2 =	sld [smem:$0x3FD9]  }
0x89: {  	s3 =	sld [smem:$0x3FFE];
	_ =	sdelay $0x1  }
0x8a: {  	s1 =	srdreg.scid  }
0x8b: {  	s0 =	sand.u32 $0x1, s1  }
0x8c: {  	s16 =	sshll.u32 s0, $0xA;
	s2 =	sadd.s32 s3, s2  }
0x8d: {  	s2 =	sadd.s32 s2, s16  }
0x8e: {  	[smem:$0x3FBE] =	sst s2  }
0x8f: {  	_ = 	snop  }
0x90: {  	(tm) =	ssettm $0x1  }
0x91: {  	s17 =	sld [smem:$0x3FFB];
	_ =	sdelay $0x3  }
0x92: {  	_ =	strace s17  }
0x93: {  	s2 =	sld [smem:$0x3FFC];
	_ =	sdelay $0x3  }
0x94: {  	_ =	strace s2  }
0x95: {  	s2 =	sld [smem:$0x3FFD];
	_ =	sdelay $0x3  }
0x96: {  	_ =	strace s2  }
0x97: {  	_ =	strace $0x8FFFFFFF  }
0x98: {  	s18 =	sld [smem:$0x3FDB];
	_ =	sdelay $0x1  }
0x99: {  	s19 =	simm.s32 $_scs_section_size  }
0x9a: {  	s4 =	simm.s32 $_size__tile_overlayer_lowered;
	s5 =	simm.s32 $_tile_overlayer_lowered  }
0x9b: {  	s22 =	simm.s32 $0x1BFF;
	s21 =	sshll.u32 s5, $0x1;
	s2 =	sadd.s32 s19, s18  }
0x9c: {  	s6 =	simm.s32 $0x0;
	s20 =	sshll.u32 s4, $0x1;
	s4 =	sadd.s32 s21, s2  }
0x9d: {  	[timem:s6], [sflag:s22] =	dma.local [hbm:s4], s20  }
0x9e: {  	_ =	swait.ge [sflag:s22], s20  }
0x9f: {  	s3 =	ssub.s32 $0x0, s20;
	[sflag:s22] =	ssyncset.done $0x0  }
0xa0: {  	[sflag:s22] =	ssyncadd.s32 s3;
	_ =	sdelay $0x1  }
0xa1: {  	s23 =	simm.s32 $0x1B8B  }
0xa2: {  	_ =	swait.ge [sflag:s23], $0x1  }
0xa3: {  	[sflag:s23] =	ssyncset.done $0x0  }
0xa4: {  	s25 =	simm.s32 $0x1B8E;
	s24 =	sld [smem:$0x3FFE];
	[sflag:s23] =	ssyncadd.s32 $0xFFFFFFFF  }
0xa5: {  	s26 =	simm.s32 $execute0_lowered;
	[smem:$0x3FD2] =	sst s25  }
0xa6: {  	s4 =	sshll.u32 s26, $0x1;
	_ =	strace $0x80000049;
	[dreg:$0x1] =	wrdreg $0xFFFFFFFF  }
0xa7: {  	s28 =	simm.s32 $_size_execute0_lowered;
	s2 =	sadd.s32 s2, s4;
	[dreg:$0x0] =	wrdreg $0x0  }
0xa8: {  	s4 =	sshll.u32 s28, $0x1;
	[dreg:$0x2] =	wrdreg s2  }
0xa9: {  	[dreg:$0x3] =	wrdreg s4  }
0xaa: {  	[dreg:$0x4] =	wrdreg $0xC0  }
0xab: {  	_ =	task [dreg:s6], $0x5FFFF  }
0xac: {  	[dreg:$0x1] =	wrdreg $0xFFFFFFFF  }
0xad: {  	[dreg:$0x0] =	wrdreg $0x60  }
0xae: {  	[dreg:$0x2] =	wrdreg s24  }
0xaf: {  	[dreg:$0x3] =	wrdreg $0x2D800  }
0xb0: {  	[dreg:$0x4] =	wrdreg $0x30000  }
0xb1: {  	[dreg:$0x5] =	wrdreg $0x9  }
0xb2: {  	_ =	task.clear_ibuf [dreg:s6], $0x6FFFF;
	_ =	strace $0x90000049  }
0xb3: {  	s29 =	simm.s32 $0x9;
	_ =	strace $0x8000004B  }
0xb4: {  	_ =	swait.ge [sflag:s29], $0x1  }
0xb5: {  	[sflag:s29] =	ssyncadd.s32 $0xFFFFFFFF  }
0xb6: {  	_ =	strace $0x9000004B  }
0xb7: {  	_ =	sfence  }
0xb8: {  	s30 =	sld [smem:$0x0];
	_ =	sdelay $0x2  }
0xb9: {  	s31 =	sshll.u32 s1, $0xD;
	s1 =	sshrl.u32 s1, $0x2  }
0xba: {  	s3 =	sand.u32 $0x4000, s31;
	s1 =	sadd.s32 s1, s30  }
0xbb: {  	s0 =	sor.u32 s3, s0;
	s1 =	sshll.u32 s1, $0x11  }
0xbc: {  	s0 =	sor.u32 s1, s0  }
0xbd: {  	s0 =	sadd.s32 $0x8F2B, s0  }
0xbe: {  	[sflag:s0] =	ssyncadd.remote.s32 $0x1  }
0xbf: {  	_ =	sfence.sel $0xFFFF  }
0xc0: {  	[dreg:$0x0] =	wrdreg $0xFFFFFFFF;
	(pc) =	sbr.abs _section_cstart, $3  }
0xc1: {  	[dreg:$0x1] =	wrdreg $0xFFFFFFFF  }
0xc2: {  	_ =	task.clear_ibuf [dreg:s6], $0x2FFFF;
	_ =	strace $0x9FFFFFFF  }
0xc3: {  	(tm) =	ssettm $0x7FFFFFFF  }
tec
execute0_lowered:
.L_overlay_start_1:
0x0: {  	(tag) =	ssettag $0x1  }
0x1: {  	s5 =	rddreg [dreg:$0x0]  }
0x2: {  	s2 =	rddreg [dreg:$0x1]  }
0x3: {  	s3 =	rddreg [dreg:$0x2]  }
0x4: {  	s0 =	srdreg.scid;
	s1 =	rddreg [dreg:$0x3];
	s4 =	simm.s32 $0x0  }
0x5: {  	s14 =	simm.s32 $0x2;
	s15 =	simm.s32 $0x1400;
	s6 =	sand.u32 $0x1, s0  }
0x6: {  	s16 =	simm.s32 $0x2800;
	s0 =	stileid.u32;
	s7 =	smul.u32 $0x14000, s6  }
0x7: {  	s17 =	simm.s32 $0x2A80;
	s18 =	simm.s32 $0x80;
	s8 =	smul.u32 $0x1400, s0  }
0x8: {  	s19 =	simm.s32 $0x2D00;
	s20 =	simm.s32 $0x1;
	s11 =	smul.u32 $0x280, s0  }
0x9: {  	[smem:$0x7FF] =	sst s4;
	s30 =	smul.u32 $0x2800, s6;
	s6 =	ssub.s32 $0x2, s6  }
0xa: {  	s21 =	simm.s32 $0x0;
	_ =	strace $0x8000004A;
	s31 =	sshrl.u32 s6, $0x1  }
0xb: {  	s7 =	sadd.s32 s8, s7;
	s8 =	sadd.s32 s11, s30;
	s9 =	sshrl.u32 s11, $0x3  }
0xc: {  	s13 =	ssub.s32 s6, s31;
	s10 =	sadd.s32 s11, s2;
	s11 =	sadd.s32 s11, s3  }
0xd: {  	s7 =	sshrl.u32 s7, $0x3;
	s8 =	sshrl.u32 s8, $0x3;
	s9 =	sadd.s32 s9, s5  }
0xe: {  	s13 =	smax.u32 s13, $0x1;
	s7 =	sadd.s32 s7, s5;
	s12 =	sadd.s32 s8, s5  }
0xf: {  	s8 =	sadd.s32 $0xCB00, s9;
	s5 =	sadd.s32 $0x6C00, s7;
	s6 =	sadd.s32 $0x1C00, s7  }
0x10: {  	v0 =	vimm.f32 $0.0e+00;
	s7 =	sadd.s32 $0xC600, s9;
	s9 =	sadd.s32 $0xD000, s9;
	s12 =	sadd.s32 $0xD600, s12  }
.LBB2_1:
0x11: {  	[tilespmem:s4], [sflag:$0x2] =	stream.linear.gather [hbm4b:s5+s4], $0x1400, $0x38;
	[tilespmem:$0x3280] =	vst v63  }
0x12: {  	_ =	swait.ge [sflag:s14], $0x1400  }
0x13: {  	[sflag:s14] =	ssyncset.done $0x0  }
0x14: {  	[sflag:s14] =	ssyncadd.s32 $0xFFFFEC00  }
0x15: {  	[tilespmem:s15], [sflag:$0x2] =	stream.linear.gather [hbm4b:s6+s4], $0x1400, $0x38;
	[tilespmem:$0x3280] =	vst v63  }
0x16: {  	_ =	swait.ge [sflag:s14], $0x1400  }
0x17: {  	[sflag:s14] =	ssyncset.done $0x0  }
0x18: {  	[sflag:s14] =	ssyncadd.s32 $0xFFFFEC00  }
0x19: {  	[tilespmem:s16], [sflag:$0x2] =	stream.linear.gather [hbm4b:s7+s4], $0x280, $0x38;
	[tilespmem:$0x3280] =	vst v63  }
0x1a: {  	_ =	swait.ge [sflag:s14], $0x280  }
0x1b: {  	[sflag:s14] =	ssyncset.done $0x0  }
0x1c: {  	[sflag:s14] =	ssyncadd.s32 $0xFFFFFD80  }
0x1d: {  	[tilespmem:s17], [sflag:$0x2] =	stream.linear.gather [hbm4b:s8+s4], $0x280, $0x38;
	[tilespmem:$0x3280] =	vst v63  }
0x1e: {  	_ =	swait.ge [sflag:s14], $0x280  }
0x1f: {  	[sflag:s14] =	ssyncset.done $0x0  }
0x20: {  	s22 =	simm.s32 $0x0;
	[sflag:s14] =	ssyncadd.s32 $0xFFFFFD80  }
0x21: {  	s23 =	simm.s32 $0x40;
	v1 =	vld [tilespmem:s22+$0x2A80]  }
.LBB2_2:
0x22: {  	p0 =	sne.s32 s23, $0x9C0;
	v2 =	vld [tilespmem:s22+$0x2800];
	_ =	sdelay $0x4  }
0x23: {  	v1 =	vadd.f32 v1, v2;
	_ =	sdelay $0x1  }
0x24: {  	v1 =	vadd.f32 $1.000000000e+00, v1;
	_ =	sdelay $0x1  }
0x25: {  	v2 =	vshrl.u32 v1, $0x1;
	v1 =	vmul.f32 $5.000000000e-01, v1  }
0x26: {  	v2 =	vsub.s32 $0x5F3759DF, v2  }
0x27: {  	v3 =	vmul.f32 v2, v1;
	_ =	sdelay $0x1  }
0x28: {  	v3 =	vmul.f32 v2, v3;
	_ =	sdelay $0x1  }
0x29: {  	v3 =	vsub.f32 $1.500000000e+00, v3;
	_ =	sdelay $0x1  }
0x2a: {  	v2 =	vmul.f32 v2, v3;
	_ =	sdelay $0x1  }
0x2b: {  	v3 =	vmul.f32 v2, v1;
	_ =	sdelay $0x1  }
0x2c: {  	v3 =	vmul.f32 v3, v2;
	_ =	sdelay $0x1  }
0x2d: {  	v3 =	vsub.f32 $1.500000000e+00, v3;
	_ =	sdelay $0x1  }
0x2e: {  	v2 =	vmul.f32 v3, v2;
	_ =	sdelay $0x1  }
0x2f: {  	v1 =	vmul.f32 v2, v1;
	_ =	sdelay $0x1  }
0x30: {  	v1 =	vmul.f32 v1, v2;
	_ =	sdelay $0x1  }
.Ltmp0:
0x31: {  	v1 =	vsub.f32 $1.500000000e+00, v1;
	(pc) =	sbr.rel @p0 .LBB2_2-.Ltmp0, $4  }
0x32: {  	_ = 	snop  }
0x33: {  	v2 =	vmul.f32 v1, v2  }
0x34: {  	s24 =	sshra.s32 s23, $0x2  }
0x35: {  	s23 =	sadd.s32 $0x40, s23;
	v1 =	vld [tilespmem:s24+$0x2A80];
	[tilespmem:s22+$0x2800] =	vst v2;
	s22 =	smov.u32 s24  }
0x36: {  	v2 =	vld [tilespmem:s22+$0x2800];
	_ =	sdelay $0x4  }
0x37: {  	v1 =	vadd.f32 v1, v2;
	_ =	sdelay $0x1  }
0x38: {  	v1 =	vadd.f32 $1.000000000e+00, v1;
	_ =	sdelay $0x1  }
0x39: {  	v2 =	vshrl.u32 v1, $0x1;
	v1 =	vmul.f32 $5.000000000e-01, v1  }
0x3a: {  	v2 =	vsub.s32 $0x5F3759DF, v2  }
0x3b: {  	v3 =	vmul.f32 v2, v1;
	_ =	sdelay $0x1  }
0x3c: {  	v3 =	vmul.f32 v2, v3;
	_ =	sdelay $0x1  }
0x3d: {  	v3 =	vsub.f32 $1.500000000e+00, v3;
	_ =	sdelay $0x1  }
0x3e: {  	v2 =	vmul.f32 v2, v3;
	_ =	sdelay $0x1  }
0x3f: {  	v3 =	vmul.f32 v2, v1;
	_ =	sdelay $0x1  }
0x40: {  	v3 =	vmul.f32 v3, v2;
	_ =	sdelay $0x1  }
0x41: {  	v3 =	vsub.f32 $1.500000000e+00, v3;
	_ =	sdelay $0x1  }
0x42: {  	v2 =	vmul.f32 v3, v2;
	_ =	sdelay $0x1  }
0x43: {  	v1 =	vmul.f32 v2, v1;
	_ =	sdelay $0x1  }
0x44: {  	v1 =	vmul.f32 v1, v2;
	_ =	sdelay $0x1  }
0x45: {  	v1 =	vsub.f32 $1.500000000e+00, v1;
	_ =	sdelay $0x1  }
0x46: {  	v1 =	vmul.f32 v1, v2;
	_ =	sdelay $0x1  }
0x47: {  	s31 =	simm.s32 $0x0;
	[tilespmem:s22+$0x2800] =	vst v1  }
0x48: {  	[tilespmem:s17], [sflag:$0x2] =	stream.linear.gather [hbm4b:s9+s31], $0x280, $0x38;
	[tilespmem:$0x3280] =	vst v63  }
0x49: {  	_ =	swait.ge [sflag:s14], $0x280  }
0x4a: {  	[sflag:s14] =	ssyncset.done $0x0  }
0x4b: {  	s22 =	simm.s32 $0x0;
	[sflag:s14] =	ssyncadd.s32 $0xFFFFFD80  }
0x4c: {  	s23 =	simm.s32 $0x40;
	v1 =	vld [tilespmem:s22+$0x2A80]  }
.LBB2_4:
0x4d: {  	p0 =	sne.s32 s23, $0x9C0;
	v2 =	vld [tilespmem:s22+$0x2800];
	[tilespmem:s22+$0x2A80] =	vst v0;
	_ =	sdelay $0x2  }
.Ltmp1:
0x4e: {  	(pc) =	sbr.rel @p0 .LBB2_4-.Ltmp1, $4  }
0x4f: {  	_ = 	snop  }
0x50: {  	v2 =	vmul.f32 v1, v2  }
0x51: {  	s24 =	sshra.s32 s23, $0x2  }
0x52: {  	s23 =	sadd.s32 $0x40, s23;
	v1 =	vld [tilespmem:s24+$0x2A80];
	[tilespmem:s22+$0x2800] =	vst v2;
	s22 =	smov.u32 s24  }
0x53: {  	v2 =	vld [tilespmem:s22+$0x2800];
	_ =	sdelay $0x4  }
0x54: {  	v1 =	vmul.f32 v1, v2  }
0x55: {  	[tilespmem:s22+$0x2A80] =	vst v0  }
0x56: {  	[tilespmem:s22+$0x2800] =	vst v1  }
0x57: {  	[spmem:s10] =	stream.linear.scatter [tilespmem:s16], [sflag:$0x2], $0x280, $0x38;
	[tilespmem:$0x3280] =	vst v63  }
0x58: {  	_ =	swait.ge [sflag:s14], $0x280  }
0x59: {  	[sflag:s14] =	ssyncset.done $0x0  }
0x5a: {  	[sflag:s14] =	ssyncadd.s32 $0xFFFFFD80  }
0x5b: {  	[spmem:s11] =	stream.linear.scatter [tilespmem:s17], [sflag:$0x2], $0x280, $0x38;
	[tilespmem:$0x3280] =	vst v63  }
0x5c: {  	_ =	swait.ge [sflag:s14], $0x280  }
0x5d: {  	[sflag:s14] =	ssyncset.done $0x0  }
0x5e: {  	[sflag:s14] =	ssyncadd.s32 $0xFFFFFD80  }
0x5f: {  	s30 =	simm.s32 $0x0;
	[bflag:$0x0] =	sbarrier.arrive $0xFFFF  }
0x60: {  	[tilespmem:s19], [sflag:$0x1] =	stream.indirect.gather [spmem:s2], $0x1, s30, s18, $0xb8;
	[tilespmem:$0x3280] =	vst v63  }
0x61: {  	_ =	swait.ge [sflag:s20], $0x80  }
0x62: {  	[sflag:s20] =	ssyncset.done $0x0  }
0x63: {  	s31 =	simm.s32 $0x1400;
	[sflag:s20] =	ssyncadd.s32 $0xFFFFFF80  }
0x64: {  	[spmem:s3] =	stream.indirect.scatter.add.f32 [tilespmem:s19], [sflag:$0x2], $0x1, s31, s18, $0xb8;
	[tilespmem:$0x3280] =	vst v63  }
0x65: {  	_ =	swait.ge [sflag:s14], $0x80  }
0x66: {  	s23 =	simm.s32 $0x400;
	s22 =	simm.s32 $0x200;
	[sflag:s14] =	ssyncset.done $0x0  }
.LBB2_6:
0x67: {  	s24 =	sshra.s32 s22, $0x2  }
0x68: {  	[sflag:s14] =	ssyncadd.s32 $0xFFFFFF80;
	s22 =	smov.u32 s23;
	s25 =	sadd.s32 $0x200, s23  }
0x69: {  	[tilespmem:s19], [sflag:$0x1] =	stream.indirect.gather [spmem:s2], $0x1, s24, s18, $0xb8;
	[tilespmem:$0x3280] =	vst v63  }
0x6a: {  	p0 =	sne.s32 s23, $0x4E00;
	_ =	swait.ge [sflag:s20], $0x80  }
.Ltmp2:
0x6b: {  	[sflag:s20] =	ssyncset.done $0x0;
	(pc) =	sbr.rel @p0 .LBB2_6-.Ltmp2, $4  }
0x6c: {  	s23 =	sadd.s32 $0x1400, s24;
	[sflag:s20] =	ssyncadd.s32 $0xFFFFFF80  }
0x6d: {  	[spmem:s3] =	stream.indirect.scatter.add.f32 [tilespmem:s19], [sflag:$0x2], $0x1, s23, s18, $0xb8;
	[tilespmem:$0x3280] =	vst v63  }
0x6e: {  	_ =	swait.ge [sflag:s14], $0x80  }
0x6f: {  	s23 =	smov.u32 s25;
	[sflag:s14] =	ssyncset.done $0x0  }
0x70: {  	s22 =	sshra.s32 s22, $0x2;
	[sflag:s14] =	ssyncadd.s32 $0xFFFFFF80  }
0x71: {  	[tilespmem:s19], [sflag:$0x1] =	stream.indirect.gather [spmem:s2], $0x1, s22, s18, $0xb8;
	[tilespmem:$0x3280] =	vst v63  }
0x72: {  	_ =	swait.ge [sflag:s20], $0x80  }
0x73: {  	[sflag:s20] =	ssyncset.done $0x0  }
0x74: {  	s22 =	sadd.s32 $0x1400, s22;
	[sflag:s20] =	ssyncadd.s32 $0xFFFFFF80  }
0x75: {  	[spmem:s3] =	stream.indirect.scatter.add.f32 [tilespmem:s19], [sflag:$0x2], $0x1, s22, s18, $0xb8;
	[tilespmem:$0x3280] =	vst v63  }
0x76: {  	_ =	swait.ge [sflag:s14], $0x80  }
0x77: {  	[sflag:s14] =	ssyncset.done $0x0  }
0x78: {  	[sflag:s14] =	ssyncadd.s32 $0xFFFFFF80  }
0x79: {  	[bflag:$0x0] =	sbarrier.arrive $0xFFFF  }
0x7a: {  	[tilespmem:s16], [sflag:$0x2] =	stream.linear.gather [spmem:s11], $0x280, $0x38;
	[tilespmem:$0x3280] =	vst v63  }
0x7b: {  	s21 =	sadd.s32 $0x1, s21;
	_ =	swait.ge [sflag:s14], $0x280  }
0x7c: {  	p0 =	sne.s32 s21, s13;
	[sflag:s14] =	ssyncset.done $0x0  }
.Ltmp3:
0x7d: {  	[sflag:s14] =	ssyncadd.s32 $0xFFFFFD80;
	(pc) =	sbr.rel @p0 .LBB2_1-.Ltmp3, $4  }
0x7e: {  	[hbm4b:s12+s4] =	stream.linear.scatter [tilespmem:s16], [sflag:$0x2], $0x280, $0x38;
	[tilespmem:$0x3280] =	vst v63  }
0x7f: {  	_ =	swait.ge [sflag:s14], $0x280  }
0x80: {  	[sflag:s14] =	ssyncset.done $0x0  }
0x81: {  	[sflag:s14] =	ssyncadd.s32 $0xFFFFFD80  }
0x82: {  	_ =	sfence.sel $0x180000  }
0x83: {  	[bflag:$0x0] =	sbarrier.arrive $0xFFFF  }
0x84: {  	p0 =	sne.s32 s0, $0x0;
	_ =	strace $0x9000004A  }
0x85: {  	s0 =	sadd.s32 @!p0 $0x100000, s1;
	[bflag:$0x2] =	sbarrier.arrive $0xFFFF  }
0x86: {  	[sflag:s0] =	ssyncadd.tile.s32 @!p0 $0x1;
	_ =	shalt  }
.Lfunc_end2:
_tile_overlayer_lowered:
.L_overlay_start_2:
0x87: {  	(tag) =	ssettag $0x2  }
0x88: {  	s0 =	rddreg [dreg:$0x0];
	s2 =	stileid.u32  }
0x89: {  	s1 =	rddreg [dreg:$0x1];
	p0 =	sne.s32 s2, $0x0  }
0x8a: {  	s3 =	rddreg [dreg:$0x2];
	[bflag:$0x3] =	sbarrier.arrive $0xFFFF;
	s2 =	simm.s32 @!p0 $0x1C02  }
0x8b: {  	[timem:s3], [sflag:s2] =	dma.local @!p0 [hbm:s0], s1  }
0x8c: {  	s0 =	simm.s32 @!p0 $0x2  }
0x8d: {  	_ =	swait.ge @!p0 [sflag:s0], s1  }
0x8e: {  	s1 =	ssub.s32 @!p0 $0x0, s1;
	[sflag:s0] =	ssyncset.done @!p0 $0x0  }
0x8f: {  	[sflag:s0] =	ssyncadd.s32 @!p0 s1  }
0x90: {  	[bflag:$0x3] =	sbarrier.arrive $0xFFFF  }
0x91: {  	_ =	shalt  }

// kernel: kernel.15.cloned.1.call-start
scs
__scs_entry_jumppad:
0x0: {  	(pc) =	sbr.rel $0x88, $3  }
0x1: {  	(tag) =	ssettag $0x0;
	lr =	simm.s32 $0x1  }
0x2: {  	[smem:$0x3F97] =	sst lr;
	_ =	strace $0xD0000000  }
0x3: {  	_ = 	snop  }
0x4: {  	_ = 	snop  }
0x5: {  	_ = 	snop  }
0x6: {  	_ = 	snop  }
0x7: {  	_ = 	snop  }
__scs_overlays_trampoline_lowered:
0x8: {  	[smem:$0x3FA6] =	sst s0  }
0x9: {  	[smem:$0x3FA7] =	sst s1  }
0xa: {  	[smem:$0x3FA8] =	sst s2  }
0xb: {  	[smem:$0x3FA9] =	sst s3  }
0xc: {  	[smem:$0x3FAA] =	sst s4  }
0xd: {  	[smem:$0x3FAB] =	sst s5  }
0xe: {  	[smem:$0x3FAC] =	sst s6  }
0xf: {  	[smem:$0x3FAD] =	sst s7  }
0x10: {  	[smem:$0x3FAE] =	sst s8  }
0x11: {  	[smem:$0x3FAF] =	sst s9;
	s0 =	simm.s32 @!p0 $0x0  }
0x12: {  	s1 =	sld [smem:$0x3F95];
	s0 =	simm.s32 @p0 $0x1  }
0x13: {  	[smem:$0x3FB0] =	sst s0;
	s0 =	simm.s32 @!p1 $0x0  }
0x14: {  	s2 =	sld [smem:$0x3F94];
	s0 =	simm.s32 @p1 $0x1  }
0x15: {  	[smem:$0x3FB1] =	sst s0;
	s0 =	simm.s32 @!p2 $0x0  }
0x16: {  	s3 =	sld [smem:$0x3FDB];
	s0 =	simm.s32 @p2 $0x1  }
0x17: {  	s4 =	simm.s32 $0x1BF5;
	[smem:$0x3FB3] =	sst s0  }
0x18: {  	s0 =	sld [smem:$0x3F96];
	_ =	swait.ge [sflag:s4], $0x0  }
0x19: {  	s7 =	sld [smem:$0x3F97]  }
0x1a: {  	s8 =	sadd.s32 $0xFFFFE003, lr  }
0x1b: {  	s9 =	sadd.s32 $0xFFFFFEF7, lr;
	s5 =	simm.s32 $0xFFFFFFFF;
	p2 =	slt.u32 s8, $0xFFFFF086  }
0x1c: {  	p1 =	slt.u32 s9, $0xF7A;
	s5 =	simm.s32 @!p2 $0x0  }
0x1d: {  	s5 =	simm.s32 @p1 $0x1;
	p0 =	seq.s32 s7, s2  }
0x1e: {  	s7 =	smul.u32 @!p0 $0xF7A, s2;
	p2 =	seq.s32 @!p0 s5, $0x0  }
0x1f: {  	s9 =	smul.u32 $0xF7A, s1;
	s8 =	simm.s32 @!p0 $0x1BF5;
	p2 =	por !p2, p0  }
0x20: {  	[sflag:s8] =	ssyncset.s32 @!p0 $0xFFFFF086;
	s6 =	sadd.s32 @!p0 s3, s7;
	s7 =	simm.s32 @!p0 $0x108  }
0x21: {  	s3 =	sadd.s32 s3, s9;
	s6 =	sadd.s32 @!p0 $0x88, s6;
	s7 =	simm.s32 @p2 $0x1082  }
0x22: {  	[simem:s7], [sflag:s8] =	dma.local @!p0 [hbm:s6], $0xF7A  }
0x23: {  	s9 =	sor.u32 $0xD0000000, s2;
	s6 =	simm.s32 $0x108;
	_ =	swait.ge @!p0 [sflag:s8], $0x0  }
0x24: {  	s3 =	sadd.s32 $0x88, s3;
	s6 =	simm.s32 @!p1 $0x1082;
	[sflag:s4] =	ssyncset.s32 $0xFFFFF086  }
0x25: {  	[simem:s6], [sflag:s4] =	dma.local [hbm:s3], $0xF7A  }
0x26: {  	[smem:$0x3F97] =	sst s1;
	(tag) =	ssettag s2;
	_ =	strace s9  }
0x27: {  	s1 =	sld [smem:$0x3FA7]  }
0x28: {  	s2 =	sld [smem:$0x3FA8]  }
0x29: {  	s4 =	sld [smem:$0x3FAA]  }
0x2a: {  	p0 =	seq.s32 s5, $0x0;
	s5 =	sld [smem:$0x3FAB]  }
0x2b: {  	s6 =	sld [smem:$0x3FAC]  }
0x2c: {  	s7 =	sld [smem:$0x3FAD]  }
0x2d: {  	s3 =	simm.s32 $0x108;
	s8 =	sld [smem:$0x3FAE]  }
0x2e: {  	s3 =	simm.s32 @!p0 $0x1082;
	s9 =	sld [smem:$0x3FAF]  }
0x2f: {  	lr =	sadd.s32 s0, s3;
	s0 =	sld [smem:$0x3FA6]  }
0x30: {  	s3 =	sld [smem:$0x3FA9]  }
0x31: {  	[smem:$0x3FB2] =	sst s10  }
0x32: {  	s10 =	sld [smem:$0x3FB0];
	_ =	sdelay $0x3  }
0x33: {  	p0 =	seq.s32 s10, $0x1;
	s10 =	sld [smem:$0x3FB2];
	_ =	sdelay $0x3  }
0x34: {  	[smem:$0x3FB2] =	sst s10  }
0x35: {  	s10 =	sld [smem:$0x3FB1];
	_ =	sdelay $0x3  }
0x36: {  	p1 =	seq.s32 s10, $0x1;
	s10 =	sld [smem:$0x3FB2];
	_ =	sdelay $0x3  }
0x37: {  	[smem:$0x3FB2] =	sst s10  }
0x38: {  	s10 =	sld [smem:$0x3FB3]  }
0x39: {  	_ = 	snop;
	(pc) =	sbr.ind lr, $3  }
0x3a: {  	_ = 	snop  }
0x3b: {  	_ = 	snop  }
0x3c: {  	p2 =	seq.s32 s10, $0x1;
	s10 =	sld [smem:$0x3FB2]  }
0x3d: {  	_ =	shalt  }
0x3e: {  	_ =	shalt  }
0x3f: {  	_ =	shalt  }
0x40: {  	_ =	shalt  }
0x41: {  	_ =	shalt  }
0x42: {  	_ =	shalt  }
0x43: {  	_ =	shalt  }
0x44: {  	_ =	shalt  }
0x45: {  	_ =	shalt  }
0x46: {  	_ =	shalt  }
0x47: {  	_ =	shalt  }
0x48: {  	_ =	shalt  }
0x49: {  	_ =	shalt  }
0x4a: {  	_ =	shalt  }
0x4b: {  	_ =	shalt  }
0x4c: {  	_ =	shalt  }
0x4d: {  	_ =	shalt  }
0x4e: {  	_ =	shalt  }
0x4f: {  	_ =	shalt  }
0x50: {  	_ =	shalt  }
0x51: {  	_ =	shalt  }
0x52: {  	_ =	shalt  }
0x53: {  	_ =	shalt  }
0x54: {  	_ =	shalt  }
0x55: {  	_ =	shalt  }
0x56: {  	_ =	shalt  }
0x57: {  	_ =	shalt  }
0x58: {  	_ =	shalt  }
0x59: {  	_ =	shalt  }
0x5a: {  	_ =	shalt  }
0x5b: {  	_ =	shalt  }
0x5c: {  	_ =	shalt  }
0x5d: {  	_ =	shalt  }
0x5e: {  	_ =	shalt  }
0x5f: {  	_ =	shalt  }
0x60: {  	_ =	shalt  }
0x61: {  	_ =	shalt  }
0x62: {  	_ =	shalt  }
0x63: {  	_ =	shalt  }
0x64: {  	_ =	shalt  }
0x65: {  	_ =	shalt  }
0x66: {  	_ =	shalt  }
0x67: {  	_ =	shalt  }
0x68: {  	_ =	shalt  }
0x69: {  	_ =	shalt  }
0x6a: {  	_ =	shalt  }
0x6b: {  	_ =	shalt  }
0x6c: {  	_ =	shalt  }
0x6d: {  	_ =	shalt  }
0x6e: {  	_ =	shalt  }
0x6f: {  	_ =	shalt  }
0x70: {  	_ =	shalt  }
0x71: {  	_ =	shalt  }
0x72: {  	_ =	shalt  }
0x73: {  	_ =	shalt  }
0x74: {  	_ =	shalt  }
0x75: {  	_ =	shalt  }
0x76: {  	_ =	shalt  }
0x77: {  	_ =	shalt  }
0x78: {  	_ =	shalt  }
0x79: {  	_ =	shalt  }
0x7a: {  	_ =	shalt  }
0x7b: {  	_ =	shalt  }
0x7c: {  	_ =	shalt  }
0x7d: {  	_ =	shalt  }
0x7e: {  	_ =	shalt  }
0x7f: {  	_ =	shalt  }
0x80: {  	_ =	shalt  }
0x81: {  	_ =	shalt  }
0x82: {  	_ =	shalt  }
0x83: {  	_ =	shalt  }
0x84: {  	_ =	shalt  }
0x85: {  	_ =	shalt  }
0x86: {  	_ =	shalt  }
0x87: {  	_ =	shalt  }
.Lfunc_end0:
.L_simem_size_0:
called_computation.2_lowered:
.L_overlay_start_0:
0x88: {  	s2 =	sld [smem:$0x3FD9]  }
0x89: {  	s3 =	sld [smem:$0x3FFE];
	_ =	sdelay $0x1  }
0x8a: {  	s1 =	srdreg.scid  }
0x8b: {  	s0 =	sand.u32 $0x1, s1  }
0x8c: {  	s16 =	sshll.u32 s0, $0xA;
	s2 =	sadd.s32 s3, s2  }
0x8d: {  	s2 =	sadd.s32 s2, s16  }
0x8e: {  	[smem:$0x3FBE] =	sst s2  }
0x8f: {  	_ = 	snop  }
0x90: {  	(tm) =	ssettm $0x1  }
0x91: {  	s17 =	sld [smem:$0x3FFB];
	_ =	sdelay $0x3  }
0x92: {  	_ =	strace s17  }
0x93: {  	s2 =	sld [smem:$0x3FFC];
	_ =	sdelay $0x3  }
0x94: {  	_ =	strace s2  }
0x95: {  	s2 =	sld [smem:$0x3FFD];
	_ =	sdelay $0x3  }
0x96: {  	_ =	strace s2  }
0x97: {  	_ =	strace $0x8FFFFFFF  }
0x98: {  	s18 =	sld [smem:$0x3FDB];
	_ =	sdelay $0x1  }
0x99: {  	s19 =	simm.s32 $_scs_section_size  }
0x9a: {  	s4 =	simm.s32 $_size__tile_overlayer_lowered;
	s5 =	simm.s32 $_tile_overlayer_lowered  }
0x9b: {  	s22 =	simm.s32 $0x1BFF;
	s21 =	sshll.u32 s5, $0x1;
	s2 =	sadd.s32 s19, s18  }
0x9c: {  	s6 =	simm.s32 $0x0;
	s20 =	sshll.u32 s4, $0x1;
	s4 =	sadd.s32 s21, s2  }
0x9d: {  	[timem:s6], [sflag:s22] =	dma.local [hbm:s4], s20  }
0x9e: {  	_ =	swait.ge [sflag:s22], s20  }
0x9f: {  	s3 =	ssub.s32 $0x0, s20;
	[sflag:s22] =	ssyncset.done $0x0  }
0xa0: {  	[sflag:s22] =	ssyncadd.s32 s3;
	_ =	sdelay $0x1  }
0xa1: {  	s23 =	simm.s32 $0x1B8B  }
0xa2: {  	_ =	swait.ge [sflag:s23], $0x1  }
0xa3: {  	[sflag:s23] =	ssyncset.done $0x0  }
0xa4: {  	s25 =	simm.s32 $0x1B8E;
	s24 =	sld [smem:$0x3FFE];
	[sflag:s23] =	ssyncadd.s32 $0xFFFFFFFF  }
0xa5: {  	s26 =	simm.s32 $execute0_lowered;
	[smem:$0x3FD2] =	sst s25  }
0xa6: {  	s4 =	sshll.u32 s26, $0x1;
	_ =	strace $0x8000004C;
	[dreg:$0x1] =	wrdreg $0xFFFFFFFF  }
0xa7: {  	s28 =	simm.s32 $_size_execute0_lowered;
	s2 =	sadd.s32 s2, s4;
	[dreg:$0x0] =	wrdreg $0x0  }
0xa8: {  	s4 =	sshll.u32 s28, $0x1;
	[dreg:$0x2] =	wrdreg s2  }
0xa9: {  	[dreg:$0x3] =	wrdreg s4  }
0xaa: {  	[dreg:$0x4] =	wrdreg $0xC0  }
0xab: {  	_ =	task [dreg:s6], $0x5FFFF  }
0xac: {  	[dreg:$0x1] =	wrdreg $0xFFFFFFFF  }
0xad: {  	[dreg:$0x0] =	wrdreg $0x60  }
0xae: {  	[dreg:$0x2] =	wrdreg s24  }
0xaf: {  	[dreg:$0x3] =	wrdreg $0x2B800  }
0xb0: {  	[dreg:$0x4] =	wrdreg $0x2E000  }
0xb1: {  	[dreg:$0x5] =	wrdreg $0x30800  }
0xb2: {  	[dreg:$0x6] =	wrdreg $0x33000  }
0xb3: {  	[dreg:$0x7] =	wrdreg $0x9  }
0xb4: {  	_ =	task.clear_ibuf [dreg:s6], $0x8FFFF;
	_ =	strace $0x9000004C  }
0xb5: {  	s29 =	simm.s32 $0x9;
	_ =	strace $0x8000004E  }
0xb6: {  	_ =	swait.ge [sflag:s29], $0x1  }
0xb7: {  	[sflag:s29] =	ssyncadd.s32 $0xFFFFFFFF  }
0xb8: {  	_ =	strace $0x9000004E  }
0xb9: {  	_ =	sfence  }
0xba: {  	s30 =	sld [smem:$0x0];
	_ =	sdelay $0x2  }
0xbb: {  	s31 =	sshll.u32 s1, $0xD;
	s1 =	sshrl.u32 s1, $0x2  }
0xbc: {  	s3 =	sand.u32 $0x4000, s31;
	s1 =	sadd.s32 s1, s30  }
0xbd: {  	s0 =	sor.u32 s3, s0;
	s1 =	sshll.u32 s1, $0x11  }
0xbe: {  	s0 =	sor.u32 s1, s0  }
0xbf: {  	s0 =	sadd.s32 $0x8F2B, s0  }
0xc0: {  	[sflag:s0] =	ssyncadd.remote.s32 $0x1  }
0xc1: {  	_ =	sfence.sel $0xFFFF  }
0xc2: {  	[dreg:$0x0] =	wrdreg $0xFFFFFFFF;
	(pc) =	sbr.abs _section_cstart, $3  }
0xc3: {  	[dreg:$0x1] =	wrdreg $0xFFFFFFFF  }
0xc4: {  	_ =	task.clear_ibuf [dreg:s6], $0x2FFFF;
	_ =	strace $0x9FFFFFFF  }
0xc5: {  	(tm) =	ssettm $0x7FFFFFFF  }
tec
execute0_lowered:
.L_overlay_start_1:
0x0: {  	(tag) =	ssettag $0x1  }
0x1: {  	s7 =	rddreg [dreg:$0x0]  }
0x2: {  	s1 =	rddreg [dreg:$0x1]  }
0x3: {  	s2 =	rddreg [dreg:$0x2]  }
0x4: {  	s0 =	stileid.u32;
	s4 =	rddreg [dreg:$0x3]  }
0x5: {  	s3 =	srdreg.scid;
	s5 =	rddreg [dreg:$0x4];
	s6 =	simm.s32 $0x0  }
0x6: {  	s18 =	simm.s32 $0x3;
	s19 =	simm.s32 $0x1400;
	s20 =	simm.s32 $0x2900  }
0x7: {  	s21 =	simm.s32 $0x80;
	s22 =	simm.s32 $0x2800;
	s23 =	simm.s32 $0x1  }
0x8: {  	s24 =	simm.s32 $0x2880;
	s25 =	simm.s32 $0x2;
	s14 =	smul.u32 $0x280, s0  }
0x9: {  	s8 =	sand.u32 $0x1, s3;
	s3 =	rddreg [dreg:$0x5];
	s10 =	smul.u32 $0x1400, s0  }
0xa: {  	s26 =	simm.s32 $0x0;
	[smem:$0x7FF] =	sst s6;
	s9 =	smul.u32 $0x14000, s8  }
0xb: {  	s11 =	smul.u32 $0x2800, s8;
	_ =	strace $0x8000004D;
	s8 =	ssub.s32 $0x2, s8  }
0xc: {  	s12 =	sshrl.u32 s14, $0x3;
	s31 =	sshrl.u32 s8, $0x1;
	s13 =	sadd.s32 s14, s4  }
0xd: {  	s12 =	sadd.s32 s12, s7;
	s9 =	sadd.s32 s10, s9;
	s30 =	sadd.s32 s14, s11  }
0xe: {  	s17 =	ssub.s32 s8, s31;
	s9 =	sshrl.u32 s9, $0x3;
	s10 =	sshrl.u32 s30, $0x3  }
0xf: {  	s11 =	sadd.s32 $0xD500, s12;
	s17 =	smax.u32 s17, $0x1;
	s9 =	sadd.s32 s9, s7  }
0x10: {  	s16 =	sadd.s32 s10, s7;
	s10 =	sadd.s32 s14, s1;
	s7 =	sadd.s32 $0x6C00, s9  }
0x11: {  	s8 =	sadd.s32 $0x1C00, s9;
	s9 =	sadd.s32 $0xD000, s12;
	s12 =	sadd.s32 s14, s2  }
0x12: {  	v0 =	vimm.f32 $0.0e+00;
	s14 =	sadd.s32 s14, s5;
	s15 =	sadd.s32 $0xDA00, s16;
	s16 =	sadd.s32 $0xE400, s16  }
.LBB2_1:
0x13: {  	[tilespmem:s6], [sflag:$0x3] =	stream.linear.gather [hbm4b:s7+s6], $0x1400, $0x38;
	[tilespmem:$0x3580] =	vst v63  }
0x14: {  	_ =	swait.ge [sflag:s18], $0x1400  }
0x15: {  	[sflag:s18] =	ssyncset.done $0x0  }
0x16: {  	[sflag:s18] =	ssyncadd.s32 $0xFFFFEC00  }
0x17: {  	[tilespmem:s19], [sflag:$0x3] =	stream.linear.gather [hbm4b:s8+s6], $0x1400, $0x38;
	[tilespmem:$0x3580] =	vst v63  }
0x18: {  	_ =	swait.ge [sflag:s18], $0x1400  }
0x19: {  	[sflag:s18] =	ssyncset.done $0x0  }
0x1a: {  	[sflag:s18] =	ssyncadd.s32 $0xFFFFEC00  }
0x1b: {  	[tilespmem:s20], [sflag:$0x3] =	stream.linear.gather [hbm4b:s9+s6], $0x280, $0x38;
	[tilespmem:$0x3580] =	vst v63  }
0x1c: {  	_ =	swait.ge [sflag:s18], $0x280  }
0x1d: {  	[sflag:s18] =	ssyncset.done $0x0  }
0x1e: {  	[sflag:s18] =	ssyncadd.s32 $0xFFFFFD80  }
0x1f: {  	[spmem:s10] =	stream.linear.scatter [tilespmem:s20], [sflag:$0x3], $0x280, $0x38;
	[tilespmem:$0x3580] =	vst v63  }
0x20: {  	_ =	swait.ge [sflag:s18], $0x280  }
0x21: {  	[sflag:s18] =	ssyncset.done $0x0  }
0x22: {  	[sflag:s18] =	ssyncadd.s32 $0xFFFFFD80  }
0x23: {  	[tilespmem:s20], [sflag:$0x3] =	stream.linear.gather [hbm4b:s11+s6], $0x280, $0x38;
	[tilespmem:$0x3580] =	vst v63  }
0x24: {  	_ =	swait.ge [sflag:s18], $0x280  }
0x25: {  	[sflag:s18] =	ssyncset.done $0x0  }
0x26: {  	[sflag:s18] =	ssyncadd.s32 $0xFFFFFD80  }
0x27: {  	[spmem:s12] =	stream.linear.scatter [tilespmem:s20], [sflag:$0x3], $0x280, $0x38;
	[tilespmem:$0x3580] =	vst v63  }
0x28: {  	_ =	swait.ge [sflag:s18], $0x280  }
0x29: {  	[sflag:s18] =	ssyncset.done $0x0  }
0x2a: {  	[sflag:s18] =	ssyncadd.s32 $0xFFFFFD80  }
0x2b: {  	[tilespmem:$0x2900] =	vst v0  }
0x2c: {  	[tilespmem:$0x2910] =	vst v0  }
0x2d: {  	[tilespmem:$0x2920] =	vst v0  }
0x2e: {  	[tilespmem:$0x2930] =	vst v0  }
0x2f: {  	[tilespmem:$0x2940] =	vst v0  }
0x30: {  	[tilespmem:$0x2950] =	vst v0  }
0x31: {  	[tilespmem:$0x2960] =	vst v0  }
0x32: {  	[tilespmem:$0x2970] =	vst v0  }
0x33: {  	[tilespmem:$0x2980] =	vst v0  }
0x34: {  	[tilespmem:$0x2990] =	vst v0  }
0x35: {  	[tilespmem:$0x29A0] =	vst v0  }
0x36: {  	[tilespmem:$0x29B0] =	vst v0  }
0x37: {  	[tilespmem:$0x29C0] =	vst v0  }
0x38: {  	[tilespmem:$0x29D0] =	vst v0  }
0x39: {  	[tilespmem:$0x29E0] =	vst v0  }
0x3a: {  	[tilespmem:$0x29F0] =	vst v0  }
0x3b: {  	[tilespmem:$0x2A00] =	vst v0  }
0x3c: {  	[tilespmem:$0x2A10] =	vst v0  }
0x3d: {  	[tilespmem:$0x2A20] =	vst v0  }
0x3e: {  	[tilespmem:$0x2A30] =	vst v0  }
0x3f: {  	[tilespmem:$0x2A40] =	vst v0  }
0x40: {  	[tilespmem:$0x2A50] =	vst v0  }
0x41: {  	[tilespmem:$0x2A60] =	vst v0  }
0x42: {  	[tilespmem:$0x2A70] =	vst v0  }
0x43: {  	[tilespmem:$0x2A80] =	vst v0  }
0x44: {  	[tilespmem:$0x2A90] =	vst v0  }
0x45: {  	[tilespmem:$0x2AA0] =	vst v0  }
0x46: {  	[tilespmem:$0x2AB0] =	vst v0  }
0x47: {  	[tilespmem:$0x2AC0] =	vst v0  }
0x48: {  	[tilespmem:$0x2AD0] =	vst v0  }
0x49: {  	[tilespmem:$0x2AE0] =	vst v0  }
0x4a: {  	[tilespmem:$0x2AF0] =	vst v0  }
0x4b: {  	[tilespmem:$0x2B00] =	vst v0  }
0x4c: {  	[tilespmem:$0x2B10] =	vst v0  }
0x4d: {  	[tilespmem:$0x2B20] =	vst v0  }
0x4e: {  	[tilespmem:$0x2B30] =	vst v0  }
0x4f: {  	[tilespmem:$0x2B40] =	vst v0  }
0x50: {  	[tilespmem:$0x2B50] =	vst v0  }
0x51: {  	[tilespmem:$0x2B60] =	vst v0  }
0x52: {  	[tilespmem:$0x2B70] =	vst v0  }
0x53: {  	[spmem:s13] =	stream.linear.scatter [tilespmem:s20], [sflag:$0x3], $0x280, $0x38;
	[tilespmem:$0x3580] =	vst v63  }
0x54: {  	_ =	swait.ge [sflag:s18], $0x280  }
0x55: {  	[sflag:s18] =	ssyncset.done $0x0  }
0x56: {  	[sflag:s18] =	ssyncadd.s32 $0xFFFFFD80  }
0x57: {  	[spmem:s14] =	stream.linear.scatter [tilespmem:s20], [sflag:$0x3], $0x280, $0x38;
	[tilespmem:$0x3580] =	vst v63  }
0x58: {  	_ =	swait.ge [sflag:s18], $0x280  }
0x59: {  	[sflag:s18] =	ssyncset.done $0x0  }
0x5a: {  	[sflag:s18] =	ssyncadd.s32 $0xFFFFFD80  }
0x5b: {  	s28 =	simm.s32 $0x0;
	[bflag:$0x0] =	sbarrier.arrive $0xFFFF  }
0x5c: {  	[tilespmem:s22], [sflag:$0x1] =	stream.indirect.gather [spmem:s1], $0x1, s28, s21, $0xb8;
	[tilespmem:$0x3580] =	vst v63  }
0x5d: {  	_ =	swait.ge [sflag:s23], $0x80  }
0x5e: {  	[sflag:s23] =	ssyncset.done $0x0  }
0x5f: {  	s29 =	simm.s32 $0x1400;
	[sflag:s23] =	ssyncadd.s32 $0xFFFFFF80  }
0x60: {  	[spmem:s4] =	stream.indirect.scatter.add.f32 [tilespmem:s22], [sflag:$0x3], $0x1, s29, s21, $0xb8;
	[tilespmem:$0x3580] =	vst v63  }
0x61: {  	_ =	swait.ge [sflag:s18], $0x80  }
0x62: {  	[sflag:s18] =	ssyncset.done $0x0  }
0x63: {  	[sflag:s18] =	ssyncadd.s32 $0xFFFFFF80  }
0x64: {  	[tilespmem:s24], [sflag:$0x2] =	stream.indirect.gather [spmem:s2], $0x1, s28, s21, $0xb8;
	[tilespmem:$0x3580] =	vst v63  }
0x65: {  	_ =	swait.ge [sflag:s25], $0x80  }
0x66: {  	[sflag:s25] =	ssyncset.done $0x0  }
0x67: {  	[sflag:s25] =	ssyncadd.s32 $0xFFFFFF80  }
0x68: {  	[spmem:s5] =	stream.indirect.scatter.add.f32 [tilespmem:s24], [sflag:$0x3], $0x1, s29, s21, $0xb8;
	[tilespmem:$0x3580] =	vst v63  }
0x69: {  	_ =	swait.ge [sflag:s18], $0x80  }
0x6a: {  	s28 =	simm.s32 $0x200;
	s29 =	simm.s32 $0x400;
	[sflag:s18] =	ssyncset.done $0x0  }
.LBB2_2:
0x6b: {  	s30 =	sshra.s32 s28, $0x2  }
0x6c: {  	[sflag:s18] =	ssyncadd.s32 $0xFFFFFF80;
	s28 =	smov.u32 s29;
	s31 =	sadd.s32 $0x200, s29  }
0x6d: {  	[tilespmem:s22], [sflag:$0x1] =	stream.indirect.gather [spmem:s1], $0x1, s30, s21, $0xb8;
	[tilespmem:$0x3580] =	vst v63  }
0x6e: {  	p0 =	sne.s32 s29, $0x4E00;
	_ =	swait.ge [sflag:s23], $0x80  }
0x6f: {  	[sflag:s23] =	ssyncset.done $0x0  }
0x70: {  	s29 =	sadd.s32 $0x1400, s30;
	[sflag:s23] =	ssyncadd.s32 $0xFFFFFF80  }
0x71: {  	[spmem:s4] =	stream.indirect.scatter.add.f32 [tilespmem:s22], [sflag:$0x3], $0x1, s29, s21, $0xb8;
	[tilespmem:$0x3580] =	vst v63  }
0x72: {  	_ =	swait.ge [sflag:s18], $0x80  }
0x73: {  	[sflag:s18] =	ssyncset.done $0x0  }
0x74: {  	[sflag:s18] =	ssyncadd.s32 $0xFFFFFF80  }
0x75: {  	[tilespmem:s24], [sflag:$0x2] =	stream.indirect.gather [spmem:s2], $0x1, s30, s21, $0xb8;
	[tilespmem:$0x3580] =	vst v63  }
0x76: {  	_ =	swait.ge [sflag:s25], $0x80  }
.Ltmp0:
0x77: {  	[sflag:s25] =	ssyncset.done $0x0;
	(pc) =	sbr.rel @p0 .LBB2_2-.Ltmp0, $4  }
0x78: {  	[sflag:s25] =	ssyncadd.s32 $0xFFFFFF80  }
0x79: {  	[spmem:s5] =	stream.indirect.scatter.add.f32 [tilespmem:s24], [sflag:$0x3], $0x1, s29, s21, $0xb8;
	[tilespmem:$0x3580] =	vst v63  }
0x7a: {  	_ =	swait.ge [sflag:s18], $0x80  }
0x7b: {  	s29 =	smov.u32 s31;
	[sflag:s18] =	ssyncset.done $0x0  }
0x7c: {  	s28 =	sshra.s32 s28, $0x2;
	[sflag:s18] =	ssyncadd.s32 $0xFFFFFF80  }
0x7d: {  	[tilespmem:s22], [sflag:$0x1] =	stream.indirect.gather [spmem:s1], $0x1, s28, s21, $0xb8;
	[tilespmem:$0x3580] =	vst v63  }
0x7e: {  	_ =	swait.ge [sflag:s23], $0x80  }
0x7f: {  	[sflag:s23] =	ssyncset.done $0x0  }
0x80: {  	s29 =	sadd.s32 $0x1400, s28;
	[sflag:s23] =	ssyncadd.s32 $0xFFFFFF80  }
0x81: {  	[spmem:s4] =	stream.indirect.scatter.add.f32 [tilespmem:s22], [sflag:$0x3], $0x1, s29, s21, $0xb8;
	[tilespmem:$0x3580] =	vst v63  }
0x82: {  	_ =	swait.ge [sflag:s18], $0x80  }
0x83: {  	[sflag:s18] =	ssyncset.done $0x0  }
0x84: {  	[sflag:s18] =	ssyncadd.s32 $0xFFFFFF80  }
0x85: {  	[tilespmem:s24], [sflag:$0x2] =	stream.indirect.gather [spmem:s2], $0x1, s28, s21, $0xb8;
	[tilespmem:$0x3580] =	vst v63  }
0x86: {  	_ =	swait.ge [sflag:s25], $0x80  }
0x87: {  	[sflag:s25] =	ssyncset.done $0x0  }
0x88: {  	[sflag:s25] =	ssyncadd.s32 $0xFFFFFF80  }
0x89: {  	[spmem:s5] =	stream.indirect.scatter.add.f32 [tilespmem:s24], [sflag:$0x3], $0x1, s29, s21, $0xb8;
	[tilespmem:$0x3580] =	vst v63  }
0x8a: {  	_ =	swait.ge [sflag:s18], $0x80  }
0x8b: {  	[sflag:s18] =	ssyncset.done $0x0  }
0x8c: {  	[sflag:s18] =	ssyncadd.s32 $0xFFFFFF80  }
0x8d: {  	[bflag:$0x0] =	sbarrier.arrive $0xFFFF  }
0x8e: {  	[tilespmem:s20], [sflag:$0x3] =	stream.linear.gather [spmem:s13], $0x280, $0x38;
	[tilespmem:$0x3580] =	vst v63  }
0x8f: {  	_ =	swait.ge [sflag:s18], $0x280  }
0x90: {  	[sflag:s18] =	ssyncset.done $0x0  }
0x91: {  	[sflag:s18] =	ssyncadd.s32 $0xFFFFFD80  }
0x92: {  	[hbm4b:s15+s6] =	stream.linear.scatter [tilespmem:s20], [sflag:$0x3], $0x280, $0x38;
	[tilespmem:$0x3580] =	vst v63  }
0x93: {  	_ =	swait.ge [sflag:s18], $0x280  }
0x94: {  	[sflag:s18] =	ssyncset.done $0x0  }
0x95: {  	[sflag:s18] =	ssyncadd.s32 $0xFFFFFD80  }
0x96: {  	[tilespmem:s20], [sflag:$0x3] =	stream.linear.gather [spmem:s14], $0x280, $0x38;
	[tilespmem:$0x3580] =	vst v63  }
0x97: {  	s26 =	sadd.s32 $0x1, s26;
	_ =	swait.ge [sflag:s18], $0x280  }
0x98: {  	p0 =	sne.s32 s26, s17;
	[sflag:s18] =	ssyncset.done $0x0  }
.Ltmp1:
0x99: {  	[sflag:s18] =	ssyncadd.s32 $0xFFFFFD80;
	(pc) =	sbr.rel @p0 .LBB2_1-.Ltmp1, $4  }
0x9a: {  	[hbm4b:s16+s6] =	stream.linear.scatter [tilespmem:s20], [sflag:$0x3], $0x280, $0x38;
	[tilespmem:$0x3580] =	vst v63  }
0x9b: {  	_ =	swait.ge [sflag:s18], $0x280  }
0x9c: {  	[sflag:s18] =	ssyncset.done $0x0  }
0x9d: {  	[sflag:s18] =	ssyncadd.s32 $0xFFFFFD80  }
0x9e: {  	_ =	sfence.sel $0x180000  }
0x9f: {  	[bflag:$0x0] =	sbarrier.arrive $0xFFFF  }
0xa0: {  	p0 =	sne.s32 s0, $0x0;
	_ =	strace $0x9000004D  }
0xa1: {  	s0 =	sadd.s32 @!p0 $0x100000, s3;
	[bflag:$0x2] =	sbarrier.arrive $0xFFFF  }
0xa2: {  	[sflag:s0] =	ssyncadd.tile.s32 @!p0 $0x1;
	_ =	shalt  }
.Lfunc_end2:
_tile_overlayer_lowered:
.L_overlay_start_2:
0xa3: {  	(tag) =	ssettag $0x2  }
0xa4: {  	s0 =	rddreg [dreg:$0x0];
	s2 =	stileid.u32  }
0xa5: {  	s1 =	rddreg [dreg:$0x1];
	p0 =	sne.s32 s2, $0x0  }
0xa6: {  	s3 =	rddreg [dreg:$0x2];
	[bflag:$0x3] =	sbarrier.arrive $0xFFFF;
	s2 =	simm.s32 @!p0 $0x1C03  }
0xa7: {  	[timem:s3], [sflag:s2] =	dma.local @!p0 [hbm:s0], s1  }
0xa8: {  	s0 =	simm.s32 @!p0 $0x3  }
0xa9: {  	_ =	swait.ge @!p0 [sflag:s0], s1  }
0xaa: {  	s1 =	ssub.s32 @!p0 $0x0, s1;
	[sflag:s0] =	ssyncset.done @!p0 $0x0  }
0xab: {  	[sflag:s0] =	ssyncadd.s32 @!p0 s1  }
0xac: {  	[bflag:$0x3] =	sbarrier.arrive $0xFFFF  }
0xad: {  	_ =	shalt  }

// kernel: kernel.18.cloned.1.call-start
scs
__scs_entry_jumppad:
0x0: {  	(pc) =	sbr.rel $0x88, $3  }
0x1: {  	(tag) =	ssettag $0x0;
	lr =	simm.s32 $0x1  }
0x2: {  	[smem:$0x3F97] =	sst lr;
	_ =	strace $0xD0000000  }
0x3: {  	_ = 	snop  }
0x4: {  	_ = 	snop  }
0x5: {  	_ = 	snop  }
0x6: {  	_ = 	snop  }
0x7: {  	_ = 	snop  }
__scs_overlays_trampoline_lowered:
0x8: {  	[smem:$0x3FA6] =	sst s0  }
0x9: {  	[smem:$0x3FA7] =	sst s1  }
0xa: {  	[smem:$0x3FA8] =	sst s2  }
0xb: {  	[smem:$0x3FA9] =	sst s3  }
0xc: {  	[smem:$0x3FAA] =	sst s4  }
0xd: {  	[smem:$0x3FAB] =	sst s5  }
0xe: {  	[smem:$0x3FAC] =	sst s6  }
0xf: {  	[smem:$0x3FAD] =	sst s7  }
0x10: {  	[smem:$0x3FAE] =	sst s8  }
0x11: {  	[smem:$0x3FAF] =	sst s9;
	s0 =	simm.s32 @!p0 $0x0  }
0x12: {  	s1 =	sld [smem:$0x3F95];
	s0 =	simm.s32 @p0 $0x1  }
0x13: {  	[smem:$0x3FB0] =	sst s0;
	s0 =	simm.s32 @!p1 $0x0  }
0x14: {  	s2 =	sld [smem:$0x3F94];
	s0 =	simm.s32 @p1 $0x1  }
0x15: {  	[smem:$0x3FB1] =	sst s0;
	s0 =	simm.s32 @!p2 $0x0  }
0x16: {  	s3 =	sld [smem:$0x3FDB];
	s0 =	simm.s32 @p2 $0x1  }
0x17: {  	s4 =	simm.s32 $0x1BF5;
	[smem:$0x3FB3] =	sst s0  }
0x18: {  	s0 =	sld [smem:$0x3F96];
	_ =	swait.ge [sflag:s4], $0x0  }
0x19: {  	s7 =	sld [smem:$0x3F97]  }
0x1a: {  	s8 =	sadd.s32 $0xFFFFE003, lr  }
0x1b: {  	s9 =	sadd.s32 $0xFFFFFEF7, lr;
	s5 =	simm.s32 $0xFFFFFFFF;
	p2 =	slt.u32 s8, $0xFFFFF086  }
0x1c: {  	p1 =	slt.u32 s9, $0xF7A;
	s5 =	simm.s32 @!p2 $0x0  }
0x1d: {  	s5 =	simm.s32 @p1 $0x1;
	p0 =	seq.s32 s7, s2  }
0x1e: {  	s7 =	smul.u32 @!p0 $0xF7A, s2;
	p2 =	seq.s32 @!p0 s5, $0x0  }
0x1f: {  	s9 =	smul.u32 $0xF7A, s1;
	s8 =	simm.s32 @!p0 $0x1BF5;
	p2 =	por !p2, p0  }
0x20: {  	[sflag:s8] =	ssyncset.s32 @!p0 $0xFFFFF086;
	s6 =	sadd.s32 @!p0 s3, s7;
	s7 =	simm.s32 @!p0 $0x108  }
0x21: {  	s3 =	sadd.s32 s3, s9;
	s6 =	sadd.s32 @!p0 $0x88, s6;
	s7 =	simm.s32 @p2 $0x1082  }
0x22: {  	[simem:s7], [sflag:s8] =	dma.local @!p0 [hbm:s6], $0xF7A  }
0x23: {  	s9 =	sor.u32 $0xD0000000, s2;
	s6 =	simm.s32 $0x108;
	_ =	swait.ge @!p0 [sflag:s8], $0x0  }
0x24: {  	s3 =	sadd.s32 $0x88, s3;
	s6 =	simm.s32 @!p1 $0x1082;
	[sflag:s4] =	ssyncset.s32 $0xFFFFF086  }
0x25: {  	[simem:s6], [sflag:s4] =	dma.local [hbm:s3], $0xF7A  }
0x26: {  	[smem:$0x3F97] =	sst s1;
	(tag) =	ssettag s2;
	_ =	strace s9  }
0x27: {  	s1 =	sld [smem:$0x3FA7]  }
0x28: {  	s2 =	sld [smem:$0x3FA8]  }
0x29: {  	s4 =	sld [smem:$0x3FAA]  }
0x2a: {  	p0 =	seq.s32 s5, $0x0;
	s5 =	sld [smem:$0x3FAB]  }
0x2b: {  	s6 =	sld [smem:$0x3FAC]  }
0x2c: {  	s7 =	sld [smem:$0x3FAD]  }
0x2d: {  	s3 =	simm.s32 $0x108;
	s8 =	sld [smem:$0x3FAE]  }
0x2e: {  	s3 =	simm.s32 @!p0 $0x1082;
	s9 =	sld [smem:$0x3FAF]  }
0x2f: {  	lr =	sadd.s32 s0, s3;
	s0 =	sld [smem:$0x3FA6]  }
0x30: {  	s3 =	sld [smem:$0x3FA9]  }
0x31: {  	[smem:$0x3FB2] =	sst s10  }
0x32: {  	s10 =	sld [smem:$0x3FB0];
	_ =	sdelay $0x3  }
0x33: {  	p0 =	seq.s32 s10, $0x1;
	s10 =	sld [smem:$0x3FB2];
	_ =	sdelay $0x3  }
0x34: {  	[smem:$0x3FB2] =	sst s10  }
0x35: {  	s10 =	sld [smem:$0x3FB1];
	_ =	sdelay $0x3  }
0x36: {  	p1 =	seq.s32 s10, $0x1;
	s10 =	sld [smem:$0x3FB2];
	_ =	sdelay $0x3  }
0x37: {  	[smem:$0x3FB2] =	sst s10  }
0x38: {  	s10 =	sld [smem:$0x3FB3]  }
0x39: {  	_ = 	snop;
	(pc) =	sbr.ind lr, $3  }
0x3a: {  	_ = 	snop  }
0x3b: {  	_ = 	snop  }
0x3c: {  	p2 =	seq.s32 s10, $0x1;
	s10 =	sld [smem:$0x3FB2]  }
0x3d: {  	_ =	shalt  }
0x3e: {  	_ =	shalt  }
0x3f: {  	_ =	shalt  }
0x40: {  	_ =	shalt  }
0x41: {  	_ =	shalt  }
0x42: {  	_ =	shalt  }
0x43: {  	_ =	shalt  }
0x44: {  	_ =	shalt  }
0x45: {  	_ =	shalt  }
0x46: {  	_ =	shalt  }
0x47: {  	_ =	shalt  }
0x48: {  	_ =	shalt  }
0x49: {  	_ =	shalt  }
0x4a: {  	_ =	shalt  }
0x4b: {  	_ =	shalt  }
0x4c: {  	_ =	shalt  }
0x4d: {  	_ =	shalt  }
0x4e: {  	_ =	shalt  }
0x4f: {  	_ =	shalt  }
0x50: {  	_ =	shalt  }
0x51: {  	_ =	shalt  }
0x52: {  	_ =	shalt  }
0x53: {  	_ =	shalt  }
0x54: {  	_ =	shalt  }
0x55: {  	_ =	shalt  }
0x56: {  	_ =	shalt  }
0x57: {  	_ =	shalt  }
0x58: {  	_ =	shalt  }
0x59: {  	_ =	shalt  }
0x5a: {  	_ =	shalt  }
0x5b: {  	_ =	shalt  }
0x5c: {  	_ =	shalt  }
0x5d: {  	_ =	shalt  }
0x5e: {  	_ =	shalt  }
0x5f: {  	_ =	shalt  }
0x60: {  	_ =	shalt  }
0x61: {  	_ =	shalt  }
0x62: {  	_ =	shalt  }
0x63: {  	_ =	shalt  }
0x64: {  	_ =	shalt  }
0x65: {  	_ =	shalt  }
0x66: {  	_ =	shalt  }
0x67: {  	_ =	shalt  }
0x68: {  	_ =	shalt  }
0x69: {  	_ =	shalt  }
0x6a: {  	_ =	shalt  }
0x6b: {  	_ =	shalt  }
0x6c: {  	_ =	shalt  }
0x6d: {  	_ =	shalt  }
0x6e: {  	_ =	shalt  }
0x6f: {  	_ =	shalt  }
0x70: {  	_ =	shalt  }
0x71: {  	_ =	shalt  }
0x72: {  	_ =	shalt  }
0x73: {  	_ =	shalt  }
0x74: {  	_ =	shalt  }
0x75: {  	_ =	shalt  }
0x76: {  	_ =	shalt  }
0x77: {  	_ =	shalt  }
0x78: {  	_ =	shalt  }
0x79: {  	_ =	shalt  }
0x7a: {  	_ =	shalt  }
0x7b: {  	_ =	shalt  }
0x7c: {  	_ =	shalt  }
0x7d: {  	_ =	shalt  }
0x7e: {  	_ =	shalt  }
0x7f: {  	_ =	shalt  }
0x80: {  	_ =	shalt  }
0x81: {  	_ =	shalt  }
0x82: {  	_ =	shalt  }
0x83: {  	_ =	shalt  }
0x84: {  	_ =	shalt  }
0x85: {  	_ =	shalt  }
0x86: {  	_ =	shalt  }
0x87: {  	_ =	shalt  }
.Lfunc_end0:
.L_simem_size_0:
called_computation.3_lowered:
.L_overlay_start_0:
0x88: {  	s2 =	sld [smem:$0x3FD9]  }
0x89: {  	s3 =	sld [smem:$0x3FFE];
	_ =	sdelay $0x1  }
0x8a: {  	s1 =	srdreg.scid  }
0x8b: {  	s0 =	sand.u32 $0x1, s1  }
0x8c: {  	s16 =	sshll.u32 s0, $0xA;
	s2 =	sadd.s32 s3, s2  }
0x8d: {  	s2 =	sadd.s32 s2, s16  }
0x8e: {  	[smem:$0x3FBE] =	sst s2  }
0x8f: {  	_ = 	snop  }
0x90: {  	(tm) =	ssettm $0x1  }
0x91: {  	s17 =	sld [smem:$0x3FFB];
	_ =	sdelay $0x3  }
0x92: {  	_ =	strace s17  }
0x93: {  	s2 =	sld [smem:$0x3FFC];
	_ =	sdelay $0x3  }
0x94: {  	_ =	strace s2  }
0x95: {  	s2 =	sld [smem:$0x3FFD];
	_ =	sdelay $0x3  }
0x96: {  	_ =	strace s2  }
0x97: {  	_ =	strace $0x8FFFFFFF  }
0x98: {  	s18 =	sld [smem:$0x3FDB];
	_ =	sdelay $0x1  }
0x99: {  	s19 =	simm.s32 $_scs_section_size  }
0x9a: {  	s4 =	simm.s32 $_size__tile_overlayer_lowered;
	s5 =	simm.s32 $_tile_overlayer_lowered  }
0x9b: {  	s22 =	simm.s32 $0x1BFF;
	s21 =	sshll.u32 s5, $0x1;
	s2 =	sadd.s32 s19, s18  }
0x9c: {  	s6 =	simm.s32 $0x0;
	s20 =	sshll.u32 s4, $0x1;
	s4 =	sadd.s32 s21, s2  }
0x9d: {  	[timem:s6], [sflag:s22] =	dma.local [hbm:s4], s20  }
0x9e: {  	_ =	swait.ge [sflag:s22], s20  }
0x9f: {  	s3 =	ssub.s32 $0x0, s20;
	[sflag:s22] =	ssyncset.done $0x0  }
0xa0: {  	[sflag:s22] =	ssyncadd.s32 s3;
	_ =	sdelay $0x1  }
0xa1: {  	s23 =	simm.s32 $0x1B8B  }
0xa2: {  	_ =	swait.ge [sflag:s23], $0x1  }
0xa3: {  	[sflag:s23] =	ssyncset.done $0x0  }
0xa4: {  	s25 =	simm.s32 $0x1B8E;
	s24 =	sld [smem:$0x3FFE];
	[sflag:s23] =	ssyncadd.s32 $0xFFFFFFFF  }
0xa5: {  	s26 =	simm.s32 $execute0_lowered;
	[smem:$0x3FD2] =	sst s25  }
0xa6: {  	s4 =	sshll.u32 s26, $0x1;
	_ =	strace $0x8000004F;
	[dreg:$0x1] =	wrdreg $0xFFFFFFFF  }
0xa7: {  	s28 =	simm.s32 $_size_execute0_lowered;
	s2 =	sadd.s32 s2, s4;
	[dreg:$0x0] =	wrdreg $0x0  }
0xa8: {  	s4 =	sshll.u32 s28, $0x1;
	[dreg:$0x2] =	wrdreg s2  }
0xa9: {  	[dreg:$0x3] =	wrdreg s4  }
0xaa: {  	[dreg:$0x4] =	wrdreg $0xC0  }
0xab: {  	_ =	task [dreg:s6], $0x5FFFF  }
0xac: {  	[dreg:$0x1] =	wrdreg $0xFFFFFFFF  }
0xad: {  	[dreg:$0x0] =	wrdreg $0x60  }
0xae: {  	[dreg:$0x2] =	wrdreg s24  }
0xaf: {  	[dreg:$0x3] =	wrdreg $0x2B000  }
0xb0: {  	[dreg:$0x4] =	wrdreg $0x2D800  }
0xb1: {  	[dreg:$0x5] =	wrdreg $0x9  }
0xb2: {  	_ =	task.clear_ibuf [dreg:s6], $0x6FFFF;
	_ =	strace $0x9000004F  }
0xb3: {  	s29 =	simm.s32 $0x9;
	_ =	strace $0x80000051  }
0xb4: {  	_ =	swait.ge [sflag:s29], $0x1  }
0xb5: {  	[sflag:s29] =	ssyncadd.s32 $0xFFFFFFFF  }
0xb6: {  	_ =	strace $0x90000051  }
0xb7: {  	_ =	sfence  }
0xb8: {  	s30 =	sld [smem:$0x0];
	_ =	sdelay $0x2  }
0xb9: {  	s31 =	sshll.u32 s1, $0xD;
	s1 =	sshrl.u32 s1, $0x2  }
0xba: {  	s3 =	sand.u32 $0x4000, s31;
	s1 =	sadd.s32 s1, s30  }
0xbb: {  	s0 =	sor.u32 s3, s0;
	s1 =	sshll.u32 s1, $0x11  }
0xbc: {  	s0 =	sor.u32 s1, s0  }
0xbd: {  	s0 =	sadd.s32 $0x8F2B, s0  }
0xbe: {  	[sflag:s0] =	ssyncadd.remote.s32 $0x1  }
0xbf: {  	_ =	sfence.sel $0xFFFF  }
0xc0: {  	[dreg:$0x0] =	wrdreg $0xFFFFFFFF;
	(pc) =	sbr.abs _section_cstart, $3  }
0xc1: {  	[dreg:$0x1] =	wrdreg $0xFFFFFFFF  }
0xc2: {  	_ =	task.clear_ibuf [dreg:s6], $0x2FFFF;
	_ =	strace $0x9FFFFFFF  }
0xc3: {  	(tm) =	ssettm $0x7FFFFFFF  }
tec
execute0_lowered:
.L_overlay_start_1:
0x0: {  	(tag) =	ssettag $0x1  }
0x1: {  	s5 =	rddreg [dreg:$0x0]  }
0x2: {  	s0 =	stileid.u32;
	s2 =	rddreg [dreg:$0x1]  }
0x3: {  	s1 =	srdreg.scid;
	s3 =	rddreg [dreg:$0x2];
	s4 =	simm.s32 $0x0  }
0x4: {  	s13 =	simm.s32 $0x1400;
	s14 =	simm.s32 $0x2880;
	s15 =	simm.s32 $0x80  }
0x5: {  	s16 =	simm.s32 $0x2800;
	s17 =	simm.s32 $0x1;
	s9 =	smul.u32 $0x280, s0  }
0x6: {  	s6 =	sand.u32 $0x1, s1;
	s1 =	rddreg [dreg:$0x3];
	s8 =	smul.u32 $0x1400, s0  }
0x7: {  	s18 =	simm.s32 $0x0;
	[smem:$0x7FF] =	sst s4;
	s7 =	smul.u32 $0x14000, s6  }
0x8: {  	s10 =	smul.u32 $0x2800, s6;
	_ =	strace $0x80000050;
	s6 =	ssub.s32 $0x2, s6  }
0x9: {  	s11 =	sshrl.u32 s9, $0x3;
	s31 =	sshrl.u32 s6, $0x1;
	s7 =	sadd.s32 s8, s7  }
0xa: {  	s11 =	sadd.s32 s11, s5;
	s29 =	sadd.s32 s9, s10;
	s7 =	sshrl.u32 s7, $0x3  }
0xb: {  	s12 =	ssub.s32 s6, s31;
	s8 =	sshrl.u32 s29, $0x3;
	s7 =	sadd.s32 s7, s5  }
0xc: {  	s30 =	sadd.s32 s8, s5;
	s8 =	sadd.s32 s9, s2;
	s9 =	sadd.s32 s9, s3  }
0xd: {  	s5 =	sadd.s32 $0x6C00, s7;
	s6 =	sadd.s32 $0x1C00, s7;
	s7 =	sadd.s32 $0xBC00, s11  }
0xe: {  	v0 =	vimm.f32 $0.0e+00;
	s10 =	sadd.s32 $0xC200, s30;
	s11 =	smax.u32 s12, $0x1;
	s12 =	simm.s32 $0x2  }
.LBB2_1:
0xf: {  	[tilespmem:s4], [sflag:$0x2] =	stream.linear.gather [hbm4b:s5+s4], $0x1400, $0x38;
	[tilespmem:$0x3000] =	vst v63  }
0x10: {  	_ =	swait.ge [sflag:s12], $0x1400  }
0x11: {  	[sflag:s12] =	ssyncset.done $0x0  }
0x12: {  	[sflag:s12] =	ssyncadd.s32 $0xFFFFEC00  }
0x13: {  	[tilespmem:s13], [sflag:$0x2] =	stream.linear.gather [hbm4b:s6+s4], $0x1400, $0x38;
	[tilespmem:$0x3000] =	vst v63  }
0x14: {  	_ =	swait.ge [sflag:s12], $0x1400  }
0x15: {  	[sflag:s12] =	ssyncset.done $0x0  }
0x16: {  	[sflag:s12] =	ssyncadd.s32 $0xFFFFEC00  }
0x17: {  	[tilespmem:s14], [sflag:$0x2] =	stream.linear.gather [hbm4b:s7+s4], $0x280, $0x38;
	[tilespmem:$0x3000] =	vst v63  }
0x18: {  	_ =	swait.ge [sflag:s12], $0x280  }
0x19: {  	[sflag:s12] =	ssyncset.done $0x0  }
0x1a: {  	[sflag:s12] =	ssyncadd.s32 $0xFFFFFD80  }
0x1b: {  	[spmem:s8] =	stream.linear.scatter [tilespmem:s14], [sflag:$0x2], $0x280, $0x38;
	[tilespmem:$0x3000] =	vst v63  }
0x1c: {  	_ =	swait.ge [sflag:s12], $0x280  }
0x1d: {  	[sflag:s12] =	ssyncset.done $0x0  }
0x1e: {  	[sflag:s12] =	ssyncadd.s32 $0xFFFFFD80  }
0x1f: {  	[tilespmem:$0x2880] =	vst v0  }
0x20: {  	[tilespmem:$0x2890] =	vst v0  }
0x21: {  	[tilespmem:$0x28A0] =	vst v0  }
0x22: {  	[tilespmem:$0x28B0] =	vst v0  }
0x23: {  	[tilespmem:$0x28C0] =	vst v0  }
0x24: {  	[tilespmem:$0x28D0] =	vst v0  }
0x25: {  	[tilespmem:$0x28E0] =	vst v0  }
0x26: {  	[tilespmem:$0x28F0] =	vst v0  }
0x27: {  	[tilespmem:$0x2900] =	vst v0  }
0x28: {  	[tilespmem:$0x2910] =	vst v0  }
0x29: {  	[tilespmem:$0x2920] =	vst v0  }
0x2a: {  	[tilespmem:$0x2930] =	vst v0  }
0x2b: {  	[tilespmem:$0x2940] =	vst v0  }
0x2c: {  	[tilespmem:$0x2950] =	vst v0  }
0x2d: {  	[tilespmem:$0x2960] =	vst v0  }
0x2e: {  	[tilespmem:$0x2970] =	vst v0  }
0x2f: {  	[tilespmem:$0x2980] =	vst v0  }
0x30: {  	[tilespmem:$0x2990] =	vst v0  }
0x31: {  	[tilespmem:$0x29A0] =	vst v0  }
0x32: {  	[tilespmem:$0x29B0] =	vst v0  }
0x33: {  	[tilespmem:$0x29C0] =	vst v0  }
0x34: {  	[tilespmem:$0x29D0] =	vst v0  }
0x35: {  	[tilespmem:$0x29E0] =	vst v0  }
0x36: {  	[tilespmem:$0x29F0] =	vst v0  }
0x37: {  	[tilespmem:$0x2A00] =	vst v0  }
0x38: {  	[tilespmem:$0x2A10] =	vst v0  }
0x39: {  	[tilespmem:$0x2A20] =	vst v0  }
0x3a: {  	[tilespmem:$0x2A30] =	vst v0  }
0x3b: {  	[tilespmem:$0x2A40] =	vst v0  }
0x3c: {  	[tilespmem:$0x2A50] =	vst v0  }
0x3d: {  	[tilespmem:$0x2A60] =	vst v0  }
0x3e: {  	[tilespmem:$0x2A70] =	vst v0  }
0x3f: {  	[tilespmem:$0x2A80] =	vst v0  }
0x40: {  	[tilespmem:$0x2A90] =	vst v0  }
0x41: {  	[tilespmem:$0x2AA0] =	vst v0  }
0x42: {  	[tilespmem:$0x2AB0] =	vst v0  }
0x43: {  	[tilespmem:$0x2AC0] =	vst v0  }
0x44: {  	[tilespmem:$0x2AD0] =	vst v0  }
0x45: {  	[tilespmem:$0x2AE0] =	vst v0  }
0x46: {  	[tilespmem:$0x2AF0] =	vst v0  }
0x47: {  	[spmem:s9] =	stream.linear.scatter [tilespmem:s14], [sflag:$0x2], $0x280, $0x38;
	[tilespmem:$0x3000] =	vst v63  }
0x48: {  	_ =	swait.ge [sflag:s12], $0x280  }
0x49: {  	[sflag:s12] =	ssyncset.done $0x0  }
0x4a: {  	[sflag:s12] =	ssyncadd.s32 $0xFFFFFD80  }
0x4b: {  	s19 =	simm.s32 $0x0;
	[bflag:$0x0] =	sbarrier.arrive $0xFFFF  }
0x4c: {  	[tilespmem:s16], [sflag:$0x1] =	stream.indirect.gather [spmem:s2], $0x1, s19, s15, $0xb8;
	[tilespmem:$0x3000] =	vst v63  }
0x4d: {  	_ =	swait.ge [sflag:s17], $0x80  }
0x4e: {  	[sflag:s17] =	ssyncset.done $0x0  }
0x4f: {  	s31 =	simm.s32 $0x1400;
	[sflag:s17] =	ssyncadd.s32 $0xFFFFFF80  }
0x50: {  	[spmem:s3] =	stream.indirect.scatter.add.f32 [tilespmem:s16], [sflag:$0x2], $0x1, s31, s15, $0xb8;
	[tilespmem:$0x3000] =	vst v63  }
0x51: {  	_ =	swait.ge [sflag:s12], $0x80  }
0x52: {  	s20 =	simm.s32 $0x400;
	s19 =	simm.s32 $0x200;
	[sflag:s12] =	ssyncset.done $0x0  }
.LBB2_2:
0x53: {  	s21 =	sshra.s32 s19, $0x2  }
0x54: {  	[sflag:s12] =	ssyncadd.s32 $0xFFFFFF80;
	s19 =	smov.u32 s20;
	s22 =	sadd.s32 $0x200, s20  }
0x55: {  	[tilespmem:s16], [sflag:$0x1] =	stream.indirect.gather [spmem:s2], $0x1, s21, s15, $0xb8;
	[tilespmem:$0x3000] =	vst v63  }
0x56: {  	p0 =	sne.s32 s20, $0x4E00;
	_ =	swait.ge [sflag:s17], $0x80  }
.Ltmp0:
0x57: {  	[sflag:s17] =	ssyncset.done $0x0;
	(pc) =	sbr.rel @p0 .LBB2_2-.Ltmp0, $4  }
0x58: {  	s20 =	sadd.s32 $0x1400, s21;
	[sflag:s17] =	ssyncadd.s32 $0xFFFFFF80  }
0x59: {  	[spmem:s3] =	stream.indirect.scatter.add.f32 [tilespmem:s16], [sflag:$0x2], $0x1, s20, s15, $0xb8;
	[tilespmem:$0x3000] =	vst v63  }
0x5a: {  	_ =	swait.ge [sflag:s12], $0x80  }
0x5b: {  	s20 =	smov.u32 s22;
	[sflag:s12] =	ssyncset.done $0x0  }
0x5c: {  	s19 =	sshra.s32 s19, $0x2;
	[sflag:s12] =	ssyncadd.s32 $0xFFFFFF80  }
0x5d: {  	[tilespmem:s16], [sflag:$0x1] =	stream.indirect.gather [spmem:s2], $0x1, s19, s15, $0xb8;
	[tilespmem:$0x3000] =	vst v63  }
0x5e: {  	_ =	swait.ge [sflag:s17], $0x80  }
0x5f: {  	[sflag:s17] =	ssyncset.done $0x0  }
0x60: {  	s19 =	sadd.s32 $0x1400, s19;
	[sflag:s17] =	ssyncadd.s32 $0xFFFFFF80  }
0x61: {  	[spmem:s3] =	stream.indirect.scatter.add.f32 [tilespmem:s16], [sflag:$0x2], $0x1, s19, s15, $0xb8;
	[tilespmem:$0x3000] =	vst v63  }
0x62: {  	_ =	swait.ge [sflag:s12], $0x80  }
0x63: {  	[sflag:s12] =	ssyncset.done $0x0  }
0x64: {  	[sflag:s12] =	ssyncadd.s32 $0xFFFFFF80  }
0x65: {  	[bflag:$0x0] =	sbarrier.arrive $0xFFFF  }
0x66: {  	[tilespmem:s14], [sflag:$0x2] =	stream.linear.gather [spmem:s9], $0x280, $0x38;
	[tilespmem:$0x3000] =	vst v63  }
0x67: {  	s18 =	sadd.s32 $0x1, s18;
	_ =	swait.ge [sflag:s12], $0x280  }
0x68: {  	p0 =	sne.s32 s18, s11;
	[sflag:s12] =	ssyncset.done $0x0  }
.Ltmp1:
0x69: {  	[sflag:s12] =	ssyncadd.s32 $0xFFFFFD80;
	(pc) =	sbr.rel @p0 .LBB2_1-.Ltmp1, $4  }
0x6a: {  	[hbm4b:s10+s4] =	stream.linear.scatter [tilespmem:s14], [sflag:$0x2], $0x280, $0x38;
	[tilespmem:$0x3000] =	vst v63  }
0x6b: {  	_ =	swait.ge [sflag:s12], $0x280  }
0x6c: {  	[sflag:s12] =	ssyncset.done $0x0  }
0x6d: {  	[sflag:s12] =	ssyncadd.s32 $0xFFFFFD80  }
0x6e: {  	_ =	sfence.sel $0x180000  }
0x6f: {  	[bflag:$0x0] =	sbarrier.arrive $0xFFFF  }
0x70: {  	p0 =	sne.s32 s0, $0x0;
	_ =	strace $0x90000050  }
0x71: {  	s0 =	sadd.s32 @!p0 $0x100000, s1;
	[bflag:$0x2] =	sbarrier.arrive $0xFFFF  }
0x72: {  	[sflag:s0] =	ssyncadd.tile.s32 @!p0 $0x1;
	_ =	shalt  }
.Lfunc_end2:
_tile_overlayer_lowered:
.L_overlay_start_2:
0x73: {  	(tag) =	ssettag $0x2  }
0x74: {  	s0 =	rddreg [dreg:$0x0];
	s2 =	stileid.u32  }
0x75: {  	s1 =	rddreg [dreg:$0x1];
	p0 =	sne.s32 s2, $0x0  }
0x76: {  	s3 =	rddreg [dreg:$0x2];
	[bflag:$0x3] =	sbarrier.arrive $0xFFFF;
	s2 =	simm.s32 @!p0 $0x1C02  }
0x77: {  	[timem:s3], [sflag:s2] =	dma.local @!p0 [hbm:s0], s1  }
0x78: {  	s0 =	simm.s32 @!p0 $0x2  }
0x79: {  	_ =	swait.ge @!p0 [sflag:s0], s1  }
0x7a: {  	s1 =	ssub.s32 @!p0 $0x0, s1;
	[sflag:s0] =	ssyncset.done @!p0 $0x0  }
0x7b: {  	[sflag:s0] =	ssyncadd.s32 @!p0 s1  }
0x7c: {  	[bflag:$0x3] =	sbarrier.arrive $0xFFFF  }
0x7d: {  	_ =	shalt  }

// kernel: kernel.9.cloned.1.call-start
scs
__scs_entry_jumppad:
0x0: {  	(pc) =	sbr.rel $0x88, $3  }
0x1: {  	(tag) =	ssettag $0x0;
	lr =	simm.s32 $0x1  }
0x2: {  	[smem:$0x3F97] =	sst lr;
	_ =	strace $0xD0000000  }
0x3: {  	_ = 	snop  }
0x4: {  	_ = 	snop  }
0x5: {  	_ = 	snop  }
0x6: {  	_ = 	snop  }
0x7: {  	_ = 	snop  }
__scs_overlays_trampoline_lowered:
0x8: {  	[smem:$0x3FA6] =	sst s0  }
0x9: {  	[smem:$0x3FA7] =	sst s1  }
0xa: {  	[smem:$0x3FA8] =	sst s2  }
0xb: {  	[smem:$0x3FA9] =	sst s3  }
0xc: {  	[smem:$0x3FAA] =	sst s4  }
0xd: {  	[smem:$0x3FAB] =	sst s5  }
0xe: {  	[smem:$0x3FAC] =	sst s6  }
0xf: {  	[smem:$0x3FAD] =	sst s7  }
0x10: {  	[smem:$0x3FAE] =	sst s8  }
0x11: {  	[smem:$0x3FAF] =	sst s9;
	s0 =	simm.s32 @!p0 $0x0  }
0x12: {  	s1 =	sld [smem:$0x3F95];
	s0 =	simm.s32 @p0 $0x1  }
0x13: {  	[smem:$0x3FB0] =	sst s0;
	s0 =	simm.s32 @!p1 $0x0  }
0x14: {  	s2 =	sld [smem:$0x3F94];
	s0 =	simm.s32 @p1 $0x1  }
0x15: {  	[smem:$0x3FB1] =	sst s0;
	s0 =	simm.s32 @!p2 $0x0  }
0x16: {  	s3 =	sld [smem:$0x3FDB];
	s0 =	simm.s32 @p2 $0x1  }
0x17: {  	s4 =	simm.s32 $0x1BF5;
	[smem:$0x3FB3] =	sst s0  }
0x18: {  	s0 =	sld [smem:$0x3F96];
	_ =	swait.ge [sflag:s4], $0x0  }
0x19: {  	s7 =	sld [smem:$0x3F97]  }
0x1a: {  	s8 =	sadd.s32 $0xFFFFE003, lr  }
0x1b: {  	s9 =	sadd.s32 $0xFFFFFEF7, lr;
	s5 =	simm.s32 $0xFFFFFFFF;
	p2 =	slt.u32 s8, $0xFFFFF086  }
0x1c: {  	p1 =	slt.u32 s9, $0xF7A;
	s5 =	simm.s32 @!p2 $0x0  }
0x1d: {  	s5 =	simm.s32 @p1 $0x1;
	p0 =	seq.s32 s7, s2  }
0x1e: {  	s7 =	smul.u32 @!p0 $0xF7A, s2;
	p2 =	seq.s32 @!p0 s5, $0x0  }
0x1f: {  	s9 =	smul.u32 $0xF7A, s1;
	s8 =	simm.s32 @!p0 $0x1BF5;
	p2 =	por !p2, p0  }
0x20: {  	[sflag:s8] =	ssyncset.s32 @!p0 $0xFFFFF086;
	s6 =	sadd.s32 @!p0 s3, s7;
	s7 =	simm.s32 @!p0 $0x108  }
0x21: {  	s3 =	sadd.s32 s3, s9;
	s6 =	sadd.s32 @!p0 $0x88, s6;
	s7 =	simm.s32 @p2 $0x1082  }
0x22: {  	[simem:s7], [sflag:s8] =	dma.local @!p0 [hbm:s6], $0xF7A  }
0x23: {  	s9 =	sor.u32 $0xD0000000, s2;
	s6 =	simm.s32 $0x108;
	_ =	swait.ge @!p0 [sflag:s8], $0x0  }
0x24: {  	s3 =	sadd.s32 $0x88, s3;
	s6 =	simm.s32 @!p1 $0x1082;
	[sflag:s4] =	ssyncset.s32 $0xFFFFF086  }
0x25: {  	[simem:s6], [sflag:s4] =	dma.local [hbm:s3], $0xF7A  }
0x26: {  	[smem:$0x3F97] =	sst s1;
	(tag) =	ssettag s2;
	_ =	strace s9  }
0x27: {  	s1 =	sld [smem:$0x3FA7]  }
0x28: {  	s2 =	sld [smem:$0x3FA8]  }
0x29: {  	s4 =	sld [smem:$0x3FAA]  }
0x2a: {  	p0 =	seq.s32 s5, $0x0;
	s5 =	sld [smem:$0x3FAB]  }
0x2b: {  	s6 =	sld [smem:$0x3FAC]  }
0x2c: {  	s7 =	sld [smem:$0x3FAD]  }
0x2d: {  	s3 =	simm.s32 $0x108;
	s8 =	sld [smem:$0x3FAE]  }
0x2e: {  	s3 =	simm.s32 @!p0 $0x1082;
	s9 =	sld [smem:$0x3FAF]  }
0x2f: {  	lr =	sadd.s32 s0, s3;
	s0 =	sld [smem:$0x3FA6]  }
0x30: {  	s3 =	sld [smem:$0x3FA9]  }
0x31: {  	[smem:$0x3FB2] =	sst s10  }
0x32: {  	s10 =	sld [smem:$0x3FB0];
	_ =	sdelay $0x3  }
0x33: {  	p0 =	seq.s32 s10, $0x1;
	s10 =	sld [smem:$0x3FB2];
	_ =	sdelay $0x3  }
0x34: {  	[smem:$0x3FB2] =	sst s10  }
0x35: {  	s10 =	sld [smem:$0x3FB1];
	_ =	sdelay $0x3  }
0x36: {  	p1 =	seq.s32 s10, $0x1;
	s10 =	sld [smem:$0x3FB2];
	_ =	sdelay $0x3  }
0x37: {  	[smem:$0x3FB2] =	sst s10  }
0x38: {  	s10 =	sld [smem:$0x3FB3]  }
0x39: {  	_ = 	snop;
	(pc) =	sbr.ind lr, $3  }
0x3a: {  	_ = 	snop  }
0x3b: {  	_ = 	snop  }
0x3c: {  	p2 =	seq.s32 s10, $0x1;
	s10 =	sld [smem:$0x3FB2]  }
0x3d: {  	_ =	shalt  }
0x3e: {  	_ =	shalt  }
0x3f: {  	_ =	shalt  }
0x40: {  	_ =	shalt  }
0x41: {  	_ =	shalt  }
0x42: {  	_ =	shalt  }
0x43: {  	_ =	shalt  }
0x44: {  	_ =	shalt  }
0x45: {  	_ =	shalt  }
0x46: {  	_ =	shalt  }
0x47: {  	_ =	shalt  }
0x48: {  	_ =	shalt  }
0x49: {  	_ =	shalt  }
0x4a: {  	_ =	shalt  }
0x4b: {  	_ =	shalt  }
0x4c: {  	_ =	shalt  }
0x4d: {  	_ =	shalt  }
0x4e: {  	_ =	shalt  }
0x4f: {  	_ =	shalt  }
0x50: {  	_ =	shalt  }
0x51: {  	_ =	shalt  }
0x52: {  	_ =	shalt  }
0x53: {  	_ =	shalt  }
0x54: {  	_ =	shalt  }
0x55: {  	_ =	shalt  }
0x56: {  	_ =	shalt  }
0x57: {  	_ =	shalt  }
0x58: {  	_ =	shalt  }
0x59: {  	_ =	shalt  }
0x5a: {  	_ =	shalt  }
0x5b: {  	_ =	shalt  }
0x5c: {  	_ =	shalt  }
0x5d: {  	_ =	shalt  }
0x5e: {  	_ =	shalt  }
0x5f: {  	_ =	shalt  }
0x60: {  	_ =	shalt  }
0x61: {  	_ =	shalt  }
0x62: {  	_ =	shalt  }
0x63: {  	_ =	shalt  }
0x64: {  	_ =	shalt  }
0x65: {  	_ =	shalt  }
0x66: {  	_ =	shalt  }
0x67: {  	_ =	shalt  }
0x68: {  	_ =	shalt  }
0x69: {  	_ =	shalt  }
0x6a: {  	_ =	shalt  }
0x6b: {  	_ =	shalt  }
0x6c: {  	_ =	shalt  }
0x6d: {  	_ =	shalt  }
0x6e: {  	_ =	shalt  }
0x6f: {  	_ =	shalt  }
0x70: {  	_ =	shalt  }
0x71: {  	_ =	shalt  }
0x72: {  	_ =	shalt  }
0x73: {  	_ =	shalt  }
0x74: {  	_ =	shalt  }
0x75: {  	_ =	shalt  }
0x76: {  	_ =	shalt  }
0x77: {  	_ =	shalt  }
0x78: {  	_ =	shalt  }
0x79: {  	_ =	shalt  }
0x7a: {  	_ =	shalt  }
0x7b: {  	_ =	shalt  }
0x7c: {  	_ =	shalt  }
0x7d: {  	_ =	shalt  }
0x7e: {  	_ =	shalt  }
0x7f: {  	_ =	shalt  }
0x80: {  	_ =	shalt  }
0x81: {  	_ =	shalt  }
0x82: {  	_ =	shalt  }
0x83: {  	_ =	shalt  }
0x84: {  	_ =	shalt  }
0x85: {  	_ =	shalt  }
0x86: {  	_ =	shalt  }
0x87: {  	_ =	shalt  }
.Lfunc_end0:
.L_simem_size_0:
called_computation_lowered:
.L_overlay_start_0:
0x88: {  	s2 =	sld [smem:$0x3FD9]  }
0x89: {  	s3 =	sld [smem:$0x3FFE];
	_ =	sdelay $0x1  }
0x8a: {  	s1 =	srdreg.scid  }
0x8b: {  	s0 =	sand.u32 $0x1, s1  }
0x8c: {  	s16 =	sshll.u32 s0, $0xA;
	s2 =	sadd.s32 s3, s2  }
0x8d: {  	s2 =	sadd.s32 s2, s16  }
0x8e: {  	[smem:$0x3FBE] =	sst s2  }
0x8f: {  	_ = 	snop  }
0x90: {  	(tm) =	ssettm $0x1  }
0x91: {  	s17 =	sld [smem:$0x3FFB];
	_ =	sdelay $0x3  }
0x92: {  	_ =	strace s17  }
0x93: {  	s2 =	sld [smem:$0x3FFC];
	_ =	sdelay $0x3  }
0x94: {  	_ =	strace s2  }
0x95: {  	s2 =	sld [smem:$0x3FFD];
	_ =	sdelay $0x3  }
0x96: {  	_ =	strace s2  }
0x97: {  	_ =	strace $0x8FFFFFFF  }
0x98: {  	s18 =	sld [smem:$0x3FDB];
	_ =	sdelay $0x1  }
0x99: {  	s19 =	simm.s32 $_scs_section_size  }
0x9a: {  	s4 =	simm.s32 $_size__tile_overlayer_lowered;
	s5 =	simm.s32 $_tile_overlayer_lowered  }
0x9b: {  	s22 =	simm.s32 $0x1BFF;
	s21 =	sshll.u32 s5, $0x1;
	s2 =	sadd.s32 s19, s18  }
0x9c: {  	s6 =	simm.s32 $0x0;
	s20 =	sshll.u32 s4, $0x1;
	s4 =	sadd.s32 s21, s2  }
0x9d: {  	[timem:s6], [sflag:s22] =	dma.local [hbm:s4], s20  }
0x9e: {  	_ =	swait.ge [sflag:s22], s20  }
0x9f: {  	s3 =	ssub.s32 $0x0, s20;
	[sflag:s22] =	ssyncset.done $0x0  }
0xa0: {  	[sflag:s22] =	ssyncadd.s32 s3;
	_ =	sdelay $0x1  }
0xa1: {  	s23 =	simm.s32 $0x1B8B  }
0xa2: {  	_ =	swait.ge [sflag:s23], $0x1  }
0xa3: {  	[sflag:s23] =	ssyncset.done $0x0  }
0xa4: {  	s25 =	simm.s32 $0x1B8E;
	s24 =	sld [smem:$0x3FFE];
	[sflag:s23] =	ssyncadd.s32 $0xFFFFFFFF  }
0xa5: {  	s26 =	simm.s32 $execute0_lowered;
	[smem:$0x3FD2] =	sst s25  }
0xa6: {  	s4 =	sshll.u32 s26, $0x1;
	_ =	strace $0x80000046;
	[dreg:$0x1] =	wrdreg $0xFFFFFFFF  }
0xa7: {  	s28 =	simm.s32 $_size_execute0_lowered;
	s2 =	sadd.s32 s2, s4;
	[dreg:$0x0] =	wrdreg $0x0  }
0xa8: {  	s4 =	sshll.u32 s28, $0x1;
	[dreg:$0x2] =	wrdreg s2  }
0xa9: {  	[dreg:$0x3] =	wrdreg s4  }
0xaa: {  	[dreg:$0x4] =	wrdreg $0xC0  }
0xab: {  	_ =	task [dreg:s6], $0x5FFFF  }
0xac: {  	[dreg:$0x1] =	wrdreg $0xFFFFFFFF  }
0xad: {  	[dreg:$0x0] =	wrdreg $0x60  }
0xae: {  	[dreg:$0x2] =	wrdreg s24  }
0xaf: {  	[dreg:$0x3] =	wrdreg $0x2B000  }
0xb0: {  	[dreg:$0x4] =	wrdreg $0x2D800  }
0xb1: {  	[dreg:$0x5] =	wrdreg $0x9  }
0xb2: {  	_ =	task.clear_ibuf [dreg:s6], $0x6FFFF;
	_ =	strace $0x90000046  }
0xb3: {  	s29 =	simm.s32 $0x9;
	_ =	strace $0x80000048  }
0xb4: {  	_ =	swait.ge [sflag:s29], $0x1  }
0xb5: {  	[sflag:s29] =	ssyncadd.s32 $0xFFFFFFFF  }
0xb6: {  	_ =	strace $0x90000048  }
0xb7: {  	_ =	sfence  }
0xb8: {  	s30 =	sld [smem:$0x0];
	_ =	sdelay $0x2  }
0xb9: {  	s31 =	sshll.u32 s1, $0xD;
	s1 =	sshrl.u32 s1, $0x2  }
0xba: {  	s3 =	sand.u32 $0x4000, s31;
	s1 =	sadd.s32 s1, s30  }
0xbb: {  	s0 =	sor.u32 s3, s0;
	s1 =	sshll.u32 s1, $0x11  }
0xbc: {  	s0 =	sor.u32 s1, s0  }
0xbd: {  	s0 =	sadd.s32 $0x8F2B, s0  }
0xbe: {  	[sflag:s0] =	ssyncadd.remote.s32 $0x1  }
0xbf: {  	_ =	sfence.sel $0xFFFF  }
0xc0: {  	[dreg:$0x0] =	wrdreg $0xFFFFFFFF;
	(pc) =	sbr.abs _section_cstart, $3  }
0xc1: {  	[dreg:$0x1] =	wrdreg $0xFFFFFFFF  }
0xc2: {  	_ =	task.clear_ibuf [dreg:s6], $0x2FFFF;
	_ =	strace $0x9FFFFFFF  }
0xc3: {  	(tm) =	ssettm $0x7FFFFFFF  }
tec
execute0_lowered:
.L_overlay_start_1:
0x0: {  	(tag) =	ssettag $0x1  }
0x1: {  	s5 =	rddreg [dreg:$0x0]  }
0x2: {  	s2 =	rddreg [dreg:$0x1]  }
0x3: {  	s0 =	srdreg.scid;
	s3 =	rddreg [dreg:$0x2]  }
0x4: {  	s1 =	rddreg [dreg:$0x3];
	s6 =	sand.u32 $0x1, s0  }
0x5: {  	s4 =	simm.s32 $0x0;
	s0 =	stileid.u32;
	s7 =	smul.u32 $0x14000, s6  }
0x6: {  	s13 =	simm.s32 $0x1400;
	s14 =	simm.s32 $0x2880;
	s8 =	smul.u32 $0x1400, s0  }
0x7: {  	s15 =	simm.s32 $0x80;
	s16 =	simm.s32 $0x2800;
	s9 =	smul.u32 $0x280, s0  }
0x8: {  	s17 =	simm.s32 $0x0;
	[smem:$0x7FF] =	sst s4;
	s10 =	smul.u32 $0x2800, s6  }
0x9: {  	_ =	strace $0x80000047;
	s6 =	ssub.s32 $0x2, s6;
	s7 =	sadd.s32 s8, s7  }
0xa: {  	s31 =	sshrl.u32 s6, $0x1;
	s30 =	sadd.s32 s9, s10;
	s7 =	sshrl.u32 s7, $0x3  }
0xb: {  	s12 =	ssub.s32 s6, s31;
	s8 =	sshrl.u32 s30, $0x3;
	s7 =	sadd.s32 s7, s5  }
0xc: {  	s11 =	sadd.s32 s8, s5;
	s8 =	sadd.s32 s9, s3;
	s5 =	sadd.s32 $0x6C00, s7  }
0xd: {  	s6 =	sadd.s32 $0x1C00, s7;
	s7 =	sadd.s32 s9, s2;
	s9 =	sadd.s32 $0xC600, s11  }
0xe: {  	v0 =	vimm.f32 $1.000000000e+00;
	v1 =	vimm.f32 $0.0e+00;
	s10 =	sadd.s32 $0xBC00, s11;
	s11 =	smax.u32 s12, $0x1;
	s12 =	simm.s32 $0x1  }
.LBB2_1:
0xf: {  	[tilespmem:s4], [sflag:$0x1] =	stream.linear.gather [hbm4b:s5+s4], $0x1400, $0x38;
	[tilespmem:$0x3000] =	vst v63  }
0x10: {  	_ =	swait.ge [sflag:s12], $0x1400  }
0x11: {  	[sflag:s12] =	ssyncset.done $0x0  }
0x12: {  	[sflag:s12] =	ssyncadd.s32 $0xFFFFEC00  }
0x13: {  	[tilespmem:s13], [sflag:$0x1] =	stream.linear.gather [hbm4b:s6+s4], $0x1400, $0x38;
	[tilespmem:$0x3000] =	vst v63  }
0x14: {  	_ =	swait.ge [sflag:s12], $0x1400  }
0x15: {  	[sflag:s12] =	ssyncset.done $0x0  }
0x16: {  	[sflag:s12] =	ssyncadd.s32 $0xFFFFEC00  }
0x17: {  	[tilespmem:$0x2800] =	vst v0  }
0x18: {  	[tilespmem:$0x2810] =	vst v0  }
0x19: {  	[tilespmem:$0x2820] =	vst v0  }
0x1a: {  	[tilespmem:$0x2830] =	vst v0  }
0x1b: {  	[tilespmem:$0x2840] =	vst v0  }
0x1c: {  	[tilespmem:$0x2850] =	vst v0  }
0x1d: {  	[tilespmem:$0x2860] =	vst v0  }
0x1e: {  	[tilespmem:$0x2870] =	vst v0  }
0x1f: {  	[tilespmem:$0x2880] =	vst v1  }
0x20: {  	[tilespmem:$0x2890] =	vst v1  }
0x21: {  	[tilespmem:$0x28A0] =	vst v1  }
0x22: {  	[tilespmem:$0x28B0] =	vst v1  }
0x23: {  	[tilespmem:$0x28C0] =	vst v1  }
0x24: {  	[tilespmem:$0x28D0] =	vst v1  }
0x25: {  	[tilespmem:$0x28E0] =	vst v1  }
0x26: {  	[tilespmem:$0x28F0] =	vst v1  }
0x27: {  	[tilespmem:$0x2900] =	vst v1  }
0x28: {  	[tilespmem:$0x2910] =	vst v1  }
0x29: {  	[tilespmem:$0x2920] =	vst v1  }
0x2a: {  	[tilespmem:$0x2930] =	vst v1  }
0x2b: {  	[tilespmem:$0x2940] =	vst v1  }
0x2c: {  	[tilespmem:$0x2950] =	vst v1  }
0x2d: {  	[tilespmem:$0x2960] =	vst v1  }
0x2e: {  	[tilespmem:$0x2970] =	vst v1  }
0x2f: {  	[tilespmem:$0x2980] =	vst v1  }
0x30: {  	[tilespmem:$0x2990] =	vst v1  }
0x31: {  	[tilespmem:$0x29A0] =	vst v1  }
0x32: {  	[tilespmem:$0x29B0] =	vst v1  }
0x33: {  	[tilespmem:$0x29C0] =	vst v1  }
0x34: {  	[tilespmem:$0x29D0] =	vst v1  }
0x35: {  	[tilespmem:$0x29E0] =	vst v1  }
0x36: {  	[tilespmem:$0x29F0] =	vst v1  }
0x37: {  	[tilespmem:$0x2A00] =	vst v1  }
0x38: {  	[tilespmem:$0x2A10] =	vst v1  }
0x39: {  	[tilespmem:$0x2A20] =	vst v1  }
0x3a: {  	[tilespmem:$0x2A30] =	vst v1  }
0x3b: {  	[tilespmem:$0x2A40] =	vst v1  }
0x3c: {  	[tilespmem:$0x2A50] =	vst v1  }
0x3d: {  	[tilespmem:$0x2A60] =	vst v1  }
0x3e: {  	[tilespmem:$0x2A70] =	vst v1  }
0x3f: {  	[tilespmem:$0x2A80] =	vst v1  }
0x40: {  	[tilespmem:$0x2A90] =	vst v1  }
0x41: {  	[tilespmem:$0x2AA0] =	vst v1  }
0x42: {  	[tilespmem:$0x2AB0] =	vst v1  }
0x43: {  	[tilespmem:$0x2AC0] =	vst v1  }
0x44: {  	[tilespmem:$0x2AD0] =	vst v1  }
0x45: {  	[tilespmem:$0x2AE0] =	vst v1  }
0x46: {  	[tilespmem:$0x2AF0] =	vst v1  }
0x47: {  	[spmem:s7] =	stream.linear.scatter [tilespmem:s14], [sflag:$0x1], $0x280, $0x38;
	[tilespmem:$0x3000] =	vst v63  }
0x48: {  	_ =	swait.ge [sflag:s12], $0x280  }
0x49: {  	[sflag:s12] =	ssyncset.done $0x0  }
0x4a: {  	[sflag:s12] =	ssyncadd.s32 $0xFFFFFD80  }
0x4b: {  	[spmem:s8] =	stream.linear.scatter [tilespmem:s14], [sflag:$0x1], $0x280, $0x38;
	[tilespmem:$0x3000] =	vst v63  }
0x4c: {  	_ =	swait.ge [sflag:s12], $0x280  }
0x4d: {  	[sflag:s12] =	ssyncset.done $0x0  }
0x4e: {  	[sflag:s12] =	ssyncadd.s32 $0xFFFFFD80  }
0x4f: {  	s18 =	simm.s32 $0x0;
	[bflag:$0x0] =	sbarrier.arrive $0xFFFF  }
0x50: {  	[spmem:s2] =	stream.indirect.scatter.add.f32 [tilespmem:s16], [sflag:$0x1], $0x1, s18, s15, $0xb8;
	[tilespmem:$0x3000] =	vst v63  }
0x51: {  	_ =	swait.ge [sflag:s12], $0x80  }
0x52: {  	[sflag:s12] =	ssyncset.done $0x0  }
0x53: {  	s31 =	simm.s32 $0x1400;
	[sflag:s12] =	ssyncadd.s32 $0xFFFFFF80  }
0x54: {  	[spmem:s3] =	stream.indirect.scatter.add.f32 [tilespmem:s16], [sflag:$0x1], $0x1, s31, s15, $0xb8;
	[tilespmem:$0x3000] =	vst v63  }
0x55: {  	_ =	swait.ge [sflag:s12], $0x80  }
0x56: {  	s19 =	simm.s32 $0x400;
	s18 =	simm.s32 $0x200;
	[sflag:s12] =	ssyncset.done $0x0  }
.LBB2_2:
0x57: {  	s20 =	sshra.s32 s18, $0x2  }
0x58: {  	[sflag:s12] =	ssyncadd.s32 $0xFFFFFF80;
	s18 =	smov.u32 s19;
	s21 =	sadd.s32 $0x200, s19  }
0x59: {  	[spmem:s2] =	stream.indirect.scatter.add.f32 [tilespmem:s16], [sflag:$0x1], $0x1, s20, s15, $0xb8;
	[tilespmem:$0x3000] =	vst v63  }
0x5a: {  	p0 =	sne.s32 s19, $0x4E00;
	_ =	swait.ge [sflag:s12], $0x80  }
.Ltmp0:
0x5b: {  	[sflag:s12] =	ssyncset.done $0x0;
	(pc) =	sbr.rel @p0 .LBB2_2-.Ltmp0, $4  }
0x5c: {  	s19 =	sadd.s32 $0x1400, s20;
	[sflag:s12] =	ssyncadd.s32 $0xFFFFFF80  }
0x5d: {  	[spmem:s3] =	stream.indirect.scatter.add.f32 [tilespmem:s16], [sflag:$0x1], $0x1, s19, s15, $0xb8;
	[tilespmem:$0x3000] =	vst v63  }
0x5e: {  	_ =	swait.ge [sflag:s12], $0x80  }
0x5f: {  	s19 =	smov.u32 s21;
	[sflag:s12] =	ssyncset.done $0x0  }
0x60: {  	s18 =	sshra.s32 s18, $0x2;
	[sflag:s12] =	ssyncadd.s32 $0xFFFFFF80  }
0x61: {  	[spmem:s2] =	stream.indirect.scatter.add.f32 [tilespmem:s16], [sflag:$0x1], $0x1, s18, s15, $0xb8;
	[tilespmem:$0x3000] =	vst v63  }
0x62: {  	_ =	swait.ge [sflag:s12], $0x80  }
0x63: {  	[sflag:s12] =	ssyncset.done $0x0  }
0x64: {  	s18 =	sadd.s32 $0x1400, s18;
	[sflag:s12] =	ssyncadd.s32 $0xFFFFFF80  }
0x65: {  	[spmem:s3] =	stream.indirect.scatter.add.f32 [tilespmem:s16], [sflag:$0x1], $0x1, s18, s15, $0xb8;
	[tilespmem:$0x3000] =	vst v63  }
0x66: {  	_ =	swait.ge [sflag:s12], $0x80  }
0x67: {  	[sflag:s12] =	ssyncset.done $0x0  }
0x68: {  	[sflag:s12] =	ssyncadd.s32 $0xFFFFFF80  }
0x69: {  	[bflag:$0x0] =	sbarrier.arrive $0xFFFF  }
0x6a: {  	[tilespmem:s14], [sflag:$0x1] =	stream.linear.gather [spmem:s7], $0x280, $0x38;
	[tilespmem:$0x3000] =	vst v63  }
0x6b: {  	_ =	swait.ge [sflag:s12], $0x280  }
0x6c: {  	[sflag:s12] =	ssyncset.done $0x0  }
0x6d: {  	[sflag:s12] =	ssyncadd.s32 $0xFFFFFD80  }
0x6e: {  	[hbm4b:s9+s4] =	stream.linear.scatter [tilespmem:s14], [sflag:$0x1], $0x280, $0x38;
	[tilespmem:$0x3000] =	vst v63  }
0x6f: {  	_ =	swait.ge [sflag:s12], $0x280  }
0x70: {  	[sflag:s12] =	ssyncset.done $0x0  }
0x71: {  	[sflag:s12] =	ssyncadd.s32 $0xFFFFFD80  }
0x72: {  	[tilespmem:s14], [sflag:$0x1] =	stream.linear.gather [spmem:s8], $0x280, $0x38;
	[tilespmem:$0x3000] =	vst v63  }
0x73: {  	s17 =	sadd.s32 $0x1, s17;
	_ =	swait.ge [sflag:s12], $0x280  }
0x74: {  	p0 =	sne.s32 s17, s11;
	[sflag:s12] =	ssyncset.done $0x0  }
.Ltmp1:
0x75: {  	[sflag:s12] =	ssyncadd.s32 $0xFFFFFD80;
	(pc) =	sbr.rel @p0 .LBB2_1-.Ltmp1, $4  }
0x76: {  	[hbm4b:s10+s4] =	stream.linear.scatter [tilespmem:s14], [sflag:$0x1], $0x280, $0x38;
	[tilespmem:$0x3000] =	vst v63  }
0x77: {  	_ =	swait.ge [sflag:s12], $0x280  }
0x78: {  	[sflag:s12] =	ssyncset.done $0x0  }
0x79: {  	[sflag:s12] =	ssyncadd.s32 $0xFFFFFD80  }
0x7a: {  	_ =	sfence.sel $0x180000  }
0x7b: {  	[bflag:$0x0] =	sbarrier.arrive $0xFFFF  }
0x7c: {  	p0 =	sne.s32 s0, $0x0;
	_ =	strace $0x90000047  }
0x7d: {  	s0 =	sadd.s32 @!p0 $0x100000, s1;
	[bflag:$0x2] =	sbarrier.arrive $0xFFFF  }
0x7e: {  	[sflag:s0] =	ssyncadd.tile.s32 @!p0 $0x1;
	_ =	shalt  }
.Lfunc_end2:
_tile_overlayer_lowered:
.L_overlay_start_2:
0x7f: {  	(tag) =	ssettag $0x2  }
0x80: {  	s0 =	rddreg [dreg:$0x0];
	s2 =	stileid.u32  }
0x81: {  	s1 =	rddreg [dreg:$0x1];
	p0 =	sne.s32 s2, $0x0  }
0x82: {  	s3 =	rddreg [dreg:$0x2];
	[bflag:$0x3] =	sbarrier.arrive $0xFFFF;
	s2 =	simm.s32 @!p0 $0x1C01  }
0x83: {  	[timem:s3], [sflag:s2] =	dma.local @!p0 [hbm:s0], s1  }
0x84: {  	s0 =	simm.s32 @!p0 $0x1  }
0x85: {  	_ =	swait.ge @!p0 [sflag:s0], s1  }
0x86: {  	s1 =	ssub.s32 @!p0 $0x0, s1;
	[sflag:s0] =	ssyncset.done @!p0 $0x0  }
0x87: {  	[sflag:s0] =	ssyncadd.s32 @!p0 s1  }
0x88: {  	[bflag:$0x3] =	sbarrier.arrive $0xFFFF  }
0x89: {  	_ =	shalt  }

</sc_bundles>
